<compile_context>
chip_gen: v7x
topology: tpu7x:2x2x1
jax: 0.10.2.dev20260603
libtpu: 0.0.44.dev20260713+nightly
codegen_flags: <defaults>
</compile_context>

<pallas_src>
import dataclasses
import functools

import jax
import jax.numpy as jnp
from jax import lax
from jax.experimental import pallas as pl
from jax.experimental.pallas import tpu as pltpu
from jax.experimental.pallas import tpu_sc as plsc

N = 50000
E = 1600000
NC = 2
NS = 16
NW = NC * NS
EPW = E // NW
CHA = 2000
CHB = 2000
NPAD = 50176
NP2 = 2 * NPAD
BT = 6400
BTC = 6272


def _sc_compiler_params():
    cp = pltpu.CompilerParams()
    if "needs_layout_passes" in pltpu.CompilerParams.__dataclass_fields__:
        cp = dataclasses.replace(cp, needs_layout_passes=False)
    return cp


def _mass_product(node_flat, src, dst):
    mesh = plsc.VectorSubcoreMesh(core_axis_name="c", subcore_axis_name="s")

    @functools.partial(
        pl.kernel,
        out_type=jax.ShapeDtypeStruct((E,), jnp.float32),
        mesh=mesh,
        scratch_types=[
            pltpu.VMEM((N,), jnp.float32),
            pltpu.VMEM((CHA,), jnp.int32),
            pltpu.VMEM((CHA,), jnp.int32),
            pltpu.VMEM((CHA,), jnp.float32),
        ],
        compiler_params=_sc_compiler_params(),
    )
    def run(node_hbm, src_hbm, dst_hbm, mm_hbm, node_v, src_v, dst_v, mm_v):
        wid = lax.axis_index("s") * NC + lax.axis_index("c")
        base0 = wid * EPW
        pltpu.sync_copy(node_hbm, node_v)

        @pl.loop(0, EPW, step=CHA)
        def _(j):
            base = base0 + j
            pltpu.sync_copy(src_hbm.at[pl.ds(base, CHA)], src_v)
            pltpu.sync_copy(dst_hbm.at[pl.ds(base, CHA)], dst_v)

            @pl.loop(0, CHA, step=16)
            def _(g):
                sv = src_v[pl.ds(g, 16)]
                dv = dst_v[pl.ds(g, 16)]
                ms = plsc.load_gather(node_v, [sv])
                md = plsc.load_gather(node_v, [dv])
                mm_v[pl.ds(g, 16)] = ms * md

            pltpu.sync_copy(mm_v, mm_hbm.at[pl.ds(base, CHA)])

    return run(node_flat, src, dst)


CHD = 2000


def _deint(ea, start, count):
    cnt = count // NW
    mesh = plsc.VectorSubcoreMesh(core_axis_name="c", subcore_axis_name="s")

    @functools.partial(
        pl.kernel,
        out_type=[jax.ShapeDtypeStruct((count,), jnp.float32),
                  jax.ShapeDtypeStruct((count,), jnp.float32)],
        mesh=mesh,
        scratch_types=[
            pltpu.VMEM((CHD,), jnp.float32),
            pltpu.VMEM((CHD,), jnp.float32),
        ],
        compiler_params=_sc_compiler_params(),
    )
    def run(ea_hbm, xs_hbm, ys_hbm, xs_v, ys_v):
        wid = lax.axis_index("s") * NC + lax.axis_index("c")
        base0 = wid * cnt

        @pl.loop(0, cnt, step=CHD)
        def _(j):
            base = base0 + j
            pltpu.sync_copy(ea_hbm.at[pl.ds(base + start, CHD), 0], xs_v)
            pltpu.sync_copy(ea_hbm.at[pl.ds(base + start, CHD), 1], ys_v)
            pltpu.sync_copy(xs_v, xs_hbm.at[pl.ds(base, CHD)])
            pltpu.sync_copy(ys_v, ys_hbm.at[pl.ds(base, CHD)])

    return run(ea)


GC = 2000
NB = E // (8 * GC)


def _mlp_body(x_ref, y_ref, w1b_ref, b1_ref, w2t_ref, b2_ref, w3t_ref, b3_ref,
              fx_ref, fy_ref):
    x8 = x_ref[0]
    y8 = y_ref[0]
    r2 = x8 * x8 + y8 * y8 + 1e-12
    logr = 0.5 * jnp.log(r2)
    theta = jnp.arctan2(y8, x8)
    s16 = jnp.concatenate([logr, theta], axis=0).astype(jnp.bfloat16)
    h1 = jnp.tanh(
        jnp.dot(w1b_ref[...], s16, preferred_element_type=jnp.float32)
        + b1_ref[...])
    h1b = h1.astype(jnp.bfloat16)
    lrs, ths = [], []
    for r in range(8):
        h2r = jnp.tanh(
            jnp.dot(w2t_ref[...], h1b[128 * r:128 * (r + 1)],
                    preferred_element_type=jnp.float32)
            + b2_ref[...])
        fr = (jnp.dot(w3t_ref[...], h2r, preferred_element_type=jnp.float32)
              + b3_ref[...])
        lrs.append(fr[0:1])
        ths.append(fr[1:2])
    lr8 = jnp.concatenate(lrs, axis=0)
    th8 = jnp.concatenate(ths, axis=0)
    rad = jnp.exp(lr8)
    fx_ref[0] = rad * jnp.cos(th8)
    fy_ref[0] = rad * jnp.sin(th8)


def _edge_mlp(xs3, ys3, w1big, b1big, w2tb, b2c, w3t, b3c):
    nb = xs3.shape[0]
    grid = (nb,)
    full = lambda shape: pl.BlockSpec(shape, lambda i: tuple(0 for _ in shape))
    return pl.pallas_call(
        _mlp_body,
        grid=grid,
        in_specs=[
            pl.BlockSpec((1, 8, GC), lambda i: (i, 0, 0)),
            pl.BlockSpec((1, 8, GC), lambda i: (i, 0, 0)),
            full((1024, 16)),
            full((1024, 1)),
            full((128, 128)),
            full((128, 1)),
            full((2, 128)),
            full((2, 1)),
        ],
        out_specs=[
            pl.BlockSpec((1, 8, GC), lambda i: (i, 0, 0)),
            pl.BlockSpec((1, 8, GC), lambda i: (i, 0, 0)),
        ],
        out_shape=[
            jax.ShapeDtypeStruct((nb, 8, GC), jnp.float32),
            jax.ShapeDtypeStruct((nb, 8, GC), jnp.float32),
        ],
    )(xs3, ys3, w1big, b1big, w2tb, b2c, w3t, b3c)


def _scatter_partials(dst, mm, fx, fy, zeros, start, count):
    cnt = count // NW
    mesh = plsc.VectorSubcoreMesh(core_axis_name="c", subcore_axis_name="s")

    @functools.partial(
        pl.kernel,
        out_type=jax.ShapeDtypeStruct((NW, NP2), jnp.float32),
        mesh=mesh,
        scratch_types=[
            pltpu.VMEM((NP2,), jnp.float32),
            pltpu.VMEM((CHB,), jnp.int32),
            pltpu.VMEM((CHB,), jnp.float32),
            pltpu.VMEM((CHB,), jnp.float32),
            pltpu.VMEM((CHB,), jnp.float32),
        ],
        compiler_params=_sc_compiler_params(),
    )
    def run(dst_hbm, mm_hbm, fx_hbm, fy_hbm, zero_hbm, out_hbm,
            acc_v, dst_v, mm_v, fx_v, fy_v):
        wid = lax.axis_index("s") * NC + lax.axis_index("c")
        base0 = wid * cnt
        pltpu.sync_copy(zero_hbm, acc_v)

        @pl.loop(0, cnt, step=CHB)
        def _(j):
            base = base0 + j
            pltpu.sync_copy(dst_hbm.at[pl.ds(base + start, CHB)], dst_v)
            pltpu.sync_copy(mm_hbm.at[pl.ds(base + start, CHB)], mm_v)
            pltpu.sync_copy(fx_hbm.at[pl.ds(base, CHB)], fx_v)
            pltpu.sync_copy(fy_hbm.at[pl.ds(base, CHB)], fy_v)

            @pl.loop(0, CHB, step=16)
            def _(g):
                d = dst_v[pl.ds(g, 16)]
                m = mm_v[pl.ds(g, 16)]
                vx = fx_v[pl.ds(g, 16)] * m
                vy = fy_v[pl.ds(g, 16)] * m
                plsc.addupdate_scatter(acc_v, [d], vx)
                plsc.addupdate_scatter(acc_v, [d + NPAD], vy)

        pltpu.sync_copy(acc_v, out_hbm.at[wid])

    return run(dst, mm, fx, fy, zeros)


CHUNK_SIZES = (448000, 384000, 384000, 384000)


def _reduce_partials(ps):
    n = len(ps)

    def body(*refs):
        o_ref = refs[-1]
        acc = jnp.sum(refs[0][...], axis=0, keepdims=True)
        for r in refs[1:-1]:
            acc = acc + jnp.sum(r[...], axis=0, keepdims=True)
        o_ref[...] = acc

    grid = (NP2 // BTC,)
    return pl.pallas_call(
        body,
        grid=grid,
        in_specs=[pl.BlockSpec((NW, BTC), lambda i: (0, i))] * n,
        out_specs=pl.BlockSpec((1, BTC), lambda i: (0, i)),
        out_shape=jax.ShapeDtypeStruct((1, NP2), jnp.float32),
    )(*ps)


def kernel(node_attr, edge_index, edge_attr, W1, b1, W2, b2, W3, b3):
    node_flat = node_attr.reshape(N)
    w1t = W1.T
    eye8 = jnp.eye(8, dtype=jnp.float32)
    w1big = jnp.concatenate(
        [jnp.kron(eye8, w1t[:, 0:1]), jnp.kron(eye8, w1t[:, 1:2])],
        axis=1).astype(jnp.bfloat16)
    b1big = jnp.tile(b1, 8).reshape(1024, 1)
    w2tb = W2.T.astype(jnp.bfloat16)
    b2c = b2.reshape(128, 1)
    w3t = W3.T
    b3c = b3.reshape(2, 1)
    zeros = jnp.zeros((NP2,), jnp.float32)

    src = edge_index[0]
    dst = edge_index[1]
    mm = _mass_product(node_flat, src, dst)
    partials = []
    start = 0
    for cs in CHUNK_SIZES:
        nb = cs // (8 * GC)
        xs = edge_attr[start:start + cs, 0].reshape(nb, 8, GC)
        ys = edge_attr[start:start + cs, 1].reshape(nb, 8, GC)
        fx, fy = _edge_mlp(xs, ys, w1big, b1big, w2tb, b2c, w3t, b3c)
        partials.append(_scatter_partials(dst, mm, fx.reshape(cs),
                                          fy.reshape(cs), zeros, start, cs))
        start += cs
    red = _reduce_partials(partials)
    out = jnp.stack([red[0, :N], red[0, NPAD:NPAD + N]], axis=1)
    return out

# --- scband reference (transcript-rebuilt; emitter-appended) ---
"""Pipeline reference for scband-physics-interaction-network-43258910605842 (READ-ONLY COPY).

The authoritative reference and input builder live on the scoring server;
editing this copy changes nothing except your own understanding.
"""

import jax, jax.numpy as jnp
import numpy as np


def _cartesian_to_spherical_log(e):
    # 2D cartesian -> (log radius, angle)
    r = jnp.sqrt(jnp.sum(e * e, axis=-1) + 1e-12)
    theta = jnp.arctan2(e[:, 1], e[:, 0])
    return jnp.stack([jnp.log(r), theta], axis=-1)


def _spherical_log_to_cartesian(s):
    r = jnp.exp(s[:, 0])
    return jnp.stack([r * jnp.cos(s[:, 1]), r * jnp.sin(s[:, 1])], axis=-1)


def setup_inputs(seed: int = 0) -> dict:
    key = jax.random.key(seed)
    ks = jax.random.split(key, 10)
    N, E = 50000, 1600000
    node_attr = jax.random.uniform(ks[0], (N, 1), dtype=jnp.float32)  # positive masses
    edge_index = jax.random.randint(ks[1], (2, E), 0, N, dtype=jnp.int32)
    edge_attr = jax.random.normal(ks[2], (E, 2), dtype=jnp.float32)
    # edge_mlp: Linear(2,128) -> Tanh -> Linear(128,128) -> Tanh -> Linear(128,2)
    W1 = jax.random.normal(ks[3], (2, 128), dtype=jnp.float32) / np.sqrt(2.0)
    b1 = jnp.zeros((128,), dtype=jnp.float32)
    W2 = jax.random.normal(ks[4], (128, 128), dtype=jnp.float32) / np.sqrt(128.0)
    b2 = jnp.zeros((128,), dtype=jnp.float32)
    W3 = jax.random.normal(ks[5], (128, 2), dtype=jnp.float32) / np.sqrt(128.0)
    b3 = jnp.zeros((2,), dtype=jnp.float32)
    return {"node_attr": node_attr, "edge_index": edge_index, "edge_attr": edge_attr,
            "W1": W1, "b1": b1, "W2": W2, "b2": b2, "W3": W3, "b3": b3}


def reference(node_attr, edge_index, edge_attr, W1, b1, W2, b2, W3, b3):
    spherical_edge_attr = _cartesian_to_spherical_log(edge_attr)
    h = jnp.tanh(spherical_edge_attr @ W1 + b1)
    h = jnp.tanh(h @ W2 + b2)
    spherical_base_force = h @ W3 + b3
    base_force_per_edge = _spherical_log_to_cartesian(spherical_base_force)
    sender_mass = node_attr[edge_index[0]]      # [E, 1] gather
    receiver_mass = node_attr[edge_index[1]]    # [E, 1] gather
    final_force_per_edge = base_force_per_edge * sender_mass * receiver_mass
    net_force_per_node = jnp.zeros((node_attr.shape[0], 2), dtype=final_force_per_edge.dtype)
    net_force_per_node = net_force_per_node.at[edge_index[1]].add(final_force_per_edge)
    return net_force_per_node

if __name__ == "__main__":
    import jax
    _d = setup_inputs()
    print(jax.jit(kernel)(*tuple(_d.values())))

</pallas_src>

<mosaic_0001>
#map = affine_map<(d0, d1) -> (0)>
module attributes {stable_mosaic.version = 14 : i64} {
  func.func @run(%arg0: i32, %arg1: i32, %arg2: memref<50000xf32, #tpu.memory_space<hbm>>, %arg3: memref<1600000xi32, #tpu.memory_space<hbm>>, %arg4: memref<1600000xi32, #tpu.memory_space<hbm>>, %arg5: memref<1600000xf32, #tpu.memory_space<hbm>>, %arg6: memref<50000xf32, #tpu.memory_space<vmem>>, %arg7: memref<2000xi32, #tpu.memory_space<vmem>>, %arg8: memref<2000xi32, #tpu.memory_space<vmem>>, %arg9: memref<2000xf32, #tpu.memory_space<vmem>>) attributes {dimension_semantics = [#tpu.dimension_semantics<core_parallel>, #tpu.dimension_semantics<subcore_parallel>], iteration_bounds = array<i64: 2, 16>, scalar_prefetch = 0 : i64, scratch_operands = 4 : i64, tpu.core_type = #tpu.core_type<sc_vector_subcore>, window_params = [{transform_indices = #map}, {transform_indices = #map}, {transform_indices = #map}, {transform_indices = #map}]} {
    %mul3A = arith.constant 2 : i32
    %mul3A_0 = arith.muli %arg1, %mul3A : i32
    %add3A = arith.addi %mul3A_0, %arg0 : i32
    %mul3A_1 = arith.constant 50000 : i32
    %mul3A_2 = arith.muli %add3A, %mul3A_1 : i32
    "tpu.region"() ({
      %run_scoped3A = tpu.sem_alloc : memref<!tpu.dma_semaphore, #tpu.memory_space<semaphore_mem>>
      tpu.enqueue_dma source(%arg2 : memref<50000xf32, #tpu.memory_space<hbm>>) target(%arg6 : memref<50000xf32, #tpu.memory_space<vmem>>) target_semaphore(%run_scoped3A : memref<!tpu.dma_semaphore, #tpu.memory_space<semaphore_mem>>)
      tpu.wait_dma2 semaphore(%run_scoped3A : memref<!tpu.dma_semaphore, #tpu.memory_space<semaphore_mem>>) src(%arg2 : memref<50000xf32, #tpu.memory_space<hbm>>) dst(%arg6 : memref<50000xf32, #tpu.memory_space<vmem>>)
      tpu.yield
    }) : () -> ()
    %scan3A = arith.constant 0 : i32
    %scan3A_3 = arith.constant 25 : i32
    %scan3A_4 = arith.addi %scan3A, %scan3A_3 : i32
    %scan3A_5 = arith.constant 1 : i32
    scf.for %scan3A_7 = %scan3A to %scan3A_4 step %scan3A_5  : i32 {
      %mul3A_8 = arith.constant 2000 : i32
      %mul3A_9 = arith.muli %scan3A_7, %mul3A_8 : i32
      %add3A_10 = arith.constant 0 : i32
      %add3A_11 = arith.addi %add3A_10, %mul3A_9 : i32
      %add3A_12 = arith.addi %mul3A_2, %add3A_11 : i32
      "tpu.region"() ({
        %run_scoped3A = tpu.sem_alloc : memref<!tpu.dma_semaphore, #tpu.memory_space<semaphore_mem>>
        %dma_start3A = tpu.memref_slice %arg3[%add3A_12] : memref<1600000xi32, #tpu.memory_space<hbm>> -> memref<2000xi32, #tpu.memory_space<hbm>>
        %dma_start3A_18 = tpu.memref_slice %arg3[%add3A_12] : memref<1600000xi32, #tpu.memory_space<hbm>> -> memref<2000xi32, #tpu.memory_space<hbm>>
        tpu.enqueue_dma source(%dma_start3A_18 : memref<2000xi32, #tpu.memory_space<hbm>>) target(%arg7 : memref<2000xi32, #tpu.memory_space<vmem>>) target_semaphore(%run_scoped3A : memref<!tpu.dma_semaphore, #tpu.memory_space<semaphore_mem>>)
        %dma_wait3A = tpu.memref_slice %arg3[%add3A_12] : memref<1600000xi32, #tpu.memory_space<hbm>> -> memref<2000xi32, #tpu.memory_space<hbm>>
        %dma_wait3A_19 = tpu.memref_slice %arg3[%add3A_12] : memref<1600000xi32, #tpu.memory_space<hbm>> -> memref<2000xi32, #tpu.memory_space<hbm>>
        tpu.wait_dma2 semaphore(%run_scoped3A : memref<!tpu.dma_semaphore, #tpu.memory_space<semaphore_mem>>) src(%dma_wait3A_19 : memref<2000xi32, #tpu.memory_space<hbm>>) dst(%arg7 : memref<2000xi32, #tpu.memory_space<vmem>>)
        tpu.yield
      }) : () -> ()
      "tpu.region"() ({
        %run_scoped3A = tpu.sem_alloc : memref<!tpu.dma_semaphore, #tpu.memory_space<semaphore_mem>>
        %dma_start3A = tpu.memref_slice %arg4[%add3A_12] : memref<1600000xi32, #tpu.memory_space<hbm>> -> memref<2000xi32, #tpu.memory_space<hbm>>
        %dma_start3A_18 = tpu.memref_slice %arg4[%add3A_12] : memref<1600000xi32, #tpu.memory_space<hbm>> -> memref<2000xi32, #tpu.memory_space<hbm>>
        tpu.enqueue_dma source(%dma_start3A_18 : memref<2000xi32, #tpu.memory_space<hbm>>) target(%arg8 : memref<2000xi32, #tpu.memory_space<vmem>>) target_semaphore(%run_scoped3A : memref<!tpu.dma_semaphore, #tpu.memory_space<semaphore_mem>>)
        %dma_wait3A = tpu.memref_slice %arg4[%add3A_12] : memref<1600000xi32, #tpu.memory_space<hbm>> -> memref<2000xi32, #tpu.memory_space<hbm>>
        %dma_wait3A_19 = tpu.memref_slice %arg4[%add3A_12] : memref<1600000xi32, #tpu.memory_space<hbm>> -> memref<2000xi32, #tpu.memory_space<hbm>>
        tpu.wait_dma2 semaphore(%run_scoped3A : memref<!tpu.dma_semaphore, #tpu.memory_space<semaphore_mem>>) src(%dma_wait3A_19 : memref<2000xi32, #tpu.memory_space<hbm>>) dst(%arg8 : memref<2000xi32, #tpu.memory_space<vmem>>)
        tpu.yield
      }) : () -> ()
      %scan3A_13 = arith.constant 0 : i32
      %scan3A_14 = arith.constant 125 : i32
      %scan3A_15 = arith.addi %scan3A_13, %scan3A_14 : i32
      %scan3A_16 = arith.constant 1 : i32
      scf.for %scan3A_18 = %scan3A_13 to %scan3A_15 step %scan3A_16  : i32 {
        %mul3A_19 = arith.constant 16 : i32
        %mul3A_20 = arith.muli %scan3A_18, %mul3A_19 : i32
        %add3A_21 = arith.constant 0 : i32
        %add3A_22 = arith.addi %add3A_21, %mul3A_20 : i32
        %get3A = arith.index_cast %add3A_22 : i32 to index
        %get3A_23 = tpu.vector_load %arg7[%get3A] {strides = array<i32>} : memref<2000xi32, #tpu.memory_space<vmem>>, vector<16xi32>,
        %get3A_24 = arith.index_cast %add3A_22 : i32 to index
        %get3A_25 = tpu.vector_load %arg8[%get3A_24] {strides = array<i32>} : memref<2000xi32, #tpu.memory_space<vmem>>, vector<16xi32>,
        %gather3A = tpu.vector_load_idx %arg6[%get3A_23] : memref<50000xf32, #tpu.memory_space<vmem>>[vector<16xi32>], vector<16xf32>,
        %gather3A_26 = tpu.vector_load_idx %arg6[%get3A_25] : memref<50000xf32, #tpu.memory_space<vmem>>[vector<16xi32>], vector<16xf32>,
        %mul3A_27 = arith.mulf %gather3A, %gather3A_26 : vector<16xf32>
        %swap3A = arith.index_cast %add3A_22 : i32 to index
        %swap3A_28 = tpu.vector_load %arg9[%swap3A] {strides = array<i32>} : memref<2000xf32, #tpu.memory_space<vmem>>, vector<16xf32>,
        tpu.vector_store %arg9[%swap3A], %mul3A_27 {strides = array<i32>} : memref<2000xf32, #tpu.memory_space<vmem>>, vector<16xf32>,
      }
      %scan3A_17 = arith.constant 125 : i32
      "tpu.region"() ({
        %run_scoped3A = tpu.sem_alloc : memref<!tpu.dma_semaphore, #tpu.memory_space<semaphore_mem>>
        %dma_start3A = tpu.memref_slice %arg5[%add3A_12] : memref<1600000xf32, #tpu.memory_space<hbm>> -> memref<2000xf32, #tpu.memory_space<hbm>>
        %dma_start3A_18 = tpu.memref_slice %arg5[%add3A_12] : memref<1600000xf32, #tpu.memory_space<hbm>> -> memref<2000xf32, #tpu.memory_space<hbm>>
        tpu.enqueue_dma source(%arg9 : memref<2000xf32, #tpu.memory_space<vmem>>) target(%dma_start3A_18 : memref<2000xf32, #tpu.memory_space<hbm>>) target_semaphore(%run_scoped3A : memref<!tpu.dma_semaphore, #tpu.memory_space<semaphore_mem>>)
        %dma_wait3A = tpu.memref_slice %arg5[%add3A_12] : memref<1600000xf32, #tpu.memory_space<hbm>> -> memref<2000xf32, #tpu.memory_space<hbm>>
        %dma_wait3A_19 = tpu.memref_slice %arg5[%add3A_12] : memref<1600000xf32, #tpu.memory_space<hbm>> -> memref<2000xf32, #tpu.memory_space<hbm>>
        tpu.wait_dma2 semaphore(%run_scoped3A : memref<!tpu.dma_semaphore, #tpu.memory_space<semaphore_mem>>) src(%arg9 : memref<2000xf32, #tpu.memory_space<vmem>>) dst(%dma_wait3A_19 : memref<2000xf32, #tpu.memory_space<hbm>>)
        tpu.yield
      }) : () -> ()
    }
    %scan3A_6 = arith.constant 25 : i32
    return
  }
}

#map = affine_map<(d0, d1) -> (0)>
#map1 = affine_map<(d0, d1) -> (0, 0)>
module attributes {stable_mosaic.version = 14 : i64} {
  func.func @run(%arg0: i32, %arg1: i32, %arg2: memref<1600000xi32, #tpu.memory_space<hbm>>, %arg3: memref<1600000xf32, #tpu.memory_space<hbm>>, %arg4: memref<384000xf32, #tpu.memory_space<hbm>>, %arg5: memref<384000xf32, #tpu.memory_space<hbm>>, %arg6: memref<100352xf32, #tpu.memory_space<hbm>>, %arg7: memref<32x100352xf32, #tpu.memory_space<hbm>>, %arg8: memref<100352xf32, #tpu.memory_space<vmem>>, %arg9: memref<2000xi32, #tpu.memory_space<vmem>>, %arg10: memref<2000xf32, #tpu.memory_space<vmem>>, %arg11: memref<2000xf32, #tpu.memory_space<vmem>>, %arg12: memref<2000xf32, #tpu.memory_space<vmem>>) attributes {dimension_semantics = [#tpu.dimension_semantics<core_parallel>, #tpu.dimension_semantics<subcore_parallel>], iteration_bounds = array<i64: 2, 16>, scalar_prefetch = 0 : i64, scratch_operands = 5 : i64, tpu.core_type = #tpu.core_type<sc_vector_subcore>, window_params = [{transform_indices = #map}, {transform_indices = #map}, {transform_indices = #map}, {transform_indices = #map}, {transform_indices = #map}, {transform_indices = #map1}]} {
    %mul3A = arith.constant 2 : i32
    %mul3A_0 = arith.muli %arg1, %mul3A : i32
    %add3A = arith.addi %mul3A_0, %arg0 : i32
    %mul3A_1 = arith.constant 12000 : i32
    %mul3A_2 = arith.muli %add3A, %mul3A_1 : i32
    "tpu.region"() ({
      %run_scoped3A = tpu.sem_alloc : memref<!tpu.dma_semaphore, #tpu.memory_space<semaphore_mem>>
      tpu.enqueue_dma source(%arg6 : memref<100352xf32, #tpu.memory_space<hbm>>) target(%arg8 : memref<100352xf32, #tpu.memory_space<vmem>>) target_semaphore(%run_scoped3A : memref<!tpu.dma_semaphore, #tpu.memory_space<semaphore_mem>>)
      tpu.wait_dma2 semaphore(%run_scoped3A : memref<!tpu.dma_semaphore, #tpu.memory_space<semaphore_mem>>) src(%arg6 : memref<100352xf32, #tpu.memory_space<hbm>>) dst(%arg8 : memref<100352xf32, #tpu.memory_space<vmem>>)
      tpu.yield
    }) : () -> ()
    %scan3A = arith.constant 0 : i32
    %scan3A_3 = arith.constant 6 : i32
    %scan3A_4 = arith.addi %scan3A, %scan3A_3 : i32
    %scan3A_5 = arith.constant 1 : i32
    scf.for %scan3A_7 = %scan3A to %scan3A_4 step %scan3A_5  : i32 {
      %mul3A_8 = arith.constant 2000 : i32
      %mul3A_9 = arith.muli %scan3A_7, %mul3A_8 : i32
      %add3A_10 = arith.constant 0 : i32
      %add3A_11 = arith.addi %add3A_10, %mul3A_9 : i32
      %add3A_12 = arith.addi %mul3A_2, %add3A_11 : i32
      %add3A_13 = arith.constant 832000 : i32
      %add3A_14 = arith.addi %add3A_12, %add3A_13 : i32
      "tpu.region"() ({
        %run_scoped3A = tpu.sem_alloc : memref<!tpu.dma_semaphore, #tpu.memory_space<semaphore_mem>>
        %dma_start3A = tpu.memref_slice %arg2[%add3A_14] : memref<1600000xi32, #tpu.memory_space<hbm>> -> memref<2000xi32, #tpu.memory_space<hbm>>
        %dma_start3A_22 = tpu.memref_slice %arg2[%add3A_14] : memref<1600000xi32, #tpu.memory_space<hbm>> -> memref<2000xi32, #tpu.memory_space<hbm>>
        tpu.enqueue_dma source(%dma_start3A_22 : memref<2000xi32, #tpu.memory_space<hbm>>) target(%arg9 : memref<2000xi32, #tpu.memory_space<vmem>>) target_semaphore(%run_scoped3A : memref<!tpu.dma_semaphore, #tpu.memory_space<semaphore_mem>>)
        %dma_wait3A = tpu.memref_slice %arg2[%add3A_14] : memref<1600000xi32, #tpu.memory_space<hbm>> -> memref<2000xi32, #tpu.memory_space<hbm>>
        %dma_wait3A_23 = tpu.memref_slice %arg2[%add3A_14] : memref<1600000xi32, #tpu.memory_space<hbm>> -> memref<2000xi32, #tpu.memory_space<hbm>>
        tpu.wait_dma2 semaphore(%run_scoped3A : memref<!tpu.dma_semaphore, #tpu.memory_space<semaphore_mem>>) src(%dma_wait3A_23 : memref<2000xi32, #tpu.memory_space<hbm>>) dst(%arg9 : memref<2000xi32, #tpu.memory_space<vmem>>)
        tpu.yield
      }) : () -> ()
      %add3A_15 = arith.constant 832000 : i32
      %add3A_16 = arith.addi %add3A_12, %add3A_15 : i32
      "tpu.region"() ({
        %run_scoped3A = tpu.sem_alloc : memref<!tpu.dma_semaphore, #tpu.memory_space<semaphore_mem>>
        %dma_start3A = tpu.memref_slice %arg3[%add3A_16] : memref<1600000xf32, #tpu.memory_space<hbm>> -> memref<2000xf32, #tpu.memory_space<hbm>>
        %dma_start3A_22 = tpu.memref_slice %arg3[%add3A_16] : memref<1600000xf32, #tpu.memory_space<hbm>> -> memref<2000xf32, #tpu.memory_space<hbm>>
        tpu.enqueue_dma source(%dma_start3A_22 : memref<2000xf32, #tpu.memory_space<hbm>>) target(%arg10 : memref<2000xf32, #tpu.memory_space<vmem>>) target_semaphore(%run_scoped3A : memref<!tpu.dma_semaphore, #tpu.memory_space<semaphore_mem>>)
        %dma_wait3A = tpu.memref_slice %arg3[%add3A_16] : memref<1600000xf32, #tpu.memory_space<hbm>> -> memref<2000xf32, #tpu.memory_space<hbm>>
        %dma_wait3A_23 = tpu.memref_slice %arg3[%add3A_16] : memref<1600000xf32, #tpu.memory_space<hbm>> -> memref<2000xf32, #tpu.memory_space<hbm>>
        tpu.wait_dma2 semaphore(%run_scoped3A : memref<!tpu.dma_semaphore, #tpu.memory_space<semaphore_mem>>) src(%dma_wait3A_23 : memref<2000xf32, #tpu.memory_space<hbm>>) dst(%arg10 : memref<2000xf32, #tpu.memory_space<vmem>>)
        tpu.yield
      }) : () -> ()
      "tpu.region"() ({
        %run_scoped3A = tpu.sem_alloc : memref<!tpu.dma_semaphore, #tpu.memory_space<semaphore_mem>>
        %dma_start3A = tpu.memref_slice %arg4[%add3A_12] : memref<384000xf32, #tpu.memory_space<hbm>> -> memref<2000xf32, #tpu.memory_space<hbm>>
        %dma_start3A_22 = tpu.memref_slice %arg4[%add3A_12] : memref<384000xf32, #tpu.memory_space<hbm>> -> memref<2000xf32, #tpu.memory_space<hbm>>
        tpu.enqueue_dma source(%dma_start3A_22 : memref<2000xf32, #tpu.memory_space<hbm>>) target(%arg11 : memref<2000xf32, #tpu.memory_space<vmem>>) target_semaphore(%run_scoped3A : memref<!tpu.dma_semaphore, #tpu.memory_space<semaphore_mem>>)
        %dma_wait3A = tpu.memref_slice %arg4[%add3A_12] : memref<384000xf32, #tpu.memory_space<hbm>> -> memref<2000xf32, #tpu.memory_space<hbm>>
        %dma_wait3A_23 = tpu.memref_slice %arg4[%add3A_12] : memref<384000xf32, #tpu.memory_space<hbm>> -> memref<2000xf32, #tpu.memory_space<hbm>>
        tpu.wait_dma2 semaphore(%run_scoped3A : memref<!tpu.dma_semaphore, #tpu.memory_space<semaphore_mem>>) src(%dma_wait3A_23 : memref<2000xf32, #tpu.memory_space<hbm>>) dst(%arg11 : memref<2000xf32, #tpu.memory_space<vmem>>)
        tpu.yield
      }) : () -> ()
      "tpu.region"() ({
        %run_scoped3A = tpu.sem_alloc : memref<!tpu.dma_semaphore, #tpu.memory_space<semaphore_mem>>
        %dma_start3A = tpu.memref_slice %arg5[%add3A_12] : memref<384000xf32, #tpu.memory_space<hbm>> -> memref<2000xf32, #tpu.memory_space<hbm>>
        %dma_start3A_22 = tpu.memref_slice %arg5[%add3A_12] : memref<384000xf32, #tpu.memory_space<hbm>> -> memref<2000xf32, #tpu.memory_space<hbm>>
        tpu.enqueue_dma source(%dma_start3A_22 : memref<2000xf32, #tpu.memory_space<hbm>>) target(%arg12 : memref<2000xf32, #tpu.memory_space<vmem>>) target_semaphore(%run_scoped3A : memref<!tpu.dma_semaphore, #tpu.memory_space<semaphore_mem>>)
        %dma_wait3A = tpu.memref_slice %arg5[%add3A_12] : memref<384000xf32, #tpu.memory_space<hbm>> -> memref<2000xf32, #tpu.memory_space<hbm>>
        %dma_wait3A_23 = tpu.memref_slice %arg5[%add3A_12] : memref<384000xf32, #tpu.memory_space<hbm>> -> memref<2000xf32, #tpu.memory_space<hbm>>
        tpu.wait_dma2 semaphore(%run_scoped3A : memref<!tpu.dma_semaphore, #tpu.memory_space<semaphore_mem>>) src(%dma_wait3A_23 : memref<2000xf32, #tpu.memory_space<hbm>>) dst(%arg12 : memref<2000xf32, #tpu.memory_space<vmem>>)
        tpu.yield
      }) : () -> ()
      %scan3A_17 = arith.constant 0 : i32
      %scan3A_18 = arith.constant 125 : i32
      %scan3A_19 = arith.addi %scan3A_17, %scan3A_18 : i32
      %scan3A_20 = arith.constant 1 : i32
      scf.for %scan3A_22 = %scan3A_17 to %scan3A_19 step %scan3A_20  : i32 {
        %mul3A_23 = arith.constant 16 : i32
        %mul3A_24 = arith.muli %scan3A_22, %mul3A_23 : i32
        %add3A_25 = arith.constant 0 : i32
        %add3A_26 = arith.addi %add3A_25, %mul3A_24 : i32
        %get3A = arith.index_cast %add3A_26 : i32 to index
        %get3A_27 = tpu.vector_load %arg9[%get3A] {strides = array<i32>} : memref<2000xi32, #tpu.memory_space<vmem>>, vector<16xi32>,
        %get3A_28 = arith.index_cast %add3A_26 : i32 to index
        %get3A_29 = tpu.vector_load %arg10[%get3A_28] {strides = array<i32>} : memref<2000xf32, #tpu.memory_space<vmem>>, vector<16xf32>,
        %get3A_30 = arith.index_cast %add3A_26 : i32 to index
        %get3A_31 = tpu.vector_load %arg11[%get3A_30] {strides = array<i32>} : memref<2000xf32, #tpu.memory_space<vmem>>, vector<16xf32>,
        %mul3A_32 = arith.mulf %get3A_31, %get3A_29 : vector<16xf32>
        %get3A_33 = arith.index_cast %add3A_26 : i32 to index
        %get3A_34 = tpu.vector_load %arg12[%get3A_33] {strides = array<i32>} : memref<2000xf32, #tpu.memory_space<vmem>>, vector<16xf32>,
        %mul3A_35 = arith.mulf %get3A_34, %get3A_29 : vector<16xf32>
        tpu.vector_store_idx %arg8[%get3A_27], %mul3A_32 {add = true} : memref<100352xf32, #tpu.memory_space<vmem>>[vector<16xi32>], vector<16xf32>,
        %add3A_36 = arith.constant 50176 : i32
        %add3A_37 = vector.broadcast %add3A_36 : i32 to vector<16xi32>
        %add3A_38 = arith.addi %get3A_27, %add3A_37 : vector<16xi32>
        tpu.vector_store_idx %arg8[%add3A_38], %mul3A_35 {add = true} : memref<100352xf32, #tpu.memory_space<vmem>>[vector<16xi32>], vector<16xf32>,
      }
      %scan3A_21 = arith.constant 125 : i32
    }
    %scan3A_6 = arith.constant 6 : i32
    "tpu.region"() ({
      %run_scoped3A = tpu.sem_alloc : memref<!tpu.dma_semaphore, #tpu.memory_space<semaphore_mem>>
      %dma_start3A = arith.constant 0 : i32
      %dma_start3A_7 = tpu.memref_slice %arg7[%add3A, %dma_start3A] : memref<32x100352xf32, #tpu.memory_space<hbm>> -> memref<1x100352xf32, #tpu.memory_space<hbm>>
      %dma_start3A_8 = tpu.memref_squeeze %dma_start3A_7 : memref<1x100352xf32, #tpu.memory_space<hbm>> -> memref<100352xf32, #tpu.memory_space<hbm>>
      %dma_start3A_9 = arith.constant 0 : i32
      %dma_start3A_10 = tpu.memref_slice %arg7[%add3A, %dma_start3A_9] : memref<32x100352xf32, #tpu.memory_space<hbm>> -> memref<1x100352xf32, #tpu.memory_space<hbm>>
      %dma_start3A_11 = tpu.memref_squeeze %dma_start3A_10 : memref<1x100352xf32, #tpu.memory_space<hbm>> -> memref<100352xf32, #tpu.memory_space<hbm>>
      tpu.enqueue_dma source(%arg8 : memref<100352xf32, #tpu.memory_space<vmem>>) target(%dma_start3A_11 : memref<100352xf32, #tpu.memory_space<hbm>>) target_semaphore(%run_scoped3A : memref<!tpu.dma_semaphore, #tpu.memory_space<semaphore_mem>>)
      %dma_wait3A = arith.constant 0 : i32
      %dma_wait3A_12 = tpu.memref_slice %arg7[%add3A, %dma_wait3A] : memref<32x100352xf32, #tpu.memory_space<hbm>> -> memref<1x100352xf32, #tpu.memory_space<hbm>>
      %dma_wait3A_13 = tpu.memref_squeeze %dma_wait3A_12 : memref<1x100352xf32, #tpu.memory_space<hbm>> -> memref<100352xf32, #tpu.memory_space<hbm>>
      %dma_wait3A_14 = arith.constant 0 : i32
      %dma_wait3A_15 = tpu.memref_slice %arg7[%add3A, %dma_wait3A_14] : memref<32x100352xf32, #tpu.memory_space<hbm>> -> memref<1x100352xf32, #tpu.memory_space<hbm>>
      %dma_wait3A_16 = tpu.memref_squeeze %dma_wait3A_15 : memref<1x100352xf32, #tpu.memory_space<hbm>> -> memref<100352xf32, #tpu.memory_space<hbm>>
      tpu.wait_dma2 semaphore(%run_scoped3A : memref<!tpu.dma_semaphore, #tpu.memory_space<semaphore_mem>>) src(%arg8 : memref<100352xf32, #tpu.memory_space<vmem>>) dst(%dma_wait3A_16 : memref<100352xf32, #tpu.memory_space<hbm>>)
      tpu.yield
    }) : () -> ()
    return
  }
}

#map = affine_map<(d0, d1) -> (0)>
#map1 = affine_map<(d0, d1) -> (0, 0)>
module attributes {stable_mosaic.version = 14 : i64} {
  func.func @run(%arg0: i32, %arg1: i32, %arg2: memref<1600000xi32, #tpu.memory_space<hbm>>, %arg3: memref<1600000xf32, #tpu.memory_space<hbm>>, %arg4: memref<448000xf32, #tpu.memory_space<hbm>>, %arg5: memref<448000xf32, #tpu.memory_space<hbm>>, %arg6: memref<100352xf32, #tpu.memory_space<hbm>>, %arg7: memref<32x100352xf32, #tpu.memory_space<hbm>>, %arg8: memref<100352xf32, #tpu.memory_space<vmem>>, %arg9: memref<2000xi32, #tpu.memory_space<vmem>>, %arg10: memref<2000xf32, #tpu.memory_space<vmem>>, %arg11: memref<2000xf32, #tpu.memory_space<vmem>>, %arg12: memref<2000xf32, #tpu.memory_space<vmem>>) attributes {dimension_semantics = [#tpu.dimension_semantics<core_parallel>, #tpu.dimension_semantics<subcore_parallel>], iteration_bounds = array<i64: 2, 16>, scalar_prefetch = 0 : i64, scratch_operands = 5 : i64, tpu.core_type = #tpu.core_type<sc_vector_subcore>, window_params = [{transform_indices = #map}, {transform_indices = #map}, {transform_indices = #map}, {transform_indices = #map}, {transform_indices = #map}, {transform_indices = #map1}]} {
    %mul3A = arith.constant 2 : i32
    %mul3A_0 = arith.muli %arg1, %mul3A : i32
    %add3A = arith.addi %mul3A_0, %arg0 : i32
    %mul3A_1 = arith.constant 14000 : i32
    %mul3A_2 = arith.muli %add3A, %mul3A_1 : i32
    "tpu.region"() ({
      %run_scoped3A = tpu.sem_alloc : memref<!tpu.dma_semaphore, #tpu.memory_space<semaphore_mem>>
      tpu.enqueue_dma source(%arg6 : memref<100352xf32, #tpu.memory_space<hbm>>) target(%arg8 : memref<100352xf32, #tpu.memory_space<vmem>>) target_semaphore(%run_scoped3A : memref<!tpu.dma_semaphore, #tpu.memory_space<semaphore_mem>>)
      tpu.wait_dma2 semaphore(%run_scoped3A : memref<!tpu.dma_semaphore, #tpu.memory_space<semaphore_mem>>) src(%arg6 : memref<100352xf32, #tpu.memory_space<hbm>>) dst(%arg8 : memref<100352xf32, #tpu.memory_space<vmem>>)
      tpu.yield
    }) : () -> ()
    %scan3A = arith.constant 0 : i32
    %scan3A_3 = arith.constant 7 : i32
    %scan3A_4 = arith.addi %scan3A, %scan3A_3 : i32
    %scan3A_5 = arith.constant 1 : i32
    scf.for %scan3A_7 = %scan3A to %scan3A_4 step %scan3A_5  : i32 {
      %mul3A_8 = arith.constant 2000 : i32
      %mul3A_9 = arith.muli %scan3A_7, %mul3A_8 : i32
      %add3A_10 = arith.constant 0 : i32
      %add3A_11 = arith.addi %add3A_10, %mul3A_9 : i32
      %add3A_12 = arith.addi %mul3A_2, %add3A_11 : i32
      %add3A_13 = arith.constant 0 : i32
      %add3A_14 = arith.addi %add3A_12, %add3A_13 : i32
      "tpu.region"() ({
        %run_scoped3A = tpu.sem_alloc : memref<!tpu.dma_semaphore, #tpu.memory_space<semaphore_mem>>
        %dma_start3A = tpu.memref_slice %arg2[%add3A_14] : memref<1600000xi32, #tpu.memory_space<hbm>> -> memref<2000xi32, #tpu.memory_space<hbm>>
        %dma_start3A_22 = tpu.memref_slice %arg2[%add3A_14] : memref<1600000xi32, #tpu.memory_space<hbm>> -> memref<2000xi32, #tpu.memory_space<hbm>>
        tpu.enqueue_dma source(%dma_start3A_22 : memref<2000xi32, #tpu.memory_space<hbm>>) target(%arg9 : memref<2000xi32, #tpu.memory_space<vmem>>) target_semaphore(%run_scoped3A : memref<!tpu.dma_semaphore, #tpu.memory_space<semaphore_mem>>)
        %dma_wait3A = tpu.memref_slice %arg2[%add3A_14] : memref<1600000xi32, #tpu.memory_space<hbm>> -> memref<2000xi32, #tpu.memory_space<hbm>>
        %dma_wait3A_23 = tpu.memref_slice %arg2[%add3A_14] : memref<1600000xi32, #tpu.memory_space<hbm>> -> memref<2000xi32, #tpu.memory_space<hbm>>
        tpu.wait_dma2 semaphore(%run_scoped3A : memref<!tpu.dma_semaphore, #tpu.memory_space<semaphore_mem>>) src(%dma_wait3A_23 : memref<2000xi32, #tpu.memory_space<hbm>>) dst(%arg9 : memref<2000xi32, #tpu.memory_space<vmem>>)
        tpu.yield
      }) : () -> ()
      %add3A_15 = arith.constant 0 : i32
      %add3A_16 = arith.addi %add3A_12, %add3A_15 : i32
      "tpu.region"() ({
        %run_scoped3A = tpu.sem_alloc : memref<!tpu.dma_semaphore, #tpu.memory_space<semaphore_mem>>
        %dma_start3A = tpu.memref_slice %arg3[%add3A_16] : memref<1600000xf32, #tpu.memory_space<hbm>> -> memref<2000xf32, #tpu.memory_space<hbm>>
        %dma_start3A_22 = tpu.memref_slice %arg3[%add3A_16] : memref<1600000xf32, #tpu.memory_space<hbm>> -> memref<2000xf32, #tpu.memory_space<hbm>>
        tpu.enqueue_dma source(%dma_start3A_22 : memref<2000xf32, #tpu.memory_space<hbm>>) target(%arg10 : memref<2000xf32, #tpu.memory_space<vmem>>) target_semaphore(%run_scoped3A : memref<!tpu.dma_semaphore, #tpu.memory_space<semaphore_mem>>)
        %dma_wait3A = tpu.memref_slice %arg3[%add3A_16] : memref<1600000xf32, #tpu.memory_space<hbm>> -> memref<2000xf32, #tpu.memory_space<hbm>>
        %dma_wait3A_23 = tpu.memref_slice %arg3[%add3A_16] : memref<1600000xf32, #tpu.memory_space<hbm>> -> memref<2000xf32, #tpu.memory_space<hbm>>
        tpu.wait_dma2 semaphore(%run_scoped3A : memref<!tpu.dma_semaphore, #tpu.memory_space<semaphore_mem>>) src(%dma_wait3A_23 : memref<2000xf32, #tpu.memory_space<hbm>>) dst(%arg10 : memref<2000xf32, #tpu.memory_space<vmem>>)
        tpu.yield
      }) : () -> ()
      "tpu.region"() ({
        %run_scoped3A = tpu.sem_alloc : memref<!tpu.dma_semaphore, #tpu.memory_space<semaphore_mem>>
        %dma_start3A = tpu.memref_slice %arg4[%add3A_12] : memref<448000xf32, #tpu.memory_space<hbm>> -> memref<2000xf32, #tpu.memory_space<hbm>>
        %dma_start3A_22 = tpu.memref_slice %arg4[%add3A_12] : memref<448000xf32, #tpu.memory_space<hbm>> -> memref<2000xf32, #tpu.memory_space<hbm>>
        tpu.enqueue_dma source(%dma_start3A_22 : memref<2000xf32, #tpu.memory_space<hbm>>) target(%arg11 : memref<2000xf32, #tpu.memory_space<vmem>>) target_semaphore(%run_scoped3A : memref<!tpu.dma_semaphore, #tpu.memory_space<semaphore_mem>>)
        %dma_wait3A = tpu.memref_slice %arg4[%add3A_12] : memref<448000xf32, #tpu.memory_space<hbm>> -> memref<2000xf32, #tpu.memory_space<hbm>>
        %dma_wait3A_23 = tpu.memref_slice %arg4[%add3A_12] : memref<448000xf32, #tpu.memory_space<hbm>> -> memref<2000xf32, #tpu.memory_space<hbm>>
        tpu.wait_dma2 semaphore(%run_scoped3A : memref<!tpu.dma_semaphore, #tpu.memory_space<semaphore_mem>>) src(%dma_wait3A_23 : memref<2000xf32, #tpu.memory_space<hbm>>) dst(%arg11 : memref<2000xf32, #tpu.memory_space<vmem>>)
        tpu.yield
      }) : () -> ()
      "tpu.region"() ({
        %run_scoped3A = tpu.sem_alloc : memref<!tpu.dma_semaphore, #tpu.memory_space<semaphore_mem>>
        %dma_start3A = tpu.memref_slice %arg5[%add3A_12] : memref<448000xf32, #tpu.memory_space<hbm>> -> memref<2000xf32, #tpu.memory_space<hbm>>
        %dma_start3A_22 = tpu.memref_slice %arg5[%add3A_12] : memref<448000xf32, #tpu.memory_space<hbm>> -> memref<2000xf32, #tpu.memory_space<hbm>>
        tpu.enqueue_dma source(%dma_start3A_22 : memref<2000xf32, #tpu.memory_space<hbm>>) target(%arg12 : memref<2000xf32, #tpu.memory_space<vmem>>) target_semaphore(%run_scoped3A : memref<!tpu.dma_semaphore, #tpu.memory_space<semaphore_mem>>)
        %dma_wait3A = tpu.memref_slice %arg5[%add3A_12] : memref<448000xf32, #tpu.memory_space<hbm>> -> memref<2000xf32, #tpu.memory_space<hbm>>
        %dma_wait3A_23 = tpu.memref_slice %arg5[%add3A_12] : memref<448000xf32, #tpu.memory_space<hbm>> -> memref<2000xf32, #tpu.memory_space<hbm>>
        tpu.wait_dma2 semaphore(%run_scoped3A : memref<!tpu.dma_semaphore, #tpu.memory_space<semaphore_mem>>) src(%dma_wait3A_23 : memref<2000xf32, #tpu.memory_space<hbm>>) dst(%arg12 : memref<2000xf32, #tpu.memory_space<vmem>>)
        tpu.yield
      }) : () -> ()
      %scan3A_17 = arith.constant 0 : i32
      %scan3A_18 = arith.constant 125 : i32
      %scan3A_19 = arith.addi %scan3A_17, %scan3A_18 : i32
      %scan3A_20 = arith.constant 1 : i32
      scf.for %scan3A_22 = %scan3A_17 to %scan3A_19 step %scan3A_20  : i32 {
        %mul3A_23 = arith.constant 16 : i32
        %mul3A_24 = arith.muli %scan3A_22, %mul3A_23 : i32
        %add3A_25 = arith.constant 0 : i32
        %add3A_26 = arith.addi %add3A_25, %mul3A_24 : i32
        %get3A = arith.index_cast %add3A_26 : i32 to index
        %get3A_27 = tpu.vector_load %arg9[%get3A] {strides = array<i32>} : memref<2000xi32, #tpu.memory_space<vmem>>, vector<16xi32>,
        %get3A_28 = arith.index_cast %add3A_26 : i32 to index
        %get3A_29 = tpu.vector_load %arg10[%get3A_28] {strides = array<i32>} : memref<2000xf32, #tpu.memory_space<vmem>>, vector<16xf32>,
        %get3A_30 = arith.index_cast %add3A_26 : i32 to index
        %get3A_31 = tpu.vector_load %arg11[%get3A_30] {strides = array<i32>} : memref<2000xf32, #tpu.memory_space<vmem>>, vector<16xf32>,
        %mul3A_32 = arith.mulf %get3A_31, %get3A_29 : vector<16xf32>
        %get3A_33 = arith.index_cast %add3A_26 : i32 to index
        %get3A_34 = tpu.vector_load %arg12[%get3A_33] {strides = array<i32>} : memref<2000xf32, #tpu.memory_space<vmem>>, vector<16xf32>,
        %mul3A_35 = arith.mulf %get3A_34, %get3A_29 : vector<16xf32>
        tpu.vector_store_idx %arg8[%get3A_27], %mul3A_32 {add = true} : memref<100352xf32, #tpu.memory_space<vmem>>[vector<16xi32>], vector<16xf32>,
        %add3A_36 = arith.constant 50176 : i32
        %add3A_37 = vector.broadcast %add3A_36 : i32 to vector<16xi32>
        %add3A_38 = arith.addi %get3A_27, %add3A_37 : vector<16xi32>
        tpu.vector_store_idx %arg8[%add3A_38], %mul3A_35 {add = true} : memref<100352xf32, #tpu.memory_space<vmem>>[vector<16xi32>], vector<16xf32>,
      }
      %scan3A_21 = arith.constant 125 : i32
    }
    %scan3A_6 = arith.constant 7 : i32
    "tpu.region"() ({
      %run_scoped3A = tpu.sem_alloc : memref<!tpu.dma_semaphore, #tpu.memory_space<semaphore_mem>>
      %dma_start3A = arith.constant 0 : i32
      %dma_start3A_7 = tpu.memref_slice %arg7[%add3A, %dma_start3A] : memref<32x100352xf32, #tpu.memory_space<hbm>> -> memref<1x100352xf32, #tpu.memory_space<hbm>>
      %dma_start3A_8 = tpu.memref_squeeze %dma_start3A_7 : memref<1x100352xf32, #tpu.memory_space<hbm>> -> memref<100352xf32, #tpu.memory_space<hbm>>
      %dma_start3A_9 = arith.constant 0 : i32
      %dma_start3A_10 = tpu.memref_slice %arg7[%add3A, %dma_start3A_9] : memref<32x100352xf32, #tpu.memory_space<hbm>> -> memref<1x100352xf32, #tpu.memory_space<hbm>>
      %dma_start3A_11 = tpu.memref_squeeze %dma_start3A_10 : memref<1x100352xf32, #tpu.memory_space<hbm>> -> memref<100352xf32, #tpu.memory_space<hbm>>
      tpu.enqueue_dma source(%arg8 : memref<100352xf32, #tpu.memory_space<vmem>>) target(%dma_start3A_11 : memref<100352xf32, #tpu.memory_space<hbm>>) target_semaphore(%run_scoped3A : memref<!tpu.dma_semaphore, #tpu.memory_space<semaphore_mem>>)
      %dma_wait3A = arith.constant 0 : i32
      %dma_wait3A_12 = tpu.memref_slice %arg7[%add3A, %dma_wait3A] : memref<32x100352xf32, #tpu.memory_space<hbm>> -> memref<1x100352xf32, #tpu.memory_space<hbm>>
      %dma_wait3A_13 = tpu.memref_squeeze %dma_wait3A_12 : memref<1x100352xf32, #tpu.memory_space<hbm>> -> memref<100352xf32, #tpu.memory_space<hbm>>
      %dma_wait3A_14 = arith.constant 0 : i32
      %dma_wait3A_15 = tpu.memref_slice %arg7[%add3A, %dma_wait3A_14] : memref<32x100352xf32, #tpu.memory_space<hbm>> -> memref<1x100352xf32, #tpu.memory_space<hbm>>
      %dma_wait3A_16 = tpu.memref_squeeze %dma_wait3A_15 : memref<1x100352xf32, #tpu.memory_space<hbm>> -> memref<100352xf32, #tpu.memory_space<hbm>>
      tpu.wait_dma2 semaphore(%run_scoped3A : memref<!tpu.dma_semaphore, #tpu.memory_space<semaphore_mem>>) src(%arg8 : memref<100352xf32, #tpu.memory_space<vmem>>) dst(%dma_wait3A_16 : memref<100352xf32, #tpu.memory_space<hbm>>)
      tpu.yield
    }) : () -> ()
    return
  }
}

#map = affine_map<(d0, d1) -> (0)>
#map1 = affine_map<(d0, d1) -> (0, 0)>
module attributes {stable_mosaic.version = 14 : i64} {
  func.func @run(%arg0: i32, %arg1: i32, %arg2: memref<1600000xi32, #tpu.memory_space<hbm>>, %arg3: memref<1600000xf32, #tpu.memory_space<hbm>>, %arg4: memref<384000xf32, #tpu.memory_space<hbm>>, %arg5: memref<384000xf32, #tpu.memory_space<hbm>>, %arg6: memref<100352xf32, #tpu.memory_space<hbm>>, %arg7: memref<32x100352xf32, #tpu.memory_space<hbm>>, %arg8: memref<100352xf32, #tpu.memory_space<vmem>>, %arg9: memref<2000xi32, #tpu.memory_space<vmem>>, %arg10: memref<2000xf32, #tpu.memory_space<vmem>>, %arg11: memref<2000xf32, #tpu.memory_space<vmem>>, %arg12: memref<2000xf32, #tpu.memory_space<vmem>>) attributes {dimension_semantics = [#tpu.dimension_semantics<core_parallel>, #tpu.dimension_semantics<subcore_parallel>], iteration_bounds = array<i64: 2, 16>, scalar_prefetch = 0 : i64, scratch_operands = 5 : i64, tpu.core_type = #tpu.core_type<sc_vector_subcore>, window_params = [{transform_indices = #map}, {transform_indices = #map}, {transform_indices = #map}, {transform_indices = #map}, {transform_indices = #map}, {transform_indices = #map1}]} {
    %mul3A = arith.constant 2 : i32
    %mul3A_0 = arith.muli %arg1, %mul3A : i32
    %add3A = arith.addi %mul3A_0, %arg0 : i32
    %mul3A_1 = arith.constant 12000 : i32
    %mul3A_2 = arith.muli %add3A, %mul3A_1 : i32
    "tpu.region"() ({
      %run_scoped3A = tpu.sem_alloc : memref<!tpu.dma_semaphore, #tpu.memory_space<semaphore_mem>>
      tpu.enqueue_dma source(%arg6 : memref<100352xf32, #tpu.memory_space<hbm>>) target(%arg8 : memref<100352xf32, #tpu.memory_space<vmem>>) target_semaphore(%run_scoped3A : memref<!tpu.dma_semaphore, #tpu.memory_space<semaphore_mem>>)
      tpu.wait_dma2 semaphore(%run_scoped3A : memref<!tpu.dma_semaphore, #tpu.memory_space<semaphore_mem>>) src(%arg6 : memref<100352xf32, #tpu.memory_space<hbm>>) dst(%arg8 : memref<100352xf32, #tpu.memory_space<vmem>>)
      tpu.yield
    }) : () -> ()
    %scan3A = arith.constant 0 : i32
    %scan3A_3 = arith.constant 6 : i32
    %scan3A_4 = arith.addi %scan3A, %scan3A_3 : i32
    %scan3A_5 = arith.constant 1 : i32
    scf.for %scan3A_7 = %scan3A to %scan3A_4 step %scan3A_5  : i32 {
      %mul3A_8 = arith.constant 2000 : i32
      %mul3A_9 = arith.muli %scan3A_7, %mul3A_8 : i32
      %add3A_10 = arith.constant 0 : i32
      %add3A_11 = arith.addi %add3A_10, %mul3A_9 : i32
      %add3A_12 = arith.addi %mul3A_2, %add3A_11 : i32
      %add3A_13 = arith.constant 448000 : i32
      %add3A_14 = arith.addi %add3A_12, %add3A_13 : i32
      "tpu.region"() ({
        %run_scoped3A = tpu.sem_alloc : memref<!tpu.dma_semaphore, #tpu.memory_space<semaphore_mem>>
        %dma_start3A = tpu.memref_slice %arg2[%add3A_14] : memref<1600000xi32, #tpu.memory_space<hbm>> -> memref<2000xi32, #tpu.memory_space<hbm>>
        %dma_start3A_22 = tpu.memref_slice %arg2[%add3A_14] : memref<1600000xi32, #tpu.memory_space<hbm>> -> memref<2000xi32, #tpu.memory_space<hbm>>
        tpu.enqueue_dma source(%dma_start3A_22 : memref<2000xi32, #tpu.memory_space<hbm>>) target(%arg9 : memref<2000xi32, #tpu.memory_space<vmem>>) target_semaphore(%run_scoped3A : memref<!tpu.dma_semaphore, #tpu.memory_space<semaphore_mem>>)
        %dma_wait3A = tpu.memref_slice %arg2[%add3A_14] : memref<1600000xi32, #tpu.memory_space<hbm>> -> memref<2000xi32, #tpu.memory_space<hbm>>
        %dma_wait3A_23 = tpu.memref_slice %arg2[%add3A_14] : memref<1600000xi32, #tpu.memory_space<hbm>> -> memref<2000xi32, #tpu.memory_space<hbm>>
        tpu.wait_dma2 semaphore(%run_scoped3A : memref<!tpu.dma_semaphore, #tpu.memory_space<semaphore_mem>>) src(%dma_wait3A_23 : memref<2000xi32, #tpu.memory_space<hbm>>) dst(%arg9 : memref<2000xi32, #tpu.memory_space<vmem>>)
        tpu.yield
      }) : () -> ()
      %add3A_15 = arith.constant 448000 : i32
      %add3A_16 = arith.addi %add3A_12, %add3A_15 : i32
      "tpu.region"() ({
        %run_scoped3A = tpu.sem_alloc : memref<!tpu.dma_semaphore, #tpu.memory_space<semaphore_mem>>
        %dma_start3A = tpu.memref_slice %arg3[%add3A_16] : memref<1600000xf32, #tpu.memory_space<hbm>> -> memref<2000xf32, #tpu.memory_space<hbm>>
        %dma_start3A_22 = tpu.memref_slice %arg3[%add3A_16] : memref<1600000xf32, #tpu.memory_space<hbm>> -> memref<2000xf32, #tpu.memory_space<hbm>>
        tpu.enqueue_dma source(%dma_start3A_22 : memref<2000xf32, #tpu.memory_space<hbm>>) target(%arg10 : memref<2000xf32, #tpu.memory_space<vmem>>) target_semaphore(%run_scoped3A : memref<!tpu.dma_semaphore, #tpu.memory_space<semaphore_mem>>)
        %dma_wait3A = tpu.memref_slice %arg3[%add3A_16] : memref<1600000xf32, #tpu.memory_space<hbm>> -> memref<2000xf32, #tpu.memory_space<hbm>>
        %dma_wait3A_23 = tpu.memref_slice %arg3[%add3A_16] : memref<1600000xf32, #tpu.memory_space<hbm>> -> memref<2000xf32, #tpu.memory_space<hbm>>
        tpu.wait_dma2 semaphore(%run_scoped3A : memref<!tpu.dma_semaphore, #tpu.memory_space<semaphore_mem>>) src(%dma_wait3A_23 : memref<2000xf32, #tpu.memory_space<hbm>>) dst(%arg10 : memref<2000xf32, #tpu.memory_space<vmem>>)
        tpu.yield
      }) : () -> ()
      "tpu.region"() ({
        %run_scoped3A = tpu.sem_alloc : memref<!tpu.dma_semaphore, #tpu.memory_space<semaphore_mem>>
        %dma_start3A = tpu.memref_slice %arg4[%add3A_12] : memref<384000xf32, #tpu.memory_space<hbm>> -> memref<2000xf32, #tpu.memory_space<hbm>>
        %dma_start3A_22 = tpu.memref_slice %arg4[%add3A_12] : memref<384000xf32, #tpu.memory_space<hbm>> -> memref<2000xf32, #tpu.memory_space<hbm>>
        tpu.enqueue_dma source(%dma_start3A_22 : memref<2000xf32, #tpu.memory_space<hbm>>) target(%arg11 : memref<2000xf32, #tpu.memory_space<vmem>>) target_semaphore(%run_scoped3A : memref<!tpu.dma_semaphore, #tpu.memory_space<semaphore_mem>>)
        %dma_wait3A = tpu.memref_slice %arg4[%add3A_12] : memref<384000xf32, #tpu.memory_space<hbm>> -> memref<2000xf32, #tpu.memory_space<hbm>>
        %dma_wait3A_23 = tpu.memref_slice %arg4[%add3A_12] : memref<384000xf32, #tpu.memory_space<hbm>> -> memref<2000xf32, #tpu.memory_space<hbm>>
        tpu.wait_dma2 semaphore(%run_scoped3A : memref<!tpu.dma_semaphore, #tpu.memory_space<semaphore_mem>>) src(%dma_wait3A_23 : memref<2000xf32, #tpu.memory_space<hbm>>) dst(%arg11 : memref<2000xf32, #tpu.memory_space<vmem>>)
        tpu.yield
      }) : () -> ()
      "tpu.region"() ({
        %run_scoped3A = tpu.sem_alloc : memref<!tpu.dma_semaphore, #tpu.memory_space<semaphore_mem>>
        %dma_start3A = tpu.memref_slice %arg5[%add3A_12] : memref<384000xf32, #tpu.memory_space<hbm>> -> memref<2000xf32, #tpu.memory_space<hbm>>
        %dma_start3A_22 = tpu.memref_slice %arg5[%add3A_12] : memref<384000xf32, #tpu.memory_space<hbm>> -> memref<2000xf32, #tpu.memory_space<hbm>>
        tpu.enqueue_dma source(%dma_start3A_22 : memref<2000xf32, #tpu.memory_space<hbm>>) target(%arg12 : memref<2000xf32, #tpu.memory_space<vmem>>) target_semaphore(%run_scoped3A : memref<!tpu.dma_semaphore, #tpu.memory_space<semaphore_mem>>)
        %dma_wait3A = tpu.memref_slice %arg5[%add3A_12] : memref<384000xf32, #tpu.memory_space<hbm>> -> memref<2000xf32, #tpu.memory_space<hbm>>
        %dma_wait3A_23 = tpu.memref_slice %arg5[%add3A_12] : memref<384000xf32, #tpu.memory_space<hbm>> -> memref<2000xf32, #tpu.memory_space<hbm>>
        tpu.wait_dma2 semaphore(%run_scoped3A : memref<!tpu.dma_semaphore, #tpu.memory_space<semaphore_mem>>) src(%dma_wait3A_23 : memref<2000xf32, #tpu.memory_space<hbm>>) dst(%arg12 : memref<2000xf32, #tpu.memory_space<vmem>>)
        tpu.yield
      }) : () -> ()
      %scan3A_17 = arith.constant 0 : i32
      %scan3A_18 = arith.constant 125 : i32
      %scan3A_19 = arith.addi %scan3A_17, %scan3A_18 : i32
      %scan3A_20 = arith.constant 1 : i32
      scf.for %scan3A_22 = %scan3A_17 to %scan3A_19 step %scan3A_20  : i32 {
        %mul3A_23 = arith.constant 16 : i32
        %mul3A_24 = arith.muli %scan3A_22, %mul3A_23 : i32
        %add3A_25 = arith.constant 0 : i32
        %add3A_26 = arith.addi %add3A_25, %mul3A_24 : i32
        %get3A = arith.index_cast %add3A_26 : i32 to index
        %get3A_27 = tpu.vector_load %arg9[%get3A] {strides = array<i32>} : memref<2000xi32, #tpu.memory_space<vmem>>, vector<16xi32>,
        %get3A_28 = arith.index_cast %add3A_26 : i32 to index
        %get3A_29 = tpu.vector_load %arg10[%get3A_28] {strides = array<i32>} : memref<2000xf32, #tpu.memory_space<vmem>>, vector<16xf32>,
        %get3A_30 = arith.index_cast %add3A_26 : i32 to index
        %get3A_31 = tpu.vector_load %arg11[%get3A_30] {strides = array<i32>} : memref<2000xf32, #tpu.memory_space<vmem>>, vector<16xf32>,
        %mul3A_32 = arith.mulf %get3A_31, %get3A_29 : vector<16xf32>
        %get3A_33 = arith.index_cast %add3A_26 : i32 to index
        %get3A_34 = tpu.vector_load %arg12[%get3A_33] {strides = array<i32>} : memref<2000xf32, #tpu.memory_space<vmem>>, vector<16xf32>,
        %mul3A_35 = arith.mulf %get3A_34, %get3A_29 : vector<16xf32>
        tpu.vector_store_idx %arg8[%get3A_27], %mul3A_32 {add = true} : memref<100352xf32, #tpu.memory_space<vmem>>[vector<16xi32>], vector<16xf32>,
        %add3A_36 = arith.constant 50176 : i32
        %add3A_37 = vector.broadcast %add3A_36 : i32 to vector<16xi32>
        %add3A_38 = arith.addi %get3A_27, %add3A_37 : vector<16xi32>
        tpu.vector_store_idx %arg8[%add3A_38], %mul3A_35 {add = true} : memref<100352xf32, #tpu.memory_space<vmem>>[vector<16xi32>], vector<16xf32>,
      }
      %scan3A_21 = arith.constant 125 : i32
    }
    %scan3A_6 = arith.constant 6 : i32
    "tpu.region"() ({
      %run_scoped3A = tpu.sem_alloc : memref<!tpu.dma_semaphore, #tpu.memory_space<semaphore_mem>>
      %dma_start3A = arith.constant 0 : i32
      %dma_start3A_7 = tpu.memref_slice %arg7[%add3A, %dma_start3A] : memref<32x100352xf32, #tpu.memory_space<hbm>> -> memref<1x100352xf32, #tpu.memory_space<hbm>>
      %dma_start3A_8 = tpu.memref_squeeze %dma_start3A_7 : memref<1x100352xf32, #tpu.memory_space<hbm>> -> memref<100352xf32, #tpu.memory_space<hbm>>
      %dma_start3A_9 = arith.constant 0 : i32
      %dma_start3A_10 = tpu.memref_slice %arg7[%add3A, %dma_start3A_9] : memref<32x100352xf32, #tpu.memory_space<hbm>> -> memref<1x100352xf32, #tpu.memory_space<hbm>>
      %dma_start3A_11 = tpu.memref_squeeze %dma_start3A_10 : memref<1x100352xf32, #tpu.memory_space<hbm>> -> memref<100352xf32, #tpu.memory_space<hbm>>
      tpu.enqueue_dma source(%arg8 : memref<100352xf32, #tpu.memory_space<vmem>>) target(%dma_start3A_11 : memref<100352xf32, #tpu.memory_space<hbm>>) target_semaphore(%run_scoped3A : memref<!tpu.dma_semaphore, #tpu.memory_space<semaphore_mem>>)
      %dma_wait3A = arith.constant 0 : i32
      %dma_wait3A_12 = tpu.memref_slice %arg7[%add3A, %dma_wait3A] : memref<32x100352xf32, #tpu.memory_space<hbm>> -> memref<1x100352xf32, #tpu.memory_space<hbm>>
      %dma_wait3A_13 = tpu.memref_squeeze %dma_wait3A_12 : memref<1x100352xf32, #tpu.memory_space<hbm>> -> memref<100352xf32, #tpu.memory_space<hbm>>
      %dma_wait3A_14 = arith.constant 0 : i32
      %dma_wait3A_15 = tpu.memref_slice %arg7[%add3A, %dma_wait3A_14] : memref<32x100352xf32, #tpu.memory_space<hbm>> -> memref<1x100352xf32, #tpu.memory_space<hbm>>
      %dma_wait3A_16 = tpu.memref_squeeze %dma_wait3A_15 : memref<1x100352xf32, #tpu.memory_space<hbm>> -> memref<100352xf32, #tpu.memory_space<hbm>>
      tpu.wait_dma2 semaphore(%run_scoped3A : memref<!tpu.dma_semaphore, #tpu.memory_space<semaphore_mem>>) src(%arg8 : memref<100352xf32, #tpu.memory_space<vmem>>) dst(%dma_wait3A_16 : memref<100352xf32, #tpu.memory_space<hbm>>)
      tpu.yield
    }) : () -> ()
    return
  }
}

#map = affine_map<(d0, d1) -> (0)>
#map1 = affine_map<(d0, d1) -> (0, 0)>
module attributes {stable_mosaic.version = 14 : i64} {
  func.func @run(%arg0: i32, %arg1: i32, %arg2: memref<1600000xi32, #tpu.memory_space<hbm>>, %arg3: memref<1600000xf32, #tpu.memory_space<hbm>>, %arg4: memref<384000xf32, #tpu.memory_space<hbm>>, %arg5: memref<384000xf32, #tpu.memory_space<hbm>>, %arg6: memref<100352xf32, #tpu.memory_space<hbm>>, %arg7: memref<32x100352xf32, #tpu.memory_space<hbm>>, %arg8: memref<100352xf32, #tpu.memory_space<vmem>>, %arg9: memref<2000xi32, #tpu.memory_space<vmem>>, %arg10: memref<2000xf32, #tpu.memory_space<vmem>>, %arg11: memref<2000xf32, #tpu.memory_space<vmem>>, %arg12: memref<2000xf32, #tpu.memory_space<vmem>>) attributes {dimension_semantics = [#tpu.dimension_semantics<core_parallel>, #tpu.dimension_semantics<subcore_parallel>], iteration_bounds = array<i64: 2, 16>, scalar_prefetch = 0 : i64, scratch_operands = 5 : i64, tpu.core_type = #tpu.core_type<sc_vector_subcore>, window_params = [{transform_indices = #map}, {transform_indices = #map}, {transform_indices = #map}, {transform_indices = #map}, {transform_indices = #map}, {transform_indices = #map1}]} {
    %mul3A = arith.constant 2 : i32
    %mul3A_0 = arith.muli %arg1, %mul3A : i32
    %add3A = arith.addi %mul3A_0, %arg0 : i32
    %mul3A_1 = arith.constant 12000 : i32
    %mul3A_2 = arith.muli %add3A, %mul3A_1 : i32
    "tpu.region"() ({
      %run_scoped3A = tpu.sem_alloc : memref<!tpu.dma_semaphore, #tpu.memory_space<semaphore_mem>>
      tpu.enqueue_dma source(%arg6 : memref<100352xf32, #tpu.memory_space<hbm>>) target(%arg8 : memref<100352xf32, #tpu.memory_space<vmem>>) target_semaphore(%run_scoped3A : memref<!tpu.dma_semaphore, #tpu.memory_space<semaphore_mem>>)
      tpu.wait_dma2 semaphore(%run_scoped3A : memref<!tpu.dma_semaphore, #tpu.memory_space<semaphore_mem>>) src(%arg6 : memref<100352xf32, #tpu.memory_space<hbm>>) dst(%arg8 : memref<100352xf32, #tpu.memory_space<vmem>>)
      tpu.yield
    }) : () -> ()
    %scan3A = arith.constant 0 : i32
    %scan3A_3 = arith.constant 6 : i32
    %scan3A_4 = arith.addi %scan3A, %scan3A_3 : i32
    %scan3A_5 = arith.constant 1 : i32
    scf.for %scan3A_7 = %scan3A to %scan3A_4 step %scan3A_5  : i32 {
      %mul3A_8 = arith.constant 2000 : i32
      %mul3A_9 = arith.muli %scan3A_7, %mul3A_8 : i32
      %add3A_10 = arith.constant 0 : i32
      %add3A_11 = arith.addi %add3A_10, %mul3A_9 : i32
      %add3A_12 = arith.addi %mul3A_2, %add3A_11 : i32
      %add3A_13 = arith.constant 1216000 : i32
      %add3A_14 = arith.addi %add3A_12, %add3A_13 : i32
      "tpu.region"() ({
        %run_scoped3A = tpu.sem_alloc : memref<!tpu.dma_semaphore, #tpu.memory_space<semaphore_mem>>
        %dma_start3A = tpu.memref_slice %arg2[%add3A_14] : memref<1600000xi32, #tpu.memory_space<hbm>> -> memref<2000xi32, #tpu.memory_space<hbm>>
        %dma_start3A_22 = tpu.memref_slice %arg2[%add3A_14] : memref<1600000xi32, #tpu.memory_space<hbm>> -> memref<2000xi32, #tpu.memory_space<hbm>>
        tpu.enqueue_dma source(%dma_start3A_22 : memref<2000xi32, #tpu.memory_space<hbm>>) target(%arg9 : memref<2000xi32, #tpu.memory_space<vmem>>) target_semaphore(%run_scoped3A : memref<!tpu.dma_semaphore, #tpu.memory_space<semaphore_mem>>)
        %dma_wait3A = tpu.memref_slice %arg2[%add3A_14] : memref<1600000xi32, #tpu.memory_space<hbm>> -> memref<2000xi32, #tpu.memory_space<hbm>>
        %dma_wait3A_23 = tpu.memref_slice %arg2[%add3A_14] : memref<1600000xi32, #tpu.memory_space<hbm>> -> memref<2000xi32, #tpu.memory_space<hbm>>
        tpu.wait_dma2 semaphore(%run_scoped3A : memref<!tpu.dma_semaphore, #tpu.memory_space<semaphore_mem>>) src(%dma_wait3A_23 : memref<2000xi32, #tpu.memory_space<hbm>>) dst(%arg9 : memref<2000xi32, #tpu.memory_space<vmem>>)
        tpu.yield
      }) : () -> ()
      %add3A_15 = arith.constant 1216000 : i32
      %add3A_16 = arith.addi %add3A_12, %add3A_15 : i32
      "tpu.region"() ({
        %run_scoped3A = tpu.sem_alloc : memref<!tpu.dma_semaphore, #tpu.memory_space<semaphore_mem>>
        %dma_start3A = tpu.memref_slice %arg3[%add3A_16] : memref<1600000xf32, #tpu.memory_space<hbm>> -> memref<2000xf32, #tpu.memory_space<hbm>>
        %dma_start3A_22 = tpu.memref_slice %arg3[%add3A_16] : memref<1600000xf32, #tpu.memory_space<hbm>> -> memref<2000xf32, #tpu.memory_space<hbm>>
        tpu.enqueue_dma source(%dma_start3A_22 : memref<2000xf32, #tpu.memory_space<hbm>>) target(%arg10 : memref<2000xf32, #tpu.memory_space<vmem>>) target_semaphore(%run_scoped3A : memref<!tpu.dma_semaphore, #tpu.memory_space<semaphore_mem>>)
        %dma_wait3A = tpu.memref_slice %arg3[%add3A_16] : memref<1600000xf32, #tpu.memory_space<hbm>> -> memref<2000xf32, #tpu.memory_space<hbm>>
        %dma_wait3A_23 = tpu.memref_slice %arg3[%add3A_16] : memref<1600000xf32, #tpu.memory_space<hbm>> -> memref<2000xf32, #tpu.memory_space<hbm>>
        tpu.wait_dma2 semaphore(%run_scoped3A : memref<!tpu.dma_semaphore, #tpu.memory_space<semaphore_mem>>) src(%dma_wait3A_23 : memref<2000xf32, #tpu.memory_space<hbm>>) dst(%arg10 : memref<2000xf32, #tpu.memory_space<vmem>>)
        tpu.yield
      }) : () -> ()
      "tpu.region"() ({
        %run_scoped3A = tpu.sem_alloc : memref<!tpu.dma_semaphore, #tpu.memory_space<semaphore_mem>>
        %dma_start3A = tpu.memref_slice %arg4[%add3A_12] : memref<384000xf32, #tpu.memory_space<hbm>> -> memref<2000xf32, #tpu.memory_space<hbm>>
        %dma_start3A_22 = tpu.memref_slice %arg4[%add3A_12] : memref<384000xf32, #tpu.memory_space<hbm>> -> memref<2000xf32, #tpu.memory_space<hbm>>
        tpu.enqueue_dma source(%dma_start3A_22 : memref<2000xf32, #tpu.memory_space<hbm>>) target(%arg11 : memref<2000xf32, #tpu.memory_space<vmem>>) target_semaphore(%run_scoped3A : memref<!tpu.dma_semaphore, #tpu.memory_space<semaphore_mem>>)
        %dma_wait3A = tpu.memref_slice %arg4[%add3A_12] : memref<384000xf32, #tpu.memory_space<hbm>> -> memref<2000xf32, #tpu.memory_space<hbm>>
        %dma_wait3A_23 = tpu.memref_slice %arg4[%add3A_12] : memref<384000xf32, #tpu.memory_space<hbm>> -> memref<2000xf32, #tpu.memory_space<hbm>>
        tpu.wait_dma2 semaphore(%run_scoped3A : memref<!tpu.dma_semaphore, #tpu.memory_space<semaphore_mem>>) src(%dma_wait3A_23 : memref<2000xf32, #tpu.memory_space<hbm>>) dst(%arg11 : memref<2000xf32, #tpu.memory_space<vmem>>)
        tpu.yield
      }) : () -> ()
      "tpu.region"() ({
        %run_scoped3A = tpu.sem_alloc : memref<!tpu.dma_semaphore, #tpu.memory_space<semaphore_mem>>
        %dma_start3A = tpu.memref_slice %arg5[%add3A_12] : memref<384000xf32, #tpu.memory_space<hbm>> -> memref<2000xf32, #tpu.memory_space<hbm>>
        %dma_start3A_22 = tpu.memref_slice %arg5[%add3A_12] : memref<384000xf32, #tpu.memory_space<hbm>> -> memref<2000xf32, #tpu.memory_space<hbm>>
        tpu.enqueue_dma source(%dma_start3A_22 : memref<2000xf32, #tpu.memory_space<hbm>>) target(%arg12 : memref<2000xf32, #tpu.memory_space<vmem>>) target_semaphore(%run_scoped3A : memref<!tpu.dma_semaphore, #tpu.memory_space<semaphore_mem>>)
        %dma_wait3A = tpu.memref_slice %arg5[%add3A_12] : memref<384000xf32, #tpu.memory_space<hbm>> -> memref<2000xf32, #tpu.memory_space<hbm>>
        %dma_wait3A_23 = tpu.memref_slice %arg5[%add3A_12] : memref<384000xf32, #tpu.memory_space<hbm>> -> memref<2000xf32, #tpu.memory_space<hbm>>
        tpu.wait_dma2 semaphore(%run_scoped3A : memref<!tpu.dma_semaphore, #tpu.memory_space<semaphore_mem>>) src(%dma_wait3A_23 : memref<2000xf32, #tpu.memory_space<hbm>>) dst(%arg12 : memref<2000xf32, #tpu.memory_space<vmem>>)
        tpu.yield
      }) : () -> ()
      %scan3A_17 = arith.constant 0 : i32
      %scan3A_18 = arith.constant 125 : i32
      %scan3A_19 = arith.addi %scan3A_17, %scan3A_18 : i32
      %scan3A_20 = arith.constant 1 : i32
      scf.for %scan3A_22 = %scan3A_17 to %scan3A_19 step %scan3A_20  : i32 {
        %mul3A_23 = arith.constant 16 : i32
        %mul3A_24 = arith.muli %scan3A_22, %mul3A_23 : i32
        %add3A_25 = arith.constant 0 : i32
        %add3A_26 = arith.addi %add3A_25, %mul3A_24 : i32
        %get3A = arith.index_cast %add3A_26 : i32 to index
        %get3A_27 = tpu.vector_load %arg9[%get3A] {strides = array<i32>} : memref<2000xi32, #tpu.memory_space<vmem>>, vector<16xi32>,
        %get3A_28 = arith.index_cast %add3A_26 : i32 to index
        %get3A_29 = tpu.vector_load %arg10[%get3A_28] {strides = array<i32>} : memref<2000xf32, #tpu.memory_space<vmem>>, vector<16xf32>,
        %get3A_30 = arith.index_cast %add3A_26 : i32 to index
        %get3A_31 = tpu.vector_load %arg11[%get3A_30] {strides = array<i32>} : memref<2000xf32, #tpu.memory_space<vmem>>, vector<16xf32>,
        %mul3A_32 = arith.mulf %get3A_31, %get3A_29 : vector<16xf32>
        %get3A_33 = arith.index_cast %add3A_26 : i32 to index
        %get3A_34 = tpu.vector_load %arg12[%get3A_33] {strides = array<i32>} : memref<2000xf32, #tpu.memory_space<vmem>>, vector<16xf32>,
        %mul3A_35 = arith.mulf %get3A_34, %get3A_29 : vector<16xf32>
        tpu.vector_store_idx %arg8[%get3A_27], %mul3A_32 {add = true} : memref<100352xf32, #tpu.memory_space<vmem>>[vector<16xi32>], vector<16xf32>,
        %add3A_36 = arith.constant 50176 : i32
        %add3A_37 = vector.broadcast %add3A_36 : i32 to vector<16xi32>
        %add3A_38 = arith.addi %get3A_27, %add3A_37 : vector<16xi32>
        tpu.vector_store_idx %arg8[%add3A_38], %mul3A_35 {add = true} : memref<100352xf32, #tpu.memory_space<vmem>>[vector<16xi32>], vector<16xf32>,
      }
      %scan3A_21 = arith.constant 125 : i32
    }
    %scan3A_6 = arith.constant 6 : i32
    "tpu.region"() ({
      %run_scoped3A = tpu.sem_alloc : memref<!tpu.dma_semaphore, #tpu.memory_space<semaphore_mem>>
      %dma_start3A = arith.constant 0 : i32
      %dma_start3A_7 = tpu.memref_slice %arg7[%add3A, %dma_start3A] : memref<32x100352xf32, #tpu.memory_space<hbm>> -> memref<1x100352xf32, #tpu.memory_space<hbm>>
      %dma_start3A_8 = tpu.memref_squeeze %dma_start3A_7 : memref<1x100352xf32, #tpu.memory_space<hbm>> -> memref<100352xf32, #tpu.memory_space<hbm>>
      %dma_start3A_9 = arith.constant 0 : i32
      %dma_start3A_10 = tpu.memref_slice %arg7[%add3A, %dma_start3A_9] : memref<32x100352xf32, #tpu.memory_space<hbm>> -> memref<1x100352xf32, #tpu.memory_space<hbm>>
      %dma_start3A_11 = tpu.memref_squeeze %dma_start3A_10 : memref<1x100352xf32, #tpu.memory_space<hbm>> -> memref<100352xf32, #tpu.memory_space<hbm>>
      tpu.enqueue_dma source(%arg8 : memref<100352xf32, #tpu.memory_space<vmem>>) target(%dma_start3A_11 : memref<100352xf32, #tpu.memory_space<hbm>>) target_semaphore(%run_scoped3A : memref<!tpu.dma_semaphore, #tpu.memory_space<semaphore_mem>>)
      %dma_wait3A = arith.constant 0 : i32
      %dma_wait3A_12 = tpu.memref_slice %arg7[%add3A, %dma_wait3A] : memref<32x100352xf32, #tpu.memory_space<hbm>> -> memref<1x100352xf32, #tpu.memory_space<hbm>>
      %dma_wait3A_13 = tpu.memref_squeeze %dma_wait3A_12 : memref<1x100352xf32, #tpu.memory_space<hbm>> -> memref<100352xf32, #tpu.memory_space<hbm>>
      %dma_wait3A_14 = arith.constant 0 : i32
      %dma_wait3A_15 = tpu.memref_slice %arg7[%add3A, %dma_wait3A_14] : memref<32x100352xf32, #tpu.memory_space<hbm>> -> memref<1x100352xf32, #tpu.memory_space<hbm>>
      %dma_wait3A_16 = tpu.memref_squeeze %dma_wait3A_15 : memref<1x100352xf32, #tpu.memory_space<hbm>> -> memref<100352xf32, #tpu.memory_space<hbm>>
      tpu.wait_dma2 semaphore(%run_scoped3A : memref<!tpu.dma_semaphore, #tpu.memory_space<semaphore_mem>>) src(%arg8 : memref<100352xf32, #tpu.memory_space<vmem>>) dst(%dma_wait3A_16 : memref<100352xf32, #tpu.memory_space<hbm>>)
      tpu.yield
    }) : () -> ()
    return
  }
}

module attributes {stable_mosaic.version = 14 : i64} {
  func.func @_mlp_body(%arg0: i32, %arg1: memref<1x8x2000xf32, #tpu.memory_space<vmem>>, %arg2: memref<1x8x2000xf32, #tpu.memory_space<vmem>>, %arg3: memref<1024x16xbf16, #tpu.memory_space<vmem>>, %arg4: memref<1024x1xf32, #tpu.memory_space<vmem>>, %arg5: memref<128x128xbf16, #tpu.memory_space<vmem>>, %arg6: memref<128x1xf32, #tpu.memory_space<vmem>>, %arg7: memref<2x128xf32, #tpu.memory_space<vmem>>, %arg8: memref<2x1xf32, #tpu.memory_space<vmem>>, %arg9: memref<1x8x2000xf32, #tpu.memory_space<vmem>>, %arg10: memref<1x8x2000xf32, #tpu.memory_space<vmem>>) attributes {dimension_semantics = [#tpu.dimension_semantics<arbitrary>], iteration_bounds = array<i64: 28>, scalar_prefetch = 0 : i64, scratch_operands = 0 : i64, tpu.core_type = #tpu.core_type<tc>, window_params = [{transform_indices = @transform_0, window_bounds = array<i64: 1, 8, 2000>}, {transform_indices = @transform_1, window_bounds = array<i64: 1, 8, 2000>}, {pipeline_mode = #tpu.pipeline_mode<synchronous>, transform_indices = @transform_2, window_bounds = array<i64: 1024, 16>}, {pipeline_mode = #tpu.pipeline_mode<synchronous>, transform_indices = @transform_3, window_bounds = array<i64: 1024, 1>}, {pipeline_mode = #tpu.pipeline_mode<synchronous>, transform_indices = @transform_4, window_bounds = array<i64: 128, 128>}, {pipeline_mode = #tpu.pipeline_mode<synchronous>, transform_indices = @transform_5, window_bounds = array<i64: 128, 1>}, {pipeline_mode = #tpu.pipeline_mode<synchronous>, transform_indices = @transform_6, window_bounds = array<i64: 2, 128>}, {pipeline_mode = #tpu.pipeline_mode<synchronous>, transform_indices = @transform_7, window_bounds = array<i64: 2, 1>}, {transform_indices = @transform_8, window_bounds = array<i64: 1, 8, 2000>}, {transform_indices = @transform_9, window_bounds = array<i64: 1, 8, 2000>}]} {
    %get3A = arith.constant 0 : index
    %get3A_0 = arith.constant 0 : index
    %get3A_1 = arith.constant 0 : index
    %get3A_2 = vector.load %arg1[%get3A, %get3A_0, %get3A_1] : memref<1x8x2000xf32, #tpu.memory_space<vmem>>, vector<1x8x2000xf32>
    %get3A_3 = vector.shape_cast %get3A_2 : vector<1x8x2000xf32> to vector<8x2000xf32>
    %get3A_4 = arith.constant 0 : index
    %get3A_5 = arith.constant 0 : index
    %get3A_6 = arith.constant 0 : index
    %get3A_7 = vector.load %arg2[%get3A_4, %get3A_5, %get3A_6] : memref<1x8x2000xf32, #tpu.memory_space<vmem>>, vector<1x8x2000xf32>
    %get3A_8 = vector.shape_cast %get3A_7 : vector<1x8x2000xf32> to vector<8x2000xf32>
    %mul3A = arith.mulf %get3A_3, %get3A_3 : vector<8x2000xf32>
    %mul3A_9 = arith.mulf %get3A_8, %get3A_8 : vector<8x2000xf32>
    %add3A = arith.addf %mul3A, %mul3A_9 : vector<8x2000xf32>
    %add3A_10 = arith.constant 9.99999996E-13 : f32
    %add3A_11 = vector.broadcast %add3A_10 : f32 to vector<8x2000xf32>
    %add3A_12 = arith.addf %add3A, %add3A_11 : vector<8x2000xf32>
    %log3A = math.log %add3A_12 : vector<8x2000xf32>
    %mul3A_13 = arith.constant 5.000000e-01 : f32
    %mul3A_14 = vector.broadcast %mul3A_13 : f32 to vector<8x2000xf32>
    %mul3A_15 = arith.mulf %mul3A_14, %log3A : vector<8x2000xf32>
    %atan23A = math.atan2 %get3A_8, %get3A_3 : vector<8x2000xf32>
    %concatenate3A = tpu.concatenate %mul3A_15, %atan23A in 0 : vector<8x2000xf32>, vector<8x2000xf32> -> vector<16x2000xf32>
    %convert_element_type3A = arith.truncf %concatenate3A : vector<16x2000xf32> to vector<16x2000xbf16>
    %get3A_16 = arith.constant 0 : index
    %get3A_17 = arith.constant 0 : index
    %get3A_18 = vector.load %arg3[%get3A_16, %get3A_17] : memref<1024x16xbf16, #tpu.memory_space<vmem>>, vector<1024x16xbf16>
    %dot_general3A = arith.constant dense<0.000000e+00> : vector<1024x2000xf32>
    %dot_general3A_19 = tpu.matmul %get3A_18, %convert_element_type3A, %dot_general3A {dimension_numbers = #tpu.dot_dimension_numbers<[1], [0], [0], [1], [0, 0, 1, 1], [], []>, transpose_lhs_hint = false} : vector<1024x16xbf16>, vector<16x2000xbf16>, vector<1024x2000xf32> -> vector<1024x2000xf32>
    %get3A_20 = arith.constant 0 : index
    %get3A_21 = arith.constant 0 : index
    %get3A_22 = vector.load %arg4[%get3A_20, %get3A_21] : memref<1024x1xf32, #tpu.memory_space<vmem>>, vector<1024x1xf32>
    %add3A_23 = vector.broadcast %get3A_22 : vector<1024x1xf32> to vector<1024x2000xf32>
    %add3A_24 = arith.addf %dot_general3A_19, %add3A_23 : vector<1024x2000xf32>
    %tanh3A = math.tanh %add3A_24 : vector<1024x2000xf32>
    %convert_element_type3A_25 = arith.truncf %tanh3A : vector<1024x2000xf32> to vector<1024x2000xbf16>
    %get3A_26 = arith.constant 0 : index
    %get3A_27 = arith.constant 0 : index
    %get3A_28 = vector.load %arg5[%get3A_26, %get3A_27] : memref<128x128xbf16, #tpu.memory_space<vmem>>, vector<128x128xbf16>
    %slice3A = vector.extract_strided_slice %convert_element_type3A_25 {offsets = [0, 0], sizes = [128, 2000], strides = [1, 1]} : vector<1024x2000xbf16> to vector<128x2000xbf16>
    %dot_general3A_29 = arith.constant dense<0.000000e+00> : vector<128x2000xf32>
    %dot_general3A_30 = tpu.matmul %get3A_28, %slice3A, %dot_general3A_29 {dimension_numbers = #tpu.dot_dimension_numbers<[1], [0], [0], [1], [0, 0, 1, 1], [], []>, transpose_lhs_hint = false} : vector<128x128xbf16>, vector<128x2000xbf16>, vector<128x2000xf32> -> vector<128x2000xf32>
    %get3A_31 = arith.constant 0 : index
    %get3A_32 = arith.constant 0 : index
    %get3A_33 = vector.load %arg6[%get3A_31, %get3A_32] : memref<128x1xf32, #tpu.memory_space<vmem>>, vector<128x1xf32>
    %add3A_34 = vector.broadcast %get3A_33 : vector<128x1xf32> to vector<128x2000xf32>
    %add3A_35 = arith.addf %dot_general3A_30, %add3A_34 : vector<128x2000xf32>
    %tanh3A_36 = math.tanh %add3A_35 : vector<128x2000xf32>
    %get3A_37 = arith.constant 0 : index
    %get3A_38 = arith.constant 0 : index
    %get3A_39 = vector.load %arg7[%get3A_37, %get3A_38] : memref<2x128xf32, #tpu.memory_space<vmem>>, vector<2x128xf32>
    %dot_general3A_40 = arith.constant dense<0.000000e+00> : vector<2x2000xf32>
    %dot_general3A_41 = tpu.matmul %get3A_39, %tanh3A_36, %dot_general3A_40 {dimension_numbers = #tpu.dot_dimension_numbers<[1], [0], [0], [1], [0, 0, 1, 1], [], []>, transpose_lhs_hint = false} : vector<2x128xf32>, vector<128x2000xf32>, vector<2x2000xf32> -> vector<2x2000xf32>
    %get3A_42 = arith.constant 0 : index
    %get3A_43 = arith.constant 0 : index
    %get3A_44 = vector.load %arg8[%get3A_42, %get3A_43] : memref<2x1xf32, #tpu.memory_space<vmem>>, vector<2x1xf32>
    %add3A_45 = vector.broadcast %get3A_44 : vector<2x1xf32> to vector<2x2000xf32>
    %add3A_46 = arith.addf %dot_general3A_41, %add3A_45 : vector<2x2000xf32>
    %slice3A_47 = vector.extract_strided_slice %add3A_46 {offsets = [0, 0], sizes = [1, 2000], strides = [1, 1]} : vector<2x2000xf32> to vector<1x2000xf32>
    %slice3A_48 = vector.extract_strided_slice %add3A_46 {offsets = [1, 0], sizes = [1, 2000], strides = [1, 1]} : vector<2x2000xf32> to vector<1x2000xf32>
    %get3A_49 = arith.constant 0 : index
    %get3A_50 = arith.constant 0 : index
    %get3A_51 = vector.load %arg5[%get3A_49, %get3A_50] : memref<128x128xbf16, #tpu.memory_space<vmem>>, vector<128x128xbf16>
    %slice3A_52 = vector.extract_strided_slice %convert_element_type3A_25 {offsets = [128, 0], sizes = [128, 2000], strides = [1, 1]} : vector<1024x2000xbf16> to vector<128x2000xbf16>
    %dot_general3A_53 = arith.constant dense<0.000000e+00> : vector<128x2000xf32>
    %dot_general3A_54 = tpu.matmul %get3A_51, %slice3A_52, %dot_general3A_53 {dimension_numbers = #tpu.dot_dimension_numbers<[1], [0], [0], [1], [0, 0, 1, 1], [], []>, transpose_lhs_hint = false} : vector<128x128xbf16>, vector<128x2000xbf16>, vector<128x2000xf32> -> vector<128x2000xf32>
    %get3A_55 = arith.constant 0 : index
    %get3A_56 = arith.constant 0 : index
    %get3A_57 = vector.load %arg6[%get3A_55, %get3A_56] : memref<128x1xf32, #tpu.memory_space<vmem>>, vector<128x1xf32>
    %add3A_58 = vector.broadcast %get3A_57 : vector<128x1xf32> to vector<128x2000xf32>
    %add3A_59 = arith.addf %dot_general3A_54, %add3A_58 : vector<128x2000xf32>
    %tanh3A_60 = math.tanh %add3A_59 : vector<128x2000xf32>
    %get3A_61 = arith.constant 0 : index
    %get3A_62 = arith.constant 0 : index
    %get3A_63 = vector.load %arg7[%get3A_61, %get3A_62] : memref<2x128xf32, #tpu.memory_space<vmem>>, vector<2x128xf32>
    %dot_general3A_64 = arith.constant dense<0.000000e+00> : vector<2x2000xf32>
    %dot_general3A_65 = tpu.matmul %get3A_63, %tanh3A_60, %dot_general3A_64 {dimension_numbers = #tpu.dot_dimension_numbers<[1], [0], [0], [1], [0, 0, 1, 1], [], []>, transpose_lhs_hint = false} : vector<2x128xf32>, vector<128x2000xf32>, vector<2x2000xf32> -> vector<2x2000xf32>
    %get3A_66 = arith.constant 0 : index
    %get3A_67 = arith.constant 0 : index
    %get3A_68 = vector.load %arg8[%get3A_66, %get3A_67] : memref<2x1xf32, #tpu.memory_space<vmem>>, vector<2x1xf32>
    %add3A_69 = vector.broadcast %get3A_68 : vector<2x1xf32> to vector<2x2000xf32>
    %add3A_70 = arith.addf %dot_general3A_65, %add3A_69 : vector<2x2000xf32>
    %slice3A_71 = vector.extract_strided_slice %add3A_70 {offsets = [0, 0], sizes = [1, 2000], strides = [1, 1]} : vector<2x2000xf32> to vector<1x2000xf32>
    %slice3A_72 = vector.extract_strided_slice %add3A_70 {offsets = [1, 0], sizes = [1, 2000], strides = [1, 1]} : vector<2x2000xf32> to vector<1x2000xf32>
    %get3A_73 = arith.constant 0 : index
    %get3A_74 = arith.constant 0 : index
    %get3A_75 = vector.load %arg5[%get3A_73, %get3A_74] : memref<128x128xbf16, #tpu.memory_space<vmem>>, vector<128x128xbf16>
    %slice3A_76 = vector.extract_strided_slice %convert_element_type3A_25 {offsets = [256, 0], sizes = [128, 2000], strides = [1, 1]} : vector<1024x2000xbf16> to vector<128x2000xbf16>
    %dot_general3A_77 = arith.constant dense<0.000000e+00> : vector<128x2000xf32>
    %dot_general3A_78 = tpu.matmul %get3A_75, %slice3A_76, %dot_general3A_77 {dimension_numbers = #tpu.dot_dimension_numbers<[1], [0], [0], [1], [0, 0, 1, 1], [], []>, transpose_lhs_hint = false} : vector<128x128xbf16>, vector<128x2000xbf16>, vector<128x2000xf32> -> vector<128x2000xf32>
    %get3A_79 = arith.constant 0 : index
    %get3A_80 = arith.constant 0 : index
    %get3A_81 = vector.load %arg6[%get3A_79, %get3A_80] : memref<128x1xf32, #tpu.memory_space<vmem>>, vector<128x1xf32>
    %add3A_82 = vector.broadcast %get3A_81 : vector<128x1xf32> to vector<128x2000xf32>
    %add3A_83 = arith.addf %dot_general3A_78, %add3A_82 : vector<128x2000xf32>
    %tanh3A_84 = math.tanh %add3A_83 : vector<128x2000xf32>
    %get3A_85 = arith.constant 0 : index
    %get3A_86 = arith.constant 0 : index
    %get3A_87 = vector.load %arg7[%get3A_85, %get3A_86] : memref<2x128xf32, #tpu.memory_space<vmem>>, vector<2x128xf32>
    %dot_general3A_88 = arith.constant dense<0.000000e+00> : vector<2x2000xf32>
    %dot_general3A_89 = tpu.matmul %get3A_87, %tanh3A_84, %dot_general3A_88 {dimension_numbers = #tpu.dot_dimension_numbers<[1], [0], [0], [1], [0, 0, 1, 1], [], []>, transpose_lhs_hint = false} : vector<2x128xf32>, vector<128x2000xf32>, vector<2x2000xf32> -> vector<2x2000xf32>
    %get3A_90 = arith.constant 0 : index
    %get3A_91 = arith.constant 0 : index
    %get3A_92 = vector.load %arg8[%get3A_90, %get3A_91] : memref<2x1xf32, #tpu.memory_space<vmem>>, vector<2x1xf32>
    %add3A_93 = vector.broadcast %get3A_92 : vector<2x1xf32> to vector<2x2000xf32>
    %add3A_94 = arith.addf %dot_general3A_89, %add3A_93 : vector<2x2000xf32>
    %slice3A_95 = vector.extract_strided_slice %add3A_94 {offsets = [0, 0], sizes = [1, 2000], strides = [1, 1]} : vector<2x2000xf32> to vector<1x2000xf32>
    %slice3A_96 = vector.extract_strided_slice %add3A_94 {offsets = [1, 0], sizes = [1, 2000], strides = [1, 1]} : vector<2x2000xf32> to vector<1x2000xf32>
    %get3A_97 = arith.constant 0 : index
    %get3A_98 = arith.constant 0 : index
    %get3A_99 = vector.load %arg5[%get3A_97, %get3A_98] : memref<128x128xbf16, #tpu.memory_space<vmem>>, vector<128x128xbf16>
    %slice3A_100 = vector.extract_strided_slice %convert_element_type3A_25 {offsets = [384, 0], sizes = [128, 2000], strides = [1, 1]} : vector<1024x2000xbf16> to vector<128x2000xbf16>
    %dot_general3A_101 = arith.constant dense<0.000000e+00> : vector<128x2000xf32>
    %dot_general3A_102 = tpu.matmul %get3A_99, %slice3A_100, %dot_general3A_101 {dimension_numbers = #tpu.dot_dimension_numbers<[1], [0], [0], [1], [0, 0, 1, 1], [], []>, transpose_lhs_hint = false} : vector<128x128xbf16>, vector<128x2000xbf16>, vector<128x2000xf32> -> vector<128x2000xf32>
    %get3A_103 = arith.constant 0 : index
    %get3A_104 = arith.constant 0 : index
    %get3A_105 = vector.load %arg6[%get3A_103, %get3A_104] : memref<128x1xf32, #tpu.memory_space<vmem>>, vector<128x1xf32>
    %add3A_106 = vector.broadcast %get3A_105 : vector<128x1xf32> to vector<128x2000xf32>
    %add3A_107 = arith.addf %dot_general3A_102, %add3A_106 : vector<128x2000xf32>
    %tanh3A_108 = math.tanh %add3A_107 : vector<128x2000xf32>
    %get3A_109 = arith.constant 0 : index
    %get3A_110 = arith.constant 0 : index
    %get3A_111 = vector.load %arg7[%get3A_109, %get3A_110] : memref<2x128xf32, #tpu.memory_space<vmem>>, vector<2x128xf32>
    %dot_general3A_112 = arith.constant dense<0.000000e+00> : vector<2x2000xf32>
    %dot_general3A_113 = tpu.matmul %get3A_111, %tanh3A_108, %dot_general3A_112 {dimension_numbers = #tpu.dot_dimension_numbers<[1], [0], [0], [1], [0, 0, 1, 1], [], []>, transpose_lhs_hint = false} : vector<2x128xf32>, vector<128x2000xf32>, vector<2x2000xf32> -> vector<2x2000xf32>
    %get3A_114 = arith.constant 0 : index
    %get3A_115 = arith.constant 0 : index
    %get3A_116 = vector.load %arg8[%get3A_114, %get3A_115] : memref<2x1xf32, #tpu.memory_space<vmem>>, vector<2x1xf32>
    %add3A_117 = vector.broadcast %get3A_116 : vector<2x1xf32> to vector<2x2000xf32>
    %add3A_118 = arith.addf %dot_general3A_113, %add3A_117 : vector<2x2000xf32>
    %slice3A_119 = vector.extract_strided_slice %add3A_118 {offsets = [0, 0], sizes = [1, 2000], strides = [1, 1]} : vector<2x2000xf32> to vector<1x2000xf32>
    %slice3A_120 = vector.extract_strided_slice %add3A_118 {offsets = [1, 0], sizes = [1, 2000], strides = [1, 1]} : vector<2x2000xf32> to vector<1x2000xf32>
    %get3A_121 = arith.constant 0 : index
    %get3A_122 = arith.constant 0 : index
    %get3A_123 = vector.load %arg5[%get3A_121, %get3A_122] : memref<128x128xbf16, #tpu.memory_space<vmem>>, vector<128x128xbf16>
    %slice3A_124 = vector.extract_strided_slice %convert_element_type3A_25 {offsets = [512, 0], sizes = [128, 2000], strides = [1, 1]} : vector<1024x2000xbf16> to vector<128x2000xbf16>
    %dot_general3A_125 = arith.constant dense<0.000000e+00> : vector<128x2000xf32>
    %dot_general3A_126 = tpu.matmul %get3A_123, %slice3A_124, %dot_general3A_125 {dimension_numbers = #tpu.dot_dimension_numbers<[1], [0], [0], [1], [0, 0, 1, 1], [], []>, transpose_lhs_hint = false} : vector<128x128xbf16>, vector<128x2000xbf16>, vector<128x2000xf32> -> vector<128x2000xf32>
    %get3A_127 = arith.constant 0 : index
    %get3A_128 = arith.constant 0 : index
    %get3A_129 = vector.load %arg6[%get3A_127, %get3A_128] : memref<128x1xf32, #tpu.memory_space<vmem>>, vector<128x1xf32>
    %add3A_130 = vector.broadcast %get3A_129 : vector<128x1xf32> to vector<128x2000xf32>
    %add3A_131 = arith.addf %dot_general3A_126, %add3A_130 : vector<128x2000xf32>
    %tanh3A_132 = math.tanh %add3A_131 : vector<128x2000xf32>
    %get3A_133 = arith.constant 0 : index
    %get3A_134 = arith.constant 0 : index
    %get3A_135 = vector.load %arg7[%get3A_133, %get3A_134] : memref<2x128xf32, #tpu.memory_space<vmem>>, vector<2x128xf32>
    %dot_general3A_136 = arith.constant dense<0.000000e+00> : vector<2x2000xf32>
    %dot_general3A_137 = tpu.matmul %get3A_135, %tanh3A_132, %dot_general3A_136 {dimension_numbers = #tpu.dot_dimension_numbers<[1], [0], [0], [1], [0, 0, 1, 1], [], []>, transpose_lhs_hint = false} : vector<2x128xf32>, vector<128x2000xf32>, vector<2x2000xf32> -> vector<2x2000xf32>
    %get3A_138 = arith.constant 0 : index
    %get3A_139 = arith.constant 0 : index
    %get3A_140 = vector.load %arg8[%get3A_138, %get3A_139] : memref<2x1xf32, #tpu.memory_space<vmem>>, vector<2x1xf32>
    %add3A_141 = vector.broadcast %get3A_140 : vector<2x1xf32> to vector<2x2000xf32>
    %add3A_142 = arith.addf %dot_general3A_137, %add3A_141 : vector<2x2000xf32>
    %slice3A_143 = vector.extract_strided_slice %add3A_142 {offsets = [0, 0], sizes = [1, 2000], strides = [1, 1]} : vector<2x2000xf32> to vector<1x2000xf32>
    %slice3A_144 = vector.extract_strided_slice %add3A_142 {offsets = [1, 0], sizes = [1, 2000], strides = [1, 1]} : vector<2x2000xf32> to vector<1x2000xf32>
    %get3A_145 = arith.constant 0 : index
    %get3A_146 = arith.constant 0 : index
    %get3A_147 = vector.load %arg5[%get3A_145, %get3A_146] : memref<128x128xbf16, #tpu.memory_space<vmem>>, vector<128x128xbf16>
    %slice3A_148 = vector.extract_strided_slice %convert_element_type3A_25 {offsets = [640, 0], sizes = [128, 2000], strides = [1, 1]} : vector<1024x2000xbf16> to vector<128x2000xbf16>
    %dot_general3A_149 = arith.constant dense<0.000000e+00> : vector<128x2000xf32>
    %dot_general3A_150 = tpu.matmul %get3A_147, %slice3A_148, %dot_general3A_149 {dimension_numbers = #tpu.dot_dimension_numbers<[1], [0], [0], [1], [0, 0, 1, 1], [], []>, transpose_lhs_hint = false} : vector<128x128xbf16>, vector<128x2000xbf16>, vector<128x2000xf32> -> vector<128x2000xf32>
    %get3A_151 = arith.constant 0 : index
    %get3A_152 = arith.constant 0 : index
    %get3A_153 = vector.load %arg6[%get3A_151, %get3A_152] : memref<128x1xf32, #tpu.memory_space<vmem>>, vector<128x1xf32>
    %add3A_154 = vector.broadcast %get3A_153 : vector<128x1xf32> to vector<128x2000xf32>
    %add3A_155 = arith.addf %dot_general3A_150, %add3A_154 : vector<128x2000xf32>
    %tanh3A_156 = math.tanh %add3A_155 : vector<128x2000xf32>
    %get3A_157 = arith.constant 0 : index
    %get3A_158 = arith.constant 0 : index
    %get3A_159 = vector.load %arg7[%get3A_157, %get3A_158] : memref<2x128xf32, #tpu.memory_space<vmem>>, vector<2x128xf32>
    %dot_general3A_160 = arith.constant dense<0.000000e+00> : vector<2x2000xf32>
    %dot_general3A_161 = tpu.matmul %get3A_159, %tanh3A_156, %dot_general3A_160 {dimension_numbers = #tpu.dot_dimension_numbers<[1], [0], [0], [1], [0, 0, 1, 1], [], []>, transpose_lhs_hint = false} : vector<2x128xf32>, vector<128x2000xf32>, vector<2x2000xf32> -> vector<2x2000xf32>
    %get3A_162 = arith.constant 0 : index
    %get3A_163 = arith.constant 0 : index
    %get3A_164 = vector.load %arg8[%get3A_162, %get3A_163] : memref<2x1xf32, #tpu.memory_space<vmem>>, vector<2x1xf32>
    %add3A_165 = vector.broadcast %get3A_164 : vector<2x1xf32> to vector<2x2000xf32>
    %add3A_166 = arith.addf %dot_general3A_161, %add3A_165 : vector<2x2000xf32>
    %slice3A_167 = vector.extract_strided_slice %add3A_166 {offsets = [0, 0], sizes = [1, 2000], strides = [1, 1]} : vector<2x2000xf32> to vector<1x2000xf32>
    %slice3A_168 = vector.extract_strided_slice %add3A_166 {offsets = [1, 0], sizes = [1, 2000], strides = [1, 1]} : vector<2x2000xf32> to vector<1x2000xf32>
    %get3A_169 = arith.constant 0 : index
    %get3A_170 = arith.constant 0 : index
    %get3A_171 = vector.load %arg5[%get3A_169, %get3A_170] : memref<128x128xbf16, #tpu.memory_space<vmem>>, vector<128x128xbf16>
    %slice3A_172 = vector.extract_strided_slice %convert_element_type3A_25 {offsets = [768, 0], sizes = [128, 2000], strides = [1, 1]} : vector<1024x2000xbf16> to vector<128x2000xbf16>
    %dot_general3A_173 = arith.constant dense<0.000000e+00> : vector<128x2000xf32>
    %dot_general3A_174 = tpu.matmul %get3A_171, %slice3A_172, %dot_general3A_173 {dimension_numbers = #tpu.dot_dimension_numbers<[1], [0], [0], [1], [0, 0, 1, 1], [], []>, transpose_lhs_hint = false} : vector<128x128xbf16>, vector<128x2000xbf16>, vector<128x2000xf32> -> vector<128x2000xf32>
    %get3A_175 = arith.constant 0 : index
    %get3A_176 = arith.constant 0 : index
    %get3A_177 = vector.load %arg6[%get3A_175, %get3A_176] : memref<128x1xf32, #tpu.memory_space<vmem>>, vector<128x1xf32>
    %add3A_178 = vector.broadcast %get3A_177 : vector<128x1xf32> to vector<128x2000xf32>
    %add3A_179 = arith.addf %dot_general3A_174, %add3A_178 : vector<128x2000xf32>
    %tanh3A_180 = math.tanh %add3A_179 : vector<128x2000xf32>
    %get3A_181 = arith.constant 0 : index
    %get3A_182 = arith.constant 0 : index
    %get3A_183 = vector.load %arg7[%get3A_181, %get3A_182] : memref<2x128xf32, #tpu.memory_space<vmem>>, vector<2x128xf32>
    %dot_general3A_184 = arith.constant dense<0.000000e+00> : vector<2x2000xf32>
    %dot_general3A_185 = tpu.matmul %get3A_183, %tanh3A_180, %dot_general3A_184 {dimension_numbers = #tpu.dot_dimension_numbers<[1], [0], [0], [1], [0, 0, 1, 1], [], []>, transpose_lhs_hint = false} : vector<2x128xf32>, vector<128x2000xf32>, vector<2x2000xf32> -> vector<2x2000xf32>
    %get3A_186 = arith.constant 0 : index
    %get3A_187 = arith.constant 0 : index
    %get3A_188 = vector.load %arg8[%get3A_186, %get3A_187] : memref<2x1xf32, #tpu.memory_space<vmem>>, vector<2x1xf32>
    %add3A_189 = vector.broadcast %get3A_188 : vector<2x1xf32> to vector<2x2000xf32>
    %add3A_190 = arith.addf %dot_general3A_185, %add3A_189 : vector<2x2000xf32>
    %slice3A_191 = vector.extract_strided_slice %add3A_190 {offsets = [0, 0], sizes = [1, 2000], strides = [1, 1]} : vector<2x2000xf32> to vector<1x2000xf32>
    %slice3A_192 = vector.extract_strided_slice %add3A_190 {offsets = [1, 0], sizes = [1, 2000], strides = [1, 1]} : vector<2x2000xf32> to vector<1x2000xf32>
    %get3A_193 = arith.constant 0 : index
    %get3A_194 = arith.constant 0 : index
    %get3A_195 = vector.load %arg5[%get3A_193, %get3A_194] : memref<128x128xbf16, #tpu.memory_space<vmem>>, vector<128x128xbf16>
    %slice3A_196 = vector.extract_strided_slice %convert_element_type3A_25 {offsets = [896, 0], sizes = [128, 2000], strides = [1, 1]} : vector<1024x2000xbf16> to vector<128x2000xbf16>
    %dot_general3A_197 = arith.constant dense<0.000000e+00> : vector<128x2000xf32>
    %dot_general3A_198 = tpu.matmul %get3A_195, %slice3A_196, %dot_general3A_197 {dimension_numbers = #tpu.dot_dimension_numbers<[1], [0], [0], [1], [0, 0, 1, 1], [], []>, transpose_lhs_hint = false} : vector<128x128xbf16>, vector<128x2000xbf16>, vector<128x2000xf32> -> vector<128x2000xf32>
    %get3A_199 = arith.constant 0 : index
    %get3A_200 = arith.constant 0 : index
    %get3A_201 = vector.load %arg6[%get3A_199, %get3A_200] : memref<128x1xf32, #tpu.memory_space<vmem>>, vector<128x1xf32>
    %add3A_202 = vector.broadcast %get3A_201 : vector<128x1xf32> to vector<128x2000xf32>
    %add3A_203 = arith.addf %dot_general3A_198, %add3A_202 : vector<128x2000xf32>
    %tanh3A_204 = math.tanh %add3A_203 : vector<128x2000xf32>
    %get3A_205 = arith.constant 0 : index
    %get3A_206 = arith.constant 0 : index
    %get3A_207 = vector.load %arg7[%get3A_205, %get3A_206] : memref<2x128xf32, #tpu.memory_space<vmem>>, vector<2x128xf32>
    %dot_general3A_208 = arith.constant dense<0.000000e+00> : vector<2x2000xf32>
    %dot_general3A_209 = tpu.matmul %get3A_207, %tanh3A_204, %dot_general3A_208 {dimension_numbers = #tpu.dot_dimension_numbers<[1], [0], [0], [1], [0, 0, 1, 1], [], []>, transpose_lhs_hint = false} : vector<2x128xf32>, vector<128x2000xf32>, vector<2x2000xf32> -> vector<2x2000xf32>
    %get3A_210 = arith.constant 0 : index
    %get3A_211 = arith.constant 0 : index
    %get3A_212 = vector.load %arg8[%get3A_210, %get3A_211] : memref<2x1xf32, #tpu.memory_space<vmem>>, vector<2x1xf32>
    %add3A_213 = vector.broadcast %get3A_212 : vector<2x1xf32> to vector<2x2000xf32>
    %add3A_214 = arith.addf %dot_general3A_209, %add3A_213 : vector<2x2000xf32>
    %slice3A_215 = vector.extract_strided_slice %add3A_214 {offsets = [0, 0], sizes = [1, 2000], strides = [1, 1]} : vector<2x2000xf32> to vector<1x2000xf32>
    %slice3A_216 = vector.extract_strided_slice %add3A_214 {offsets = [1, 0], sizes = [1, 2000], strides = [1, 1]} : vector<2x2000xf32> to vector<1x2000xf32>
    %concatenate3A_217 = tpu.concatenate %slice3A_47, %slice3A_71, %slice3A_95, %slice3A_119, %slice3A_143, %slice3A_167, %slice3A_191, %slice3A_215 in 0 : vector<1x2000xf32>, vector<1x2000xf32>, vector<1x2000xf32>, vector<1x2000xf32>, vector<1x2000xf32>, vector<1x2000xf32>, vector<1x2000xf32>, vector<1x2000xf32> -> vector<8x2000xf32>
    %concatenate3A_218 = tpu.concatenate %slice3A_48, %slice3A_72, %slice3A_96, %slice3A_120, %slice3A_144, %slice3A_168, %slice3A_192, %slice3A_216 in 0 : vector<1x2000xf32>, vector<1x2000xf32>, vector<1x2000xf32>, vector<1x2000xf32>, vector<1x2000xf32>, vector<1x2000xf32>, vector<1x2000xf32>, vector<1x2000xf32> -> vector<8x2000xf32>
    %exp3A = math.exp %concatenate3A_217 : vector<8x2000xf32>
    %cos3A = math.cos %concatenate3A_218 : vector<8x2000xf32>
    %mul3A_219 = arith.mulf %exp3A, %cos3A : vector<8x2000xf32>
    %swap3A = arith.constant 0 : index
    %swap3A_220 = arith.constant 0 : index
    %swap3A_221 = arith.constant 0 : index
    %swap3A_222 = vector.load %arg9[%swap3A, %swap3A_220, %swap3A_221] : memref<1x8x2000xf32, #tpu.memory_space<vmem>>, vector<1x8x2000xf32>
    %swap3A_223 = vector.shape_cast %swap3A_222 : vector<1x8x2000xf32> to vector<8x2000xf32>
    %swap3A_224 = vector.shape_cast %mul3A_219 : vector<8x2000xf32> to vector<1x8x2000xf32>
    tpu.vector_store %arg9[%swap3A, %swap3A_220, %swap3A_221], %swap3A_224 {strides = array<i32>} : memref<1x8x2000xf32, #tpu.memory_space<vmem>>, vector<1x8x2000xf32>,
    %sin3A = math.sin %concatenate3A_218 : vector<8x2000xf32>
    %mul3A_225 = arith.mulf %exp3A, %sin3A : vector<8x2000xf32>
    %swap3A_226 = arith.constant 0 : index
    %swap3A_227 = arith.constant 0 : index
    %swap3A_228 = arith.constant 0 : index
    %swap3A_229 = vector.load %arg10[%swap3A_226, %swap3A_227, %swap3A_228] : memref<1x8x2000xf32, #tpu.memory_space<vmem>>, vector<1x8x2000xf32>
    %swap3A_230 = vector.shape_cast %swap3A_229 : vector<1x8x2000xf32> to vector<8x2000xf32>
    %swap3A_231 = vector.shape_cast %mul3A_225 : vector<8x2000xf32> to vector<1x8x2000xf32>
    tpu.vector_store %arg10[%swap3A_226, %swap3A_227, %swap3A_228], %swap3A_231 {strides = array<i32>} : memref<1x8x2000xf32, #tpu.memory_space<vmem>>, vector<1x8x2000xf32>,
    return
  }
  func.func @transform_0(%arg0: i32) -> (i32, i32, i32) {
    %c0_i32 = arith.constant 0 : i32
    %c0_i32_0 = arith.constant 0 : i32
    %c0_i32_1 = arith.constant 0 : i32
    return %arg0, %c0_i32, %c0_i32_0 : i32, i32, i32
  }
  func.func @transform_1(%arg0: i32) -> (i32, i32, i32) {
    %c0_i32 = arith.constant 0 : i32
    %c0_i32_0 = arith.constant 0 : i32
    %c0_i32_1 = arith.constant 0 : i32
    return %arg0, %c0_i32, %c0_i32_0 : i32, i32, i32
  }
  func.func @transform_2(%arg0: i32) -> (i32, i32) {
    %c0_i32 = arith.constant 0 : i32
    %c0_i32_0 = arith.constant 0 : i32
    %c0_i32_1 = arith.constant 0 : i32
    return %c0_i32, %c0_i32_0 : i32, i32
  }
  func.func @transform_3(%arg0: i32) -> (i32, i32) {
    %c0_i32 = arith.constant 0 : i32
    %c0_i32_0 = arith.constant 0 : i32
    %c0_i32_1 = arith.constant 0 : i32
    return %c0_i32, %c0_i32_0 : i32, i32
  }
  func.func @transform_4(%arg0: i32) -> (i32, i32) {
    %c0_i32 = arith.constant 0 : i32
    %c0_i32_0 = arith.constant 0 : i32
    %c0_i32_1 = arith.constant 0 : i32
    return %c0_i32, %c0_i32_0 : i32, i32
  }
  func.func @transform_5(%arg0: i32) -> (i32, i32) {
    %c0_i32 = arith.constant 0 : i32
    %c0_i32_0 = arith.constant 0 : i32
    %c0_i32_1 = arith.constant 0 : i32
    return %c0_i32, %c0_i32_0 : i32, i32
  }
  func.func @transform_6(%arg0: i32) -> (i32, i32) {
    %c0_i32 = arith.constant 0 : i32
    %c0_i32_0 = arith.constant 0 : i32
    %c0_i32_1 = arith.constant 0 : i32
    return %c0_i32, %c0_i32_0 : i32, i32
  }
  func.func @transform_7(%arg0: i32) -> (i32, i32) {
    %c0_i32 = arith.constant 0 : i32
    %c0_i32_0 = arith.constant 0 : i32
    %c0_i32_1 = arith.constant 0 : i32
    return %c0_i32, %c0_i32_0 : i32, i32
  }
  func.func @transform_8(%arg0: i32) -> (i32, i32, i32) {
    %c0_i32 = arith.constant 0 : i32
    %c0_i32_0 = arith.constant 0 : i32
    %c0_i32_1 = arith.constant 0 : i32
    return %arg0, %c0_i32, %c0_i32_0 : i32, i32, i32
  }
  func.func @transform_9(%arg0: i32) -> (i32, i32, i32) {
    %c0_i32 = arith.constant 0 : i32
    %c0_i32_0 = arith.constant 0 : i32
    %c0_i32_1 = arith.constant 0 : i32
    return %arg0, %c0_i32, %c0_i32_0 : i32, i32, i32
  }
}

module attributes {stable_mosaic.version = 14 : i64} {
  func.func @_mlp_body(%arg0: i32, %arg1: memref<1x8x2000xf32, #tpu.memory_space<vmem>>, %arg2: memref<1x8x2000xf32, #tpu.memory_space<vmem>>, %arg3: memref<1024x16xbf16, #tpu.memory_space<vmem>>, %arg4: memref<1024x1xf32, #tpu.memory_space<vmem>>, %arg5: memref<128x128xbf16, #tpu.memory_space<vmem>>, %arg6: memref<128x1xf32, #tpu.memory_space<vmem>>, %arg7: memref<2x128xf32, #tpu.memory_space<vmem>>, %arg8: memref<2x1xf32, #tpu.memory_space<vmem>>, %arg9: memref<1x8x2000xf32, #tpu.memory_space<vmem>>, %arg10: memref<1x8x2000xf32, #tpu.memory_space<vmem>>) attributes {dimension_semantics = [#tpu.dimension_semantics<arbitrary>], iteration_bounds = array<i64: 24>, scalar_prefetch = 0 : i64, scratch_operands = 0 : i64, tpu.core_type = #tpu.core_type<tc>, window_params = [{transform_indices = @transform_0, window_bounds = array<i64: 1, 8, 2000>}, {transform_indices = @transform_1, window_bounds = array<i64: 1, 8, 2000>}, {pipeline_mode = #tpu.pipeline_mode<synchronous>, transform_indices = @transform_2, window_bounds = array<i64: 1024, 16>}, {pipeline_mode = #tpu.pipeline_mode<synchronous>, transform_indices = @transform_3, window_bounds = array<i64: 1024, 1>}, {pipeline_mode = #tpu.pipeline_mode<synchronous>, transform_indices = @transform_4, window_bounds = array<i64: 128, 128>}, {pipeline_mode = #tpu.pipeline_mode<synchronous>, transform_indices = @transform_5, window_bounds = array<i64: 128, 1>}, {pipeline_mode = #tpu.pipeline_mode<synchronous>, transform_indices = @transform_6, window_bounds = array<i64: 2, 128>}, {pipeline_mode = #tpu.pipeline_mode<synchronous>, transform_indices = @transform_7, window_bounds = array<i64: 2, 1>}, {transform_indices = @transform_8, window_bounds = array<i64: 1, 8, 2000>}, {transform_indices = @transform_9, window_bounds = array<i64: 1, 8, 2000>}]} {
    %get3A = arith.constant 0 : index
    %get3A_0 = arith.constant 0 : index
    %get3A_1 = arith.constant 0 : index
    %get3A_2 = vector.load %arg1[%get3A, %get3A_0, %get3A_1] : memref<1x8x2000xf32, #tpu.memory_space<vmem>>, vector<1x8x2000xf32>
    %get3A_3 = vector.shape_cast %get3A_2 : vector<1x8x2000xf32> to vector<8x2000xf32>
    %get3A_4 = arith.constant 0 : index
    %get3A_5 = arith.constant 0 : index
    %get3A_6 = arith.constant 0 : index
    %get3A_7 = vector.load %arg2[%get3A_4, %get3A_5, %get3A_6] : memref<1x8x2000xf32, #tpu.memory_space<vmem>>, vector<1x8x2000xf32>
    %get3A_8 = vector.shape_cast %get3A_7 : vector<1x8x2000xf32> to vector<8x2000xf32>
    %mul3A = arith.mulf %get3A_3, %get3A_3 : vector<8x2000xf32>
    %mul3A_9 = arith.mulf %get3A_8, %get3A_8 : vector<8x2000xf32>
    %add3A = arith.addf %mul3A, %mul3A_9 : vector<8x2000xf32>
    %add3A_10 = arith.constant 9.99999996E-13 : f32
    %add3A_11 = vector.broadcast %add3A_10 : f32 to vector<8x2000xf32>
    %add3A_12 = arith.addf %add3A, %add3A_11 : vector<8x2000xf32>
    %log3A = math.log %add3A_12 : vector<8x2000xf32>
    %mul3A_13 = arith.constant 5.000000e-01 : f32
    %mul3A_14 = vector.broadcast %mul3A_13 : f32 to vector<8x2000xf32>
    %mul3A_15 = arith.mulf %mul3A_14, %log3A : vector<8x2000xf32>
    %atan23A = math.atan2 %get3A_8, %get3A_3 : vector<8x2000xf32>
    %concatenate3A = tpu.concatenate %mul3A_15, %atan23A in 0 : vector<8x2000xf32>, vector<8x2000xf32> -> vector<16x2000xf32>
    %convert_element_type3A = arith.truncf %concatenate3A : vector<16x2000xf32> to vector<16x2000xbf16>
    %get3A_16 = arith.constant 0 : index
    %get3A_17 = arith.constant 0 : index
    %get3A_18 = vector.load %arg3[%get3A_16, %get3A_17] : memref<1024x16xbf16, #tpu.memory_space<vmem>>, vector<1024x16xbf16>
    %dot_general3A = arith.constant dense<0.000000e+00> : vector<1024x2000xf32>
    %dot_general3A_19 = tpu.matmul %get3A_18, %convert_element_type3A, %dot_general3A {dimension_numbers = #tpu.dot_dimension_numbers<[1], [0], [0], [1], [0, 0, 1, 1], [], []>, transpose_lhs_hint = false} : vector<1024x16xbf16>, vector<16x2000xbf16>, vector<1024x2000xf32> -> vector<1024x2000xf32>
    %get3A_20 = arith.constant 0 : index
    %get3A_21 = arith.constant 0 : index
    %get3A_22 = vector.load %arg4[%get3A_20, %get3A_21] : memref<1024x1xf32, #tpu.memory_space<vmem>>, vector<1024x1xf32>
    %add3A_23 = vector.broadcast %get3A_22 : vector<1024x1xf32> to vector<1024x2000xf32>
    %add3A_24 = arith.addf %dot_general3A_19, %add3A_23 : vector<1024x2000xf32>
    %tanh3A = math.tanh %add3A_24 : vector<1024x2000xf32>
    %convert_element_type3A_25 = arith.truncf %tanh3A : vector<1024x2000xf32> to vector<1024x2000xbf16>
    %get3A_26 = arith.constant 0 : index
    %get3A_27 = arith.constant 0 : index
    %get3A_28 = vector.load %arg5[%get3A_26, %get3A_27] : memref<128x128xbf16, #tpu.memory_space<vmem>>, vector<128x128xbf16>
    %slice3A = vector.extract_strided_slice %convert_element_type3A_25 {offsets = [0, 0], sizes = [128, 2000], strides = [1, 1]} : vector<1024x2000xbf16> to vector<128x2000xbf16>
    %dot_general3A_29 = arith.constant dense<0.000000e+00> : vector<128x2000xf32>
    %dot_general3A_30 = tpu.matmul %get3A_28, %slice3A, %dot_general3A_29 {dimension_numbers = #tpu.dot_dimension_numbers<[1], [0], [0], [1], [0, 0, 1, 1], [], []>, transpose_lhs_hint = false} : vector<128x128xbf16>, vector<128x2000xbf16>, vector<128x2000xf32> -> vector<128x2000xf32>
    %get3A_31 = arith.constant 0 : index
    %get3A_32 = arith.constant 0 : index
    %get3A_33 = vector.load %arg6[%get3A_31, %get3A_32] : memref<128x1xf32, #tpu.memory_space<vmem>>, vector<128x1xf32>
    %add3A_34 = vector.broadcast %get3A_33 : vector<128x1xf32> to vector<128x2000xf32>
    %add3A_35 = arith.addf %dot_general3A_30, %add3A_34 : vector<128x2000xf32>
    %tanh3A_36 = math.tanh %add3A_35 : vector<128x2000xf32>
    %get3A_37 = arith.constant 0 : index
    %get3A_38 = arith.constant 0 : index
    %get3A_39 = vector.load %arg7[%get3A_37, %get3A_38] : memref<2x128xf32, #tpu.memory_space<vmem>>, vector<2x128xf32>
    %dot_general3A_40 = arith.constant dense<0.000000e+00> : vector<2x2000xf32>
    %dot_general3A_41 = tpu.matmul %get3A_39, %tanh3A_36, %dot_general3A_40 {dimension_numbers = #tpu.dot_dimension_numbers<[1], [0], [0], [1], [0, 0, 1, 1], [], []>, transpose_lhs_hint = false} : vector<2x128xf32>, vector<128x2000xf32>, vector<2x2000xf32> -> vector<2x2000xf32>
    %get3A_42 = arith.constant 0 : index
    %get3A_43 = arith.constant 0 : index
    %get3A_44 = vector.load %arg8[%get3A_42, %get3A_43] : memref<2x1xf32, #tpu.memory_space<vmem>>, vector<2x1xf32>
    %add3A_45 = vector.broadcast %get3A_44 : vector<2x1xf32> to vector<2x2000xf32>
    %add3A_46 = arith.addf %dot_general3A_41, %add3A_45 : vector<2x2000xf32>
    %slice3A_47 = vector.extract_strided_slice %add3A_46 {offsets = [0, 0], sizes = [1, 2000], strides = [1, 1]} : vector<2x2000xf32> to vector<1x2000xf32>
    %slice3A_48 = vector.extract_strided_slice %add3A_46 {offsets = [1, 0], sizes = [1, 2000], strides = [1, 1]} : vector<2x2000xf32> to vector<1x2000xf32>
    %get3A_49 = arith.constant 0 : index
    %get3A_50 = arith.constant 0 : index
    %get3A_51 = vector.load %arg5[%get3A_49, %get3A_50] : memref<128x128xbf16, #tpu.memory_space<vmem>>, vector<128x128xbf16>
    %slice3A_52 = vector.extract_strided_slice %convert_element_type3A_25 {offsets = [128, 0], sizes = [128, 2000], strides = [1, 1]} : vector<1024x2000xbf16> to vector<128x2000xbf16>
    %dot_general3A_53 = arith.constant dense<0.000000e+00> : vector<128x2000xf32>
    %dot_general3A_54 = tpu.matmul %get3A_51, %slice3A_52, %dot_general3A_53 {dimension_numbers = #tpu.dot_dimension_numbers<[1], [0], [0], [1], [0, 0, 1, 1], [], []>, transpose_lhs_hint = false} : vector<128x128xbf16>, vector<128x2000xbf16>, vector<128x2000xf32> -> vector<128x2000xf32>
    %get3A_55 = arith.constant 0 : index
    %get3A_56 = arith.constant 0 : index
    %get3A_57 = vector.load %arg6[%get3A_55, %get3A_56] : memref<128x1xf32, #tpu.memory_space<vmem>>, vector<128x1xf32>
    %add3A_58 = vector.broadcast %get3A_57 : vector<128x1xf32> to vector<128x2000xf32>
    %add3A_59 = arith.addf %dot_general3A_54, %add3A_58 : vector<128x2000xf32>
    %tanh3A_60 = math.tanh %add3A_59 : vector<128x2000xf32>
    %get3A_61 = arith.constant 0 : index
    %get3A_62 = arith.constant 0 : index
    %get3A_63 = vector.load %arg7[%get3A_61, %get3A_62] : memref<2x128xf32, #tpu.memory_space<vmem>>, vector<2x128xf32>
    %dot_general3A_64 = arith.constant dense<0.000000e+00> : vector<2x2000xf32>
    %dot_general3A_65 = tpu.matmul %get3A_63, %tanh3A_60, %dot_general3A_64 {dimension_numbers = #tpu.dot_dimension_numbers<[1], [0], [0], [1], [0, 0, 1, 1], [], []>, transpose_lhs_hint = false} : vector<2x128xf32>, vector<128x2000xf32>, vector<2x2000xf32> -> vector<2x2000xf32>
    %get3A_66 = arith.constant 0 : index
    %get3A_67 = arith.constant 0 : index
    %get3A_68 = vector.load %arg8[%get3A_66, %get3A_67] : memref<2x1xf32, #tpu.memory_space<vmem>>, vector<2x1xf32>
    %add3A_69 = vector.broadcast %get3A_68 : vector<2x1xf32> to vector<2x2000xf32>
    %add3A_70 = arith.addf %dot_general3A_65, %add3A_69 : vector<2x2000xf32>
    %slice3A_71 = vector.extract_strided_slice %add3A_70 {offsets = [0, 0], sizes = [1, 2000], strides = [1, 1]} : vector<2x2000xf32> to vector<1x2000xf32>
    %slice3A_72 = vector.extract_strided_slice %add3A_70 {offsets = [1, 0], sizes = [1, 2000], strides = [1, 1]} : vector<2x2000xf32> to vector<1x2000xf32>
    %get3A_73 = arith.constant 0 : index
    %get3A_74 = arith.constant 0 : index
    %get3A_75 = vector.load %arg5[%get3A_73, %get3A_74] : memref<128x128xbf16, #tpu.memory_space<vmem>>, vector<128x128xbf16>
    %slice3A_76 = vector.extract_strided_slice %convert_element_type3A_25 {offsets = [256, 0], sizes = [128, 2000], strides = [1, 1]} : vector<1024x2000xbf16> to vector<128x2000xbf16>
    %dot_general3A_77 = arith.constant dense<0.000000e+00> : vector<128x2000xf32>
    %dot_general3A_78 = tpu.matmul %get3A_75, %slice3A_76, %dot_general3A_77 {dimension_numbers = #tpu.dot_dimension_numbers<[1], [0], [0], [1], [0, 0, 1, 1], [], []>, transpose_lhs_hint = false} : vector<128x128xbf16>, vector<128x2000xbf16>, vector<128x2000xf32> -> vector<128x2000xf32>
    %get3A_79 = arith.constant 0 : index
    %get3A_80 = arith.constant 0 : index
    %get3A_81 = vector.load %arg6[%get3A_79, %get3A_80] : memref<128x1xf32, #tpu.memory_space<vmem>>, vector<128x1xf32>
    %add3A_82 = vector.broadcast %get3A_81 : vector<128x1xf32> to vector<128x2000xf32>
    %add3A_83 = arith.addf %dot_general3A_78, %add3A_82 : vector<128x2000xf32>
    %tanh3A_84 = math.tanh %add3A_83 : vector<128x2000xf32>
    %get3A_85 = arith.constant 0 : index
    %get3A_86 = arith.constant 0 : index
    %get3A_87 = vector.load %arg7[%get3A_85, %get3A_86] : memref<2x128xf32, #tpu.memory_space<vmem>>, vector<2x128xf32>
    %dot_general3A_88 = arith.constant dense<0.000000e+00> : vector<2x2000xf32>
    %dot_general3A_89 = tpu.matmul %get3A_87, %tanh3A_84, %dot_general3A_88 {dimension_numbers = #tpu.dot_dimension_numbers<[1], [0], [0], [1], [0, 0, 1, 1], [], []>, transpose_lhs_hint = false} : vector<2x128xf32>, vector<128x2000xf32>, vector<2x2000xf32> -> vector<2x2000xf32>
    %get3A_90 = arith.constant 0 : index
    %get3A_91 = arith.constant 0 : index
    %get3A_92 = vector.load %arg8[%get3A_90, %get3A_91] : memref<2x1xf32, #tpu.memory_space<vmem>>, vector<2x1xf32>
    %add3A_93 = vector.broadcast %get3A_92 : vector<2x1xf32> to vector<2x2000xf32>
    %add3A_94 = arith.addf %dot_general3A_89, %add3A_93 : vector<2x2000xf32>
    %slice3A_95 = vector.extract_strided_slice %add3A_94 {offsets = [0, 0], sizes = [1, 2000], strides = [1, 1]} : vector<2x2000xf32> to vector<1x2000xf32>
    %slice3A_96 = vector.extract_strided_slice %add3A_94 {offsets = [1, 0], sizes = [1, 2000], strides = [1, 1]} : vector<2x2000xf32> to vector<1x2000xf32>
    %get3A_97 = arith.constant 0 : index
    %get3A_98 = arith.constant 0 : index
    %get3A_99 = vector.load %arg5[%get3A_97, %get3A_98] : memref<128x128xbf16, #tpu.memory_space<vmem>>, vector<128x128xbf16>
    %slice3A_100 = vector.extract_strided_slice %convert_element_type3A_25 {offsets = [384, 0], sizes = [128, 2000], strides = [1, 1]} : vector<1024x2000xbf16> to vector<128x2000xbf16>
    %dot_general3A_101 = arith.constant dense<0.000000e+00> : vector<128x2000xf32>
    %dot_general3A_102 = tpu.matmul %get3A_99, %slice3A_100, %dot_general3A_101 {dimension_numbers = #tpu.dot_dimension_numbers<[1], [0], [0], [1], [0, 0, 1, 1], [], []>, transpose_lhs_hint = false} : vector<128x128xbf16>, vector<128x2000xbf16>, vector<128x2000xf32> -> vector<128x2000xf32>
    %get3A_103 = arith.constant 0 : index
    %get3A_104 = arith.constant 0 : index
    %get3A_105 = vector.load %arg6[%get3A_103, %get3A_104] : memref<128x1xf32, #tpu.memory_space<vmem>>, vector<128x1xf32>
    %add3A_106 = vector.broadcast %get3A_105 : vector<128x1xf32> to vector<128x2000xf32>
    %add3A_107 = arith.addf %dot_general3A_102, %add3A_106 : vector<128x2000xf32>
    %tanh3A_108 = math.tanh %add3A_107 : vector<128x2000xf32>
    %get3A_109 = arith.constant 0 : index
    %get3A_110 = arith.constant 0 : index
    %get3A_111 = vector.load %arg7[%get3A_109, %get3A_110] : memref<2x128xf32, #tpu.memory_space<vmem>>, vector<2x128xf32>
    %dot_general3A_112 = arith.constant dense<0.000000e+00> : vector<2x2000xf32>
    %dot_general3A_113 = tpu.matmul %get3A_111, %tanh3A_108, %dot_general3A_112 {dimension_numbers = #tpu.dot_dimension_numbers<[1], [0], [0], [1], [0, 0, 1, 1], [], []>, transpose_lhs_hint = false} : vector<2x128xf32>, vector<128x2000xf32>, vector<2x2000xf32> -> vector<2x2000xf32>
    %get3A_114 = arith.constant 0 : index
    %get3A_115 = arith.constant 0 : index
    %get3A_116 = vector.load %arg8[%get3A_114, %get3A_115] : memref<2x1xf32, #tpu.memory_space<vmem>>, vector<2x1xf32>
    %add3A_117 = vector.broadcast %get3A_116 : vector<2x1xf32> to vector<2x2000xf32>
    %add3A_118 = arith.addf %dot_general3A_113, %add3A_117 : vector<2x2000xf32>
    %slice3A_119 = vector.extract_strided_slice %add3A_118 {offsets = [0, 0], sizes = [1, 2000], strides = [1, 1]} : vector<2x2000xf32> to vector<1x2000xf32>
    %slice3A_120 = vector.extract_strided_slice %add3A_118 {offsets = [1, 0], sizes = [1, 2000], strides = [1, 1]} : vector<2x2000xf32> to vector<1x2000xf32>
    %get3A_121 = arith.constant 0 : index
    %get3A_122 = arith.constant 0 : index
    %get3A_123 = vector.load %arg5[%get3A_121, %get3A_122] : memref<128x128xbf16, #tpu.memory_space<vmem>>, vector<128x128xbf16>
    %slice3A_124 = vector.extract_strided_slice %convert_element_type3A_25 {offsets = [512, 0], sizes = [128, 2000], strides = [1, 1]} : vector<1024x2000xbf16> to vector<128x2000xbf16>
    %dot_general3A_125 = arith.constant dense<0.000000e+00> : vector<128x2000xf32>
    %dot_general3A_126 = tpu.matmul %get3A_123, %slice3A_124, %dot_general3A_125 {dimension_numbers = #tpu.dot_dimension_numbers<[1], [0], [0], [1], [0, 0, 1, 1], [], []>, transpose_lhs_hint = false} : vector<128x128xbf16>, vector<128x2000xbf16>, vector<128x2000xf32> -> vector<128x2000xf32>
    %get3A_127 = arith.constant 0 : index
    %get3A_128 = arith.constant 0 : index
    %get3A_129 = vector.load %arg6[%get3A_127, %get3A_128] : memref<128x1xf32, #tpu.memory_space<vmem>>, vector<128x1xf32>
    %add3A_130 = vector.broadcast %get3A_129 : vector<128x1xf32> to vector<128x2000xf32>
    %add3A_131 = arith.addf %dot_general3A_126, %add3A_130 : vector<128x2000xf32>
    %tanh3A_132 = math.tanh %add3A_131 : vector<128x2000xf32>
    %get3A_133 = arith.constant 0 : index
    %get3A_134 = arith.constant 0 : index
    %get3A_135 = vector.load %arg7[%get3A_133, %get3A_134] : memref<2x128xf32, #tpu.memory_space<vmem>>, vector<2x128xf32>
    %dot_general3A_136 = arith.constant dense<0.000000e+00> : vector<2x2000xf32>
    %dot_general3A_137 = tpu.matmul %get3A_135, %tanh3A_132, %dot_general3A_136 {dimension_numbers = #tpu.dot_dimension_numbers<[1], [0], [0], [1], [0, 0, 1, 1], [], []>, transpose_lhs_hint = false} : vector<2x128xf32>, vector<128x2000xf32>, vector<2x2000xf32> -> vector<2x2000xf32>
    %get3A_138 = arith.constant 0 : index
    %get3A_139 = arith.constant 0 : index
    %get3A_140 = vector.load %arg8[%get3A_138, %get3A_139] : memref<2x1xf32, #tpu.memory_space<vmem>>, vector<2x1xf32>
    %add3A_141 = vector.broadcast %get3A_140 : vector<2x1xf32> to vector<2x2000xf32>
    %add3A_142 = arith.addf %dot_general3A_137, %add3A_141 : vector<2x2000xf32>
    %slice3A_143 = vector.extract_strided_slice %add3A_142 {offsets = [0, 0], sizes = [1, 2000], strides = [1, 1]} : vector<2x2000xf32> to vector<1x2000xf32>
    %slice3A_144 = vector.extract_strided_slice %add3A_142 {offsets = [1, 0], sizes = [1, 2000], strides = [1, 1]} : vector<2x2000xf32> to vector<1x2000xf32>
    %get3A_145 = arith.constant 0 : index
    %get3A_146 = arith.constant 0 : index
    %get3A_147 = vector.load %arg5[%get3A_145, %get3A_146] : memref<128x128xbf16, #tpu.memory_space<vmem>>, vector<128x128xbf16>
    %slice3A_148 = vector.extract_strided_slice %convert_element_type3A_25 {offsets = [640, 0], sizes = [128, 2000], strides = [1, 1]} : vector<1024x2000xbf16> to vector<128x2000xbf16>
    %dot_general3A_149 = arith.constant dense<0.000000e+00> : vector<128x2000xf32>
    %dot_general3A_150 = tpu.matmul %get3A_147, %slice3A_148, %dot_general3A_149 {dimension_numbers = #tpu.dot_dimension_numbers<[1], [0], [0], [1], [0, 0, 1, 1], [], []>, transpose_lhs_hint = false} : vector<128x128xbf16>, vector<128x2000xbf16>, vector<128x2000xf32> -> vector<128x2000xf32>
    %get3A_151 = arith.constant 0 : index
    %get3A_152 = arith.constant 0 : index
    %get3A_153 = vector.load %arg6[%get3A_151, %get3A_152] : memref<128x1xf32, #tpu.memory_space<vmem>>, vector<128x1xf32>
    %add3A_154 = vector.broadcast %get3A_153 : vector<128x1xf32> to vector<128x2000xf32>
    %add3A_155 = arith.addf %dot_general3A_150, %add3A_154 : vector<128x2000xf32>
    %tanh3A_156 = math.tanh %add3A_155 : vector<128x2000xf32>
    %get3A_157 = arith.constant 0 : index
    %get3A_158 = arith.constant 0 : index
    %get3A_159 = vector.load %arg7[%get3A_157, %get3A_158] : memref<2x128xf32, #tpu.memory_space<vmem>>, vector<2x128xf32>
    %dot_general3A_160 = arith.constant dense<0.000000e+00> : vector<2x2000xf32>
    %dot_general3A_161 = tpu.matmul %get3A_159, %tanh3A_156, %dot_general3A_160 {dimension_numbers = #tpu.dot_dimension_numbers<[1], [0], [0], [1], [0, 0, 1, 1], [], []>, transpose_lhs_hint = false} : vector<2x128xf32>, vector<128x2000xf32>, vector<2x2000xf32> -> vector<2x2000xf32>
    %get3A_162 = arith.constant 0 : index
    %get3A_163 = arith.constant 0 : index
    %get3A_164 = vector.load %arg8[%get3A_162, %get3A_163] : memref<2x1xf32, #tpu.memory_space<vmem>>, vector<2x1xf32>
    %add3A_165 = vector.broadcast %get3A_164 : vector<2x1xf32> to vector<2x2000xf32>
    %add3A_166 = arith.addf %dot_general3A_161, %add3A_165 : vector<2x2000xf32>
    %slice3A_167 = vector.extract_strided_slice %add3A_166 {offsets = [0, 0], sizes = [1, 2000], strides = [1, 1]} : vector<2x2000xf32> to vector<1x2000xf32>
    %slice3A_168 = vector.extract_strided_slice %add3A_166 {offsets = [1, 0], sizes = [1, 2000], strides = [1, 1]} : vector<2x2000xf32> to vector<1x2000xf32>
    %get3A_169 = arith.constant 0 : index
    %get3A_170 = arith.constant 0 : index
    %get3A_171 = vector.load %arg5[%get3A_169, %get3A_170] : memref<128x128xbf16, #tpu.memory_space<vmem>>, vector<128x128xbf16>
    %slice3A_172 = vector.extract_strided_slice %convert_element_type3A_25 {offsets = [768, 0], sizes = [128, 2000], strides = [1, 1]} : vector<1024x2000xbf16> to vector<128x2000xbf16>
    %dot_general3A_173 = arith.constant dense<0.000000e+00> : vector<128x2000xf32>
    %dot_general3A_174 = tpu.matmul %get3A_171, %slice3A_172, %dot_general3A_173 {dimension_numbers = #tpu.dot_dimension_numbers<[1], [0], [0], [1], [0, 0, 1, 1], [], []>, transpose_lhs_hint = false} : vector<128x128xbf16>, vector<128x2000xbf16>, vector<128x2000xf32> -> vector<128x2000xf32>
    %get3A_175 = arith.constant 0 : index
    %get3A_176 = arith.constant 0 : index
    %get3A_177 = vector.load %arg6[%get3A_175, %get3A_176] : memref<128x1xf32, #tpu.memory_space<vmem>>, vector<128x1xf32>
    %add3A_178 = vector.broadcast %get3A_177 : vector<128x1xf32> to vector<128x2000xf32>
    %add3A_179 = arith.addf %dot_general3A_174, %add3A_178 : vector<128x2000xf32>
    %tanh3A_180 = math.tanh %add3A_179 : vector<128x2000xf32>
    %get3A_181 = arith.constant 0 : index
    %get3A_182 = arith.constant 0 : index
    %get3A_183 = vector.load %arg7[%get3A_181, %get3A_182] : memref<2x128xf32, #tpu.memory_space<vmem>>, vector<2x128xf32>
    %dot_general3A_184 = arith.constant dense<0.000000e+00> : vector<2x2000xf32>
    %dot_general3A_185 = tpu.matmul %get3A_183, %tanh3A_180, %dot_general3A_184 {dimension_numbers = #tpu.dot_dimension_numbers<[1], [0], [0], [1], [0, 0, 1, 1], [], []>, transpose_lhs_hint = false} : vector<2x128xf32>, vector<128x2000xf32>, vector<2x2000xf32> -> vector<2x2000xf32>
    %get3A_186 = arith.constant 0 : index
    %get3A_187 = arith.constant 0 : index
    %get3A_188 = vector.load %arg8[%get3A_186, %get3A_187] : memref<2x1xf32, #tpu.memory_space<vmem>>, vector<2x1xf32>
    %add3A_189 = vector.broadcast %get3A_188 : vector<2x1xf32> to vector<2x2000xf32>
    %add3A_190 = arith.addf %dot_general3A_185, %add3A_189 : vector<2x2000xf32>
    %slice3A_191 = vector.extract_strided_slice %add3A_190 {offsets = [0, 0], sizes = [1, 2000], strides = [1, 1]} : vector<2x2000xf32> to vector<1x2000xf32>
    %slice3A_192 = vector.extract_strided_slice %add3A_190 {offsets = [1, 0], sizes = [1, 2000], strides = [1, 1]} : vector<2x2000xf32> to vector<1x2000xf32>
    %get3A_193 = arith.constant 0 : index
    %get3A_194 = arith.constant 0 : index
    %get3A_195 = vector.load %arg5[%get3A_193, %get3A_194] : memref<128x128xbf16, #tpu.memory_space<vmem>>, vector<128x128xbf16>
    %slice3A_196 = vector.extract_strided_slice %convert_element_type3A_25 {offsets = [896, 0], sizes = [128, 2000], strides = [1, 1]} : vector<1024x2000xbf16> to vector<128x2000xbf16>
    %dot_general3A_197 = arith.constant dense<0.000000e+00> : vector<128x2000xf32>
    %dot_general3A_198 = tpu.matmul %get3A_195, %slice3A_196, %dot_general3A_197 {dimension_numbers = #tpu.dot_dimension_numbers<[1], [0], [0], [1], [0, 0, 1, 1], [], []>, transpose_lhs_hint = false} : vector<128x128xbf16>, vector<128x2000xbf16>, vector<128x2000xf32> -> vector<128x2000xf32>
    %get3A_199 = arith.constant 0 : index
    %get3A_200 = arith.constant 0 : index
    %get3A_201 = vector.load %arg6[%get3A_199, %get3A_200] : memref<128x1xf32, #tpu.memory_space<vmem>>, vector<128x1xf32>
    %add3A_202 = vector.broadcast %get3A_201 : vector<128x1xf32> to vector<128x2000xf32>
    %add3A_203 = arith.addf %dot_general3A_198, %add3A_202 : vector<128x2000xf32>
    %tanh3A_204 = math.tanh %add3A_203 : vector<128x2000xf32>
    %get3A_205 = arith.constant 0 : index
    %get3A_206 = arith.constant 0 : index
    %get3A_207 = vector.load %arg7[%get3A_205, %get3A_206] : memref<2x128xf32, #tpu.memory_space<vmem>>, vector<2x128xf32>
    %dot_general3A_208 = arith.constant dense<0.000000e+00> : vector<2x2000xf32>
    %dot_general3A_209 = tpu.matmul %get3A_207, %tanh3A_204, %dot_general3A_208 {dimension_numbers = #tpu.dot_dimension_numbers<[1], [0], [0], [1], [0, 0, 1, 1], [], []>, transpose_lhs_hint = false} : vector<2x128xf32>, vector<128x2000xf32>, vector<2x2000xf32> -> vector<2x2000xf32>
    %get3A_210 = arith.constant 0 : index
    %get3A_211 = arith.constant 0 : index
    %get3A_212 = vector.load %arg8[%get3A_210, %get3A_211] : memref<2x1xf32, #tpu.memory_space<vmem>>, vector<2x1xf32>
    %add3A_213 = vector.broadcast %get3A_212 : vector<2x1xf32> to vector<2x2000xf32>
    %add3A_214 = arith.addf %dot_general3A_209, %add3A_213 : vector<2x2000xf32>
    %slice3A_215 = vector.extract_strided_slice %add3A_214 {offsets = [0, 0], sizes = [1, 2000], strides = [1, 1]} : vector<2x2000xf32> to vector<1x2000xf32>
    %slice3A_216 = vector.extract_strided_slice %add3A_214 {offsets = [1, 0], sizes = [1, 2000], strides = [1, 1]} : vector<2x2000xf32> to vector<1x2000xf32>
    %concatenate3A_217 = tpu.concatenate %slice3A_47, %slice3A_71, %slice3A_95, %slice3A_119, %slice3A_143, %slice3A_167, %slice3A_191, %slice3A_215 in 0 : vector<1x2000xf32>, vector<1x2000xf32>, vector<1x2000xf32>, vector<1x2000xf32>, vector<1x2000xf32>, vector<1x2000xf32>, vector<1x2000xf32>, vector<1x2000xf32> -> vector<8x2000xf32>
    %concatenate3A_218 = tpu.concatenate %slice3A_48, %slice3A_72, %slice3A_96, %slice3A_120, %slice3A_144, %slice3A_168, %slice3A_192, %slice3A_216 in 0 : vector<1x2000xf32>, vector<1x2000xf32>, vector<1x2000xf32>, vector<1x2000xf32>, vector<1x2000xf32>, vector<1x2000xf32>, vector<1x2000xf32>, vector<1x2000xf32> -> vector<8x2000xf32>
    %exp3A = math.exp %concatenate3A_217 : vector<8x2000xf32>
    %cos3A = math.cos %concatenate3A_218 : vector<8x2000xf32>
    %mul3A_219 = arith.mulf %exp3A, %cos3A : vector<8x2000xf32>
    %swap3A = arith.constant 0 : index
    %swap3A_220 = arith.constant 0 : index
    %swap3A_221 = arith.constant 0 : index
    %swap3A_222 = vector.load %arg9[%swap3A, %swap3A_220, %swap3A_221] : memref<1x8x2000xf32, #tpu.memory_space<vmem>>, vector<1x8x2000xf32>
    %swap3A_223 = vector.shape_cast %swap3A_222 : vector<1x8x2000xf32> to vector<8x2000xf32>
    %swap3A_224 = vector.shape_cast %mul3A_219 : vector<8x2000xf32> to vector<1x8x2000xf32>
    tpu.vector_store %arg9[%swap3A, %swap3A_220, %swap3A_221], %swap3A_224 {strides = array<i32>} : memref<1x8x2000xf32, #tpu.memory_space<vmem>>, vector<1x8x2000xf32>,
    %sin3A = math.sin %concatenate3A_218 : vector<8x2000xf32>
    %mul3A_225 = arith.mulf %exp3A, %sin3A : vector<8x2000xf32>
    %swap3A_226 = arith.constant 0 : index
    %swap3A_227 = arith.constant 0 : index
    %swap3A_228 = arith.constant 0 : index
    %swap3A_229 = vector.load %arg10[%swap3A_226, %swap3A_227, %swap3A_228] : memref<1x8x2000xf32, #tpu.memory_space<vmem>>, vector<1x8x2000xf32>
    %swap3A_230 = vector.shape_cast %swap3A_229 : vector<1x8x2000xf32> to vector<8x2000xf32>
    %swap3A_231 = vector.shape_cast %mul3A_225 : vector<8x2000xf32> to vector<1x8x2000xf32>
    tpu.vector_store %arg10[%swap3A_226, %swap3A_227, %swap3A_228], %swap3A_231 {strides = array<i32>} : memref<1x8x2000xf32, #tpu.memory_space<vmem>>, vector<1x8x2000xf32>,
    return
  }
  func.func @transform_0(%arg0: i32) -> (i32, i32, i32) {
    %c0_i32 = arith.constant 0 : i32
    %c0_i32_0 = arith.constant 0 : i32
    %c0_i32_1 = arith.constant 0 : i32
    return %arg0, %c0_i32, %c0_i32_0 : i32, i32, i32
  }
  func.func @transform_1(%arg0: i32) -> (i32, i32, i32) {
    %c0_i32 = arith.constant 0 : i32
    %c0_i32_0 = arith.constant 0 : i32
    %c0_i32_1 = arith.constant 0 : i32
    return %arg0, %c0_i32, %c0_i32_0 : i32, i32, i32
  }
  func.func @transform_2(%arg0: i32) -> (i32, i32) {
    %c0_i32 = arith.constant 0 : i32
    %c0_i32_0 = arith.constant 0 : i32
    %c0_i32_1 = arith.constant 0 : i32
    return %c0_i32, %c0_i32_0 : i32, i32
  }
  func.func @transform_3(%arg0: i32) -> (i32, i32) {
    %c0_i32 = arith.constant 0 : i32
    %c0_i32_0 = arith.constant 0 : i32
    %c0_i32_1 = arith.constant 0 : i32
    return %c0_i32, %c0_i32_0 : i32, i32
  }
  func.func @transform_4(%arg0: i32) -> (i32, i32) {
    %c0_i32 = arith.constant 0 : i32
    %c0_i32_0 = arith.constant 0 : i32
    %c0_i32_1 = arith.constant 0 : i32
    return %c0_i32, %c0_i32_0 : i32, i32
  }
  func.func @transform_5(%arg0: i32) -> (i32, i32) {
    %c0_i32 = arith.constant 0 : i32
    %c0_i32_0 = arith.constant 0 : i32
    %c0_i32_1 = arith.constant 0 : i32
    return %c0_i32, %c0_i32_0 : i32, i32
  }
  func.func @transform_6(%arg0: i32) -> (i32, i32) {
    %c0_i32 = arith.constant 0 : i32
    %c0_i32_0 = arith.constant 0 : i32
    %c0_i32_1 = arith.constant 0 : i32
    return %c0_i32, %c0_i32_0 : i32, i32
  }
  func.func @transform_7(%arg0: i32) -> (i32, i32) {
    %c0_i32 = arith.constant 0 : i32
    %c0_i32_0 = arith.constant 0 : i32
    %c0_i32_1 = arith.constant 0 : i32
    return %c0_i32, %c0_i32_0 : i32, i32
  }
  func.func @transform_8(%arg0: i32) -> (i32, i32, i32) {
    %c0_i32 = arith.constant 0 : i32
    %c0_i32_0 = arith.constant 0 : i32
    %c0_i32_1 = arith.constant 0 : i32
    return %arg0, %c0_i32, %c0_i32_0 : i32, i32, i32
  }
  func.func @transform_9(%arg0: i32) -> (i32, i32, i32) {
    %c0_i32 = arith.constant 0 : i32
    %c0_i32_0 = arith.constant 0 : i32
    %c0_i32_1 = arith.constant 0 : i32
    return %arg0, %c0_i32, %c0_i32_0 : i32, i32, i32
  }
}

module attributes {stable_mosaic.version = 14 : i64} {
  func.func @body(%arg0: i32, %arg1: memref<32x6272xf32, #tpu.memory_space<vmem>>, %arg2: memref<32x6272xf32, #tpu.memory_space<vmem>>, %arg3: memref<32x6272xf32, #tpu.memory_space<vmem>>, %arg4: memref<32x6272xf32, #tpu.memory_space<vmem>>, %arg5: memref<1x6272xf32, #tpu.memory_space<vmem>>) attributes {dimension_semantics = [#tpu.dimension_semantics<arbitrary>], iteration_bounds = array<i64: 16>, scalar_prefetch = 0 : i64, scratch_operands = 0 : i64, tpu.core_type = #tpu.core_type<tc>, window_params = [{transform_indices = @transform_0, window_bounds = array<i64: 32, 6272>}, {transform_indices = @transform_1, window_bounds = array<i64: 32, 6272>}, {transform_indices = @transform_2, window_bounds = array<i64: 32, 6272>}, {transform_indices = @transform_3, window_bounds = array<i64: 32, 6272>}, {transform_indices = @transform_4, window_bounds = array<i64: 1, 6272>}]} {
    %get3A = arith.constant 0 : index
    %get3A_0 = arith.constant 0 : index
    %get3A_1 = vector.load %arg1[%get3A, %get3A_0] : memref<32x6272xf32, #tpu.memory_space<vmem>>, vector<32x6272xf32>
    %reduce_sum3A = arith.constant dense<0.000000e+00> : vector<6272xf32>
    %reduce_sum3A_2 = vector.multi_reduction <add>, %get3A_1, %reduce_sum3A [0] : vector<32x6272xf32> to vector<6272xf32>
    %broadcast_in_dim3A = vector.shape_cast %reduce_sum3A_2 : vector<6272xf32> to vector<1x6272xf32>
    %get3A_3 = arith.constant 0 : index
    %get3A_4 = arith.constant 0 : index
    %get3A_5 = vector.load %arg2[%get3A_3, %get3A_4] : memref<32x6272xf32, #tpu.memory_space<vmem>>, vector<32x6272xf32>
    %reduce_sum3A_6 = arith.constant dense<0.000000e+00> : vector<6272xf32>
    %reduce_sum3A_7 = vector.multi_reduction <add>, %get3A_5, %reduce_sum3A_6 [0] : vector<32x6272xf32> to vector<6272xf32>
    %broadcast_in_dim3A_8 = vector.shape_cast %reduce_sum3A_7 : vector<6272xf32> to vector<1x6272xf32>
    %add3A = arith.addf %broadcast_in_dim3A, %broadcast_in_dim3A_8 : vector<1x6272xf32>
    %get3A_9 = arith.constant 0 : index
    %get3A_10 = arith.constant 0 : index
    %get3A_11 = vector.load %arg3[%get3A_9, %get3A_10] : memref<32x6272xf32, #tpu.memory_space<vmem>>, vector<32x6272xf32>
    %reduce_sum3A_12 = arith.constant dense<0.000000e+00> : vector<6272xf32>
    %reduce_sum3A_13 = vector.multi_reduction <add>, %get3A_11, %reduce_sum3A_12 [0] : vector<32x6272xf32> to vector<6272xf32>
    %broadcast_in_dim3A_14 = vector.shape_cast %reduce_sum3A_13 : vector<6272xf32> to vector<1x6272xf32>
    %add3A_15 = arith.addf %add3A, %broadcast_in_dim3A_14 : vector<1x6272xf32>
    %get3A_16 = arith.constant 0 : index
    %get3A_17 = arith.constant 0 : index
    %get3A_18 = vector.load %arg4[%get3A_16, %get3A_17] : memref<32x6272xf32, #tpu.memory_space<vmem>>, vector<32x6272xf32>
    %reduce_sum3A_19 = arith.constant dense<0.000000e+00> : vector<6272xf32>
    %reduce_sum3A_20 = vector.multi_reduction <add>, %get3A_18, %reduce_sum3A_19 [0] : vector<32x6272xf32> to vector<6272xf32>
    %broadcast_in_dim3A_21 = vector.shape_cast %reduce_sum3A_20 : vector<6272xf32> to vector<1x6272xf32>
    %add3A_22 = arith.addf %add3A_15, %broadcast_in_dim3A_21 : vector<1x6272xf32>
    %swap3A = arith.constant 0 : index
    %swap3A_23 = arith.constant 0 : index
    %swap3A_24 = vector.load %arg5[%swap3A, %swap3A_23] : memref<1x6272xf32, #tpu.memory_space<vmem>>, vector<1x6272xf32>
    tpu.vector_store %arg5[%swap3A, %swap3A_23], %add3A_22 {strides = array<i32>} : memref<1x6272xf32, #tpu.memory_space<vmem>>, vector<1x6272xf32>,
    return
  }
  func.func @transform_0(%arg0: i32) -> (i32, i32) {
    %c0_i32 = arith.constant 0 : i32
    %c0_i32_0 = arith.constant 0 : i32
    return %c0_i32, %arg0 : i32, i32
  }
  func.func @transform_1(%arg0: i32) -> (i32, i32) {
    %c0_i32 = arith.constant 0 : i32
    %c0_i32_0 = arith.constant 0 : i32
    return %c0_i32, %arg0 : i32, i32
  }
  func.func @transform_2(%arg0: i32) -> (i32, i32) {
    %c0_i32 = arith.constant 0 : i32
    %c0_i32_0 = arith.constant 0 : i32
    return %c0_i32, %arg0 : i32, i32
  }
  func.func @transform_3(%arg0: i32) -> (i32, i32) {
    %c0_i32 = arith.constant 0 : i32
    %c0_i32_0 = arith.constant 0 : i32
    return %c0_i32, %arg0 : i32, i32
  }
  func.func @transform_4(%arg0: i32) -> (i32, i32) {
    %c0_i32 = arith.constant 0 : i32
    %c0_i32_0 = arith.constant 0 : i32
    return %c0_i32, %arg0 : i32, i32
  }
}

</mosaic_0001>

<sc_bundles>
// kernel: kernel.12.cloned.1.call-start
scs
__scs_entry_jumppad:
0x0: {  	(pc) =	sbr.rel $0x88, $3  }
0x1: {  	(tag) =	ssettag $0x0;
	lr =	simm.s32 $0x1  }
0x2: {  	[smem:$0x3F98] =	sst lr;
	_ =	strace $0xD0000000  }
0x3: {  	_ = 	snop  }
0x4: {  	_ = 	snop  }
0x5: {  	_ = 	snop  }
0x6: {  	_ = 	snop  }
0x7: {  	_ = 	snop  }
__scs_overlays_trampoline_lowered:
0x8: {  	[smem:$0x3FA7] =	sst s0  }
0x9: {  	[smem:$0x3FA8] =	sst s1  }
0xa: {  	[smem:$0x3FA9] =	sst s2  }
0xb: {  	[smem:$0x3FAA] =	sst s3  }
0xc: {  	[smem:$0x3FAB] =	sst s4  }
0xd: {  	[smem:$0x3FAC] =	sst s5  }
0xe: {  	[smem:$0x3FAD] =	sst s6  }
0xf: {  	[smem:$0x3FAE] =	sst s7  }
0x10: {  	[smem:$0x3FAF] =	sst s8  }
0x11: {  	[smem:$0x3FB0] =	sst s9;
	s0 =	simm.s32 @!p0 $0x0  }
0x12: {  	s1 =	sld [smem:$0x3F96];
	s0 =	simm.s32 @p0 $0x1  }
0x13: {  	[smem:$0x3FB1] =	sst s0;
	s0 =	simm.s32 @!p1 $0x0  }
0x14: {  	s2 =	sld [smem:$0x3F95];
	s0 =	simm.s32 @p1 $0x1  }
0x15: {  	[smem:$0x3FB2] =	sst s0;
	s0 =	simm.s32 @!p2 $0x0  }
0x16: {  	s3 =	sld [smem:$0x3FDB];
	s0 =	simm.s32 @p2 $0x1  }
0x17: {  	s4 =	simm.s32 $0x1BF5;
	[smem:$0x3FB4] =	sst s0  }
0x18: {  	s0 =	sld [smem:$0x3F97];
	_ =	swait.ge [sflag:s4], $0x0  }
0x19: {  	s7 =	sld [smem:$0x3F98]  }
0x1a: {  	s8 =	sadd.s32 $0xFFFFE003, lr  }
0x1b: {  	s9 =	sadd.s32 $0xFFFFFEF7, lr;
	s5 =	simm.s32 $0xFFFFFFFF;
	p2 =	slt.u32 s8, $0xFFFFF086  }
0x1c: {  	p1 =	slt.u32 s9, $0xF7A;
	s5 =	simm.s32 @!p2 $0x0  }
0x1d: {  	s5 =	simm.s32 @p1 $0x1;
	p0 =	seq.s32 s7, s2  }
0x1e: {  	s7 =	smul.u32 @!p0 $0xF7A, s2;
	p2 =	seq.s32 @!p0 s5, $0x0  }
0x1f: {  	s9 =	smul.u32 $0xF7A, s1;
	s8 =	simm.s32 @!p0 $0x1BF5;
	p2 =	por !p2, p0  }
0x20: {  	[sflag:s8] =	ssyncset.s32 @!p0 $0xFFFFF086;
	s6 =	sadd.s32 @!p0 s3, s7;
	s7 =	simm.s32 @!p0 $0x108  }
0x21: {  	s3 =	sadd.s32 s3, s9;
	s6 =	sadd.s32 @!p0 $0x88, s6;
	s7 =	simm.s32 @p2 $0x1082  }
0x22: {  	[simem:s7], [sflag:s8] =	dma.local @!p0 [hbm:s6], $0xF7A  }
0x23: {  	s9 =	sor.u32 $0xD0000000, s2;
	s6 =	simm.s32 $0x108;
	_ =	swait.ge @!p0 [sflag:s8], $0x0  }
0x24: {  	s3 =	sadd.s32 $0x88, s3;
	s6 =	simm.s32 @!p1 $0x1082;
	[sflag:s4] =	ssyncset.s32 $0xFFFFF086  }
0x25: {  	[simem:s6], [sflag:s4] =	dma.local [hbm:s3], $0xF7A  }
0x26: {  	[smem:$0x3F98] =	sst s1;
	(tag) =	ssettag s2;
	_ =	strace s9  }
0x27: {  	s1 =	sld [smem:$0x3FA8]  }
0x28: {  	s2 =	sld [smem:$0x3FA9]  }
0x29: {  	s4 =	sld [smem:$0x3FAB]  }
0x2a: {  	p0 =	seq.s32 s5, $0x0;
	s5 =	sld [smem:$0x3FAC]  }
0x2b: {  	s6 =	sld [smem:$0x3FAD]  }
0x2c: {  	s7 =	sld [smem:$0x3FAE]  }
0x2d: {  	s3 =	simm.s32 $0x108;
	s8 =	sld [smem:$0x3FAF]  }
0x2e: {  	s3 =	simm.s32 @!p0 $0x1082;
	s9 =	sld [smem:$0x3FB0]  }
0x2f: {  	lr =	sadd.s32 s0, s3;
	s0 =	sld [smem:$0x3FA7]  }
0x30: {  	s3 =	sld [smem:$0x3FAA]  }
0x31: {  	[smem:$0x3FB3] =	sst s10  }
0x32: {  	s10 =	sld [smem:$0x3FB1];
	_ =	sdelay $0x3  }
0x33: {  	p0 =	seq.s32 s10, $0x1;
	s10 =	sld [smem:$0x3FB3];
	_ =	sdelay $0x3  }
0x34: {  	[smem:$0x3FB3] =	sst s10  }
0x35: {  	s10 =	sld [smem:$0x3FB2];
	_ =	sdelay $0x3  }
0x36: {  	p1 =	seq.s32 s10, $0x1;
	s10 =	sld [smem:$0x3FB3];
	_ =	sdelay $0x3  }
0x37: {  	[smem:$0x3FB3] =	sst s10  }
0x38: {  	s10 =	sld [smem:$0x3FB4]  }
0x39: {  	_ = 	snop;
	(pc) =	sbr.ind lr, $3  }
0x3a: {  	_ = 	snop  }
0x3b: {  	_ = 	snop  }
0x3c: {  	p2 =	seq.s32 s10, $0x1;
	s10 =	sld [smem:$0x3FB3]  }
0x3d: {  	_ =	shalt  }
0x3e: {  	_ =	shalt  }
0x3f: {  	_ =	shalt  }
0x40: {  	_ =	shalt  }
0x41: {  	_ =	shalt  }
0x42: {  	_ =	shalt  }
0x43: {  	_ =	shalt  }
0x44: {  	_ =	shalt  }
0x45: {  	_ =	shalt  }
0x46: {  	_ =	shalt  }
0x47: {  	_ =	shalt  }
0x48: {  	_ =	shalt  }
0x49: {  	_ =	shalt  }
0x4a: {  	_ =	shalt  }
0x4b: {  	_ =	shalt  }
0x4c: {  	_ =	shalt  }
0x4d: {  	_ =	shalt  }
0x4e: {  	_ =	shalt  }
0x4f: {  	_ =	shalt  }
0x50: {  	_ =	shalt  }
0x51: {  	_ =	shalt  }
0x52: {  	_ =	shalt  }
0x53: {  	_ =	shalt  }
0x54: {  	_ =	shalt  }
0x55: {  	_ =	shalt  }
0x56: {  	_ =	shalt  }
0x57: {  	_ =	shalt  }
0x58: {  	_ =	shalt  }
0x59: {  	_ =	shalt  }
0x5a: {  	_ =	shalt  }
0x5b: {  	_ =	shalt  }
0x5c: {  	_ =	shalt  }
0x5d: {  	_ =	shalt  }
0x5e: {  	_ =	shalt  }
0x5f: {  	_ =	shalt  }
0x60: {  	_ =	shalt  }
0x61: {  	_ =	shalt  }
0x62: {  	_ =	shalt  }
0x63: {  	_ =	shalt  }
0x64: {  	_ =	shalt  }
0x65: {  	_ =	shalt  }
0x66: {  	_ =	shalt  }
0x67: {  	_ =	shalt  }
0x68: {  	_ =	shalt  }
0x69: {  	_ =	shalt  }
0x6a: {  	_ =	shalt  }
0x6b: {  	_ =	shalt  }
0x6c: {  	_ =	shalt  }
0x6d: {  	_ =	shalt  }
0x6e: {  	_ =	shalt  }
0x6f: {  	_ =	shalt  }
0x70: {  	_ =	shalt  }
0x71: {  	_ =	shalt  }
0x72: {  	_ =	shalt  }
0x73: {  	_ =	shalt  }
0x74: {  	_ =	shalt  }
0x75: {  	_ =	shalt  }
0x76: {  	_ =	shalt  }
0x77: {  	_ =	shalt  }
0x78: {  	_ =	shalt  }
0x79: {  	_ =	shalt  }
0x7a: {  	_ =	shalt  }
0x7b: {  	_ =	shalt  }
0x7c: {  	_ =	shalt  }
0x7d: {  	_ =	shalt  }
0x7e: {  	_ =	shalt  }
0x7f: {  	_ =	shalt  }
0x80: {  	_ =	shalt  }
0x81: {  	_ =	shalt  }
0x82: {  	_ =	shalt  }
0x83: {  	_ =	shalt  }
0x84: {  	_ =	shalt  }
0x85: {  	_ =	shalt  }
0x86: {  	_ =	shalt  }
0x87: {  	_ =	shalt  }
.Lfunc_end0:
.L_simem_size_0:
called_computation_lowered:
.L_overlay_start_0:
0x88: {  	s2 =	sld [smem:$0x3FD9]  }
0x89: {  	s3 =	sld [smem:$0x3FFE];
	_ =	sdelay $0x1  }
0x8a: {  	s1 =	srdreg.scid  }
0x8b: {  	s0 =	sand.u32 $0x1, s1  }
0x8c: {  	s17 =	sshll.u32 s0, $0xA;
	s2 =	sadd.s32 s3, s2  }
0x8d: {  	s2 =	sadd.s32 s2, s17  }
0x8e: {  	[smem:$0x3FBF] =	sst s2  }
0x8f: {  	_ = 	snop  }
0x90: {  	s2 =	sld [smem:$0x3FD0];
	(tm) =	ssettm $0x1  }
0x91: {  	s18 =	sld [smem:$0x3FFB];
	_ =	sdelay $0x3  }
0x92: {  	_ =	strace s18  }
0x93: {  	s3 =	sld [smem:$0x3FFC];
	_ =	sdelay $0x3  }
0x94: {  	_ =	strace s3  }
0x95: {  	s3 =	sld [smem:$0x3FFD];
	_ =	sdelay $0x3  }
0x96: {  	_ =	strace s3  }
0x97: {  	_ =	strace $0x8FFFFFFF  }
0x98: {  	s19 =	sld [smem:$0x3FDB];
	_ =	sdelay $0x1  }
0x99: {  	s4 =	simm.s32 $_scs_section_size  }
0x9a: {  	s5 =	simm.s32 $_size__tile_overlayer_lowered;
	s6 =	simm.s32 $_tile_overlayer_lowered  }
0x9b: {  	s22 =	simm.s32 $0x1BFF;
	s21 =	sshll.u32 s6, $0x1;
	s3 =	sadd.s32 s4, s19  }
0x9c: {  	s7 =	simm.s32 $0x0;
	s20 =	sshll.u32 s5, $0x1;
	s5 =	sadd.s32 s21, s3  }
0x9d: {  	[timem:s7], [sflag:s22] =	dma.local [hbm:s5], s20  }
0x9e: {  	_ =	swait.ge [sflag:s22], s20  }
0x9f: {  	s4 =	ssub.s32 $0x0, s20;
	[sflag:s22] =	ssyncset.done $0x0  }
0xa0: {  	[sflag:s22] =	ssyncadd.s32 s4;
	_ =	sdelay $0x1  }
0xa1: {  	s23 =	simm.s32 $0x1B8B  }
0xa2: {  	_ =	swait.ge [sflag:s23], $0x1  }
0xa3: {  	[sflag:s23] =	ssyncset.done $0x0  }
0xa4: {  	s25 =	simm.s32 $0x1B8E;
	s24 =	sld [smem:$0x3FFE];
	[sflag:s23] =	ssyncadd.s32 $0xFFFFFFFF  }
0xa5: {  	s26 =	simm.s32 $execute0_lowered;
	[smem:$0x3FD2] =	sst s25  }
0xa6: {  	s5 =	sshll.u32 s26, $0x1;
	_ =	strace $0x80000046;
	[dreg:$0x1] =	wrdreg $0xFFFFFFFF  }
0xa7: {  	s28 =	simm.s32 $_size_execute0_lowered;
	s3 =	sadd.s32 s3, s5;
	[dreg:$0x0] =	wrdreg $0x0  }
0xa8: {  	s5 =	sshll.u32 s28, $0x1;
	[dreg:$0x2] =	wrdreg s3  }
0xa9: {  	[dreg:$0x3] =	wrdreg s5  }
0xaa: {  	[dreg:$0x4] =	wrdreg $0xC0  }
0xab: {  	_ =	task [dreg:s7], $0x5FFFF  }
0xac: {  	[dreg:$0x1] =	wrdreg $0xFFFFFFFF  }
0xad: {  	[dreg:$0x0] =	wrdreg $0x60  }
0xae: {  	[dreg:$0x2] =	wrdreg s2  }
0xaf: {  	[dreg:$0x3] =	wrdreg s24  }
0xb0: {  	[dreg:$0x4] =	wrdreg $0x9  }
0xb1: {  	_ =	task.clear_ibuf [dreg:s7], $0x5FFFF;
	_ =	strace $0x90000046  }
0xb2: {  	s29 =	simm.s32 $0x9;
	_ =	strace $0x80000048  }
0xb3: {  	_ =	swait.ge [sflag:s29], $0x1  }
0xb4: {  	[sflag:s29] =	ssyncadd.s32 $0xFFFFFFFF  }
0xb5: {  	_ =	strace $0x90000048  }
0xb6: {  	_ =	sfence  }
0xb7: {  	s30 =	sld [smem:$0x0];
	_ =	sdelay $0x2  }
0xb8: {  	s31 =	sshll.u32 s1, $0xD;
	s1 =	sshrl.u32 s1, $0x2  }
0xb9: {  	s3 =	sand.u32 $0x4000, s31;
	s1 =	sadd.s32 s1, s30  }
0xba: {  	s0 =	sor.u32 s3, s0;
	s1 =	sshll.u32 s1, $0x11  }
0xbb: {  	s0 =	sor.u32 s1, s0  }
0xbc: {  	s0 =	sadd.s32 $0x8F2B, s0  }
0xbd: {  	[sflag:s0] =	ssyncadd.remote.s32 $0x1  }
0xbe: {  	_ =	sfence.sel $0xFFFF  }
0xbf: {  	[dreg:$0x0] =	wrdreg $0xFFFFFFFF;
	(pc) =	sbr.abs _section_cstart, $3  }
0xc0: {  	[dreg:$0x1] =	wrdreg $0xFFFFFFFF  }
0xc1: {  	_ =	task.clear_ibuf [dreg:s7], $0x2FFFF;
	_ =	strace $0x9FFFFFFF  }
0xc2: {  	(tm) =	ssettm $0x7FFFFFFF  }
0xc3: {  	_ =	shalt  }
tec
execute0_lowered:
.L_overlay_start_1:
0x0: {  	(tag) =	ssettag $0x1  }
0x1: {  	s1 =	rddreg [dreg:$0x0]  }
0x2: {  	s6 =	rddreg [dreg:$0x1]  }
0x3: {  	s0 =	rddreg [dreg:$0x2]  }
0x4: {  	s3 =	simm.s32 $0x0;
	s4 =	srdreg.scid;
	s2 =	stileid.u32  }
0x5: {  	s11 =	simm.s32 $0xCB80;
	s12 =	simm.s32 $0xD380;
	s13 =	simm.s32 $0x0  }
0x6: {  	[smem:$0x7FF] =	sst s3;
	s7 =	sand.u32 $0x1, s4;
	s4 =	sadd.s32 $0xA00, s6  }
0x7: {  	s9 =	sshll.u32 s2, $0x1;
	s5 =	sadd.s32 $0x31800, s6;
	s8 =	ssub.s32 $0x2, s7  }
0x8: {  	s6 =	sadd.s32 $0x62600, s6;
	_ =	strace $0x80000047;
	s10 =	sshrl.u32 s8, $0x1  }
0x9: {  	s7 =	sor.u32 s7, s9;
	s9 =	simm.s32 $0x1;
	s8 =	ssub.s32 s8, s10  }
0xa: {  	s7 =	smul.u32 $0xC350, s7;
	s10 =	simm.s32 $0xC380;
	s8 =	smax.u32 s8, $0x1  }
.LBB2_1:
0xb: {  	[tilespmem:s3], [sflag:$0x1] =	stream.linear.gather [hbm4b:s1+s3], $0xC380, $0x38;
	[tilespmem:$0xDB80] =	vst v63  }
0xc: {  	_ =	swait.ge [sflag:s9], $0xC380  }
0xd: {  	[sflag:s9] =	ssyncset.done $0x0  }
0xe: {  	s14 =	simm.s32 $0x0;
	[sflag:s9] =	ssyncadd.s32 $0xFFFF3C80  }
.LBB2_2:
0xf: {  	s15 =	smul.u32 $0x7D0, s14;
	_ =	sdelay $0x1  }
0x10: {  	s15 =	sadd.s32 s7, s15  }
0x11: {  	s15 =	sshrl.u32 s15, $0x3  }
0x12: {  	s17 =	simm.s32 $0x0;
	s16 =	sadd.s32 s4, s15  }
0x13: {  	[tilespmem:s10], [sflag:$0x1] =	stream.linear.gather [hbm4b:s16+s17], $0x7D0, $0x38;
	[tilespmem:$0xDB80] =	vst v63  }
0x14: {  	_ =	swait.ge [sflag:s9], $0x7D0  }
0x15: {  	[sflag:s9] =	ssyncset.done $0x0  }
0x16: {  	s31 =	sadd.s32 s5, s15;
	[sflag:s9] =	ssyncadd.s32 $0xFFFFF830  }
0x17: {  	[tilespmem:s11], [sflag:$0x1] =	stream.linear.gather [hbm4b:s31+s17], $0x7D0, $0x38;
	[tilespmem:$0xDB80] =	vst v63  }
0x18: {  	_ =	swait.ge [sflag:s9], $0x7D0  }
0x19: {  	[sflag:s9] =	ssyncset.done $0x0  }
0x1a: {  	s16 =	simm.s32 $0x0;
	[sflag:s9] =	ssyncadd.s32 $0xFFFFF830  }
0x1b: {  	v0 =	vld [tilespmem:s16+$0xCB80]  }
0x1c: {  	v1 =	vld [tilespmem:s16+$0xC380];
	_ =	sdelay $0x6  }
0x1d: {  	v0 =	vld.idx.msk [tilespmem:v0+s3+$0x0], $0xffff  }
0x1e: {  	s17 =	simm.s32 $0x10;
	v2 =	vld.idx.msk [tilespmem:v1+s3+$0x0], $0xffff  }
0x1f: {  	s18 =	simm.s32 $0x80;
	v1 =	vld [tilespmem:s17+$0xCB80]  }
.LBB2_3:
0x20: {  	p0 =	sne.s32 s18, $0x1F00;
	v3 =	vld [tilespmem:s17+$0xC380];
	_ =	sdelay $0x3  }
0x21: {  	v0 =	vmul.f32 v0, v2  }
.Ltmp0:
0x22: {  	(pc) =	sbr.rel @p0 .LBB2_3-.Ltmp0, $4  }
0x23: {  	[tilespmem:s16+$0xD380] =	vst v0;
	s16 =	smov.u32 s17  }
0x24: {  	v0 =	vld.idx.msk [tilespmem:v1+s3+$0x0], $0xffff  }
0x25: {  	s17 =	sshra.s32 s18, $0x2;
	v2 =	vld.idx.msk [tilespmem:v3+s3+$0x0], $0xffff  }
0x26: {  	s18 =	sadd.s32 $0x40, s18;
	v1 =	vld [tilespmem:s17+$0xCB80]  }
0x27: {  	_ = 	snop  }
0x28: {  	v3 =	vld [tilespmem:s17+$0xC380];
	_ =	sdelay $0x3  }
0x29: {  	v0 =	vmul.f32 v0, v2;
	_ =	sdelay $0x1  }
0x2a: {  	[tilespmem:s16+$0xD380] =	vst v0  }
0x2b: {  	v0 =	vld.idx.msk [tilespmem:v1+s3+$0x0], $0xffff  }
0x2c: {  	v63 =	vld.idx.msk [tilespmem:v3+s3+$0x0], $0xffff;
	_ =	sdelay $0x4  }
0x2d: {  	s14 =	sadd.s32 $0x1, s14;
	v0 =	vmul.f32 v0, v63  }
0x2e: {  	p0 =	sne.s32 s14, $0x19  }
.Ltmp1:
0x2f: {  	s15 =	sadd.s32 s6, s15;
	[tilespmem:s17+$0xD380] =	vst v0;
	(pc) =	sbr.rel @p0 .LBB2_2-.Ltmp1, $4  }
0x30: {  	[hbm4b:s15+s3] =	stream.linear.scatter [tilespmem:s12], [sflag:$0x1], $0x7D0, $0x38;
	[tilespmem:$0xDB80] =	vst v63  }
0x31: {  	_ =	swait.ge [sflag:s9], $0x7D0  }
0x32: {  	[sflag:s9] =	ssyncset.done $0x0  }
0x33: {  	[sflag:s9] =	ssyncadd.s32 $0xFFFFF830  }
0x34: {  	s13 =	sadd.s32 $0x1, s13  }
0x35: {  	p0 =	sne.s32 s13, s8  }
.Ltmp2:
0x36: {  	_ = 	snop;
	(pc) =	sbr.rel @p0 .LBB2_1-.Ltmp2, $1  }
0x37: {  	_ =	sdelay $0x3  }
0x38: {  	_ =	sfence.sel $0x180000  }
0x39: {  	[bflag:$0x0] =	sbarrier.arrive $0xFFFF  }
0x3a: {  	p0 =	sne.s32 s2, $0x0;
	_ =	strace $0x90000047  }
0x3b: {  	s0 =	sadd.s32 @!p0 $0x100000, s0;
	[bflag:$0x2] =	sbarrier.arrive $0xFFFF  }
0x3c: {  	[sflag:s0] =	ssyncadd.tile.s32 @!p0 $0x1;
	_ =	shalt  }
.Lfunc_end2:
_tile_overlayer_lowered:
.L_overlay_start_2:
0x3d: {  	(tag) =	ssettag $0x2  }
0x3e: {  	s0 =	rddreg [dreg:$0x0];
	s2 =	stileid.u32  }
0x3f: {  	s1 =	rddreg [dreg:$0x1];
	p0 =	sne.s32 s2, $0x0  }
0x40: {  	s3 =	rddreg [dreg:$0x2];
	[bflag:$0x3] =	sbarrier.arrive $0xFFFF;
	s2 =	simm.s32 @!p0 $0x1C01  }
0x41: {  	[timem:s3], [sflag:s2] =	dma.local @!p0 [hbm:s0], s1  }
0x42: {  	s0 =	simm.s32 @!p0 $0x1  }
0x43: {  	_ =	swait.ge @!p0 [sflag:s0], s1  }
0x44: {  	s1 =	ssub.s32 @!p0 $0x0, s1;
	[sflag:s0] =	ssyncset.done @!p0 $0x0  }
0x45: {  	[sflag:s0] =	ssyncadd.s32 @!p0 s1  }
0x46: {  	[bflag:$0x3] =	sbarrier.arrive $0xFFFF  }
0x47: {  	_ =	shalt  }

// kernel: kernel.15.cloned.1.call-start
scs
__scs_entry_jumppad:
0x0: {  	(pc) =	sbr.rel $0x88, $3  }
0x1: {  	(tag) =	ssettag $0x0;
	lr =	simm.s32 $0x1  }
0x2: {  	[smem:$0x3F98] =	sst lr;
	_ =	strace $0xD0000000  }
0x3: {  	_ = 	snop  }
0x4: {  	_ = 	snop  }
0x5: {  	_ = 	snop  }
0x6: {  	_ = 	snop  }
0x7: {  	_ = 	snop  }
__scs_overlays_trampoline_lowered:
0x8: {  	[smem:$0x3FA7] =	sst s0  }
0x9: {  	[smem:$0x3FA8] =	sst s1  }
0xa: {  	[smem:$0x3FA9] =	sst s2  }
0xb: {  	[smem:$0x3FAA] =	sst s3  }
0xc: {  	[smem:$0x3FAB] =	sst s4  }
0xd: {  	[smem:$0x3FAC] =	sst s5  }
0xe: {  	[smem:$0x3FAD] =	sst s6  }
0xf: {  	[smem:$0x3FAE] =	sst s7  }
0x10: {  	[smem:$0x3FAF] =	sst s8  }
0x11: {  	[smem:$0x3FB0] =	sst s9;
	s0 =	simm.s32 @!p0 $0x0  }
0x12: {  	s1 =	sld [smem:$0x3F96];
	s0 =	simm.s32 @p0 $0x1  }
0x13: {  	[smem:$0x3FB1] =	sst s0;
	s0 =	simm.s32 @!p1 $0x0  }
0x14: {  	s2 =	sld [smem:$0x3F95];
	s0 =	simm.s32 @p1 $0x1  }
0x15: {  	[smem:$0x3FB2] =	sst s0;
	s0 =	simm.s32 @!p2 $0x0  }
0x16: {  	s3 =	sld [smem:$0x3FDB];
	s0 =	simm.s32 @p2 $0x1  }
0x17: {  	s4 =	simm.s32 $0x1BF5;
	[smem:$0x3FB4] =	sst s0  }
0x18: {  	s0 =	sld [smem:$0x3F97];
	_ =	swait.ge [sflag:s4], $0x0  }
0x19: {  	s7 =	sld [smem:$0x3F98]  }
0x1a: {  	s8 =	sadd.s32 $0xFFFFE003, lr  }
0x1b: {  	s9 =	sadd.s32 $0xFFFFFEF7, lr;
	s5 =	simm.s32 $0xFFFFFFFF;
	p2 =	slt.u32 s8, $0xFFFFF086  }
0x1c: {  	p1 =	slt.u32 s9, $0xF7A;
	s5 =	simm.s32 @!p2 $0x0  }
0x1d: {  	s5 =	simm.s32 @p1 $0x1;
	p0 =	seq.s32 s7, s2  }
0x1e: {  	s7 =	smul.u32 @!p0 $0xF7A, s2;
	p2 =	seq.s32 @!p0 s5, $0x0  }
0x1f: {  	s9 =	smul.u32 $0xF7A, s1;
	s8 =	simm.s32 @!p0 $0x1BF5;
	p2 =	por !p2, p0  }
0x20: {  	[sflag:s8] =	ssyncset.s32 @!p0 $0xFFFFF086;
	s6 =	sadd.s32 @!p0 s3, s7;
	s7 =	simm.s32 @!p0 $0x108  }
0x21: {  	s3 =	sadd.s32 s3, s9;
	s6 =	sadd.s32 @!p0 $0x88, s6;
	s7 =	simm.s32 @p2 $0x1082  }
0x22: {  	[simem:s7], [sflag:s8] =	dma.local @!p0 [hbm:s6], $0xF7A  }
0x23: {  	s9 =	sor.u32 $0xD0000000, s2;
	s6 =	simm.s32 $0x108;
	_ =	swait.ge @!p0 [sflag:s8], $0x0  }
0x24: {  	s3 =	sadd.s32 $0x88, s3;
	s6 =	simm.s32 @!p1 $0x1082;
	[sflag:s4] =	ssyncset.s32 $0xFFFFF086  }
0x25: {  	[simem:s6], [sflag:s4] =	dma.local [hbm:s3], $0xF7A  }
0x26: {  	[smem:$0x3F98] =	sst s1;
	(tag) =	ssettag s2;
	_ =	strace s9  }
0x27: {  	s1 =	sld [smem:$0x3FA8]  }
0x28: {  	s2 =	sld [smem:$0x3FA9]  }
0x29: {  	s4 =	sld [smem:$0x3FAB]  }
0x2a: {  	p0 =	seq.s32 s5, $0x0;
	s5 =	sld [smem:$0x3FAC]  }
0x2b: {  	s6 =	sld [smem:$0x3FAD]  }
0x2c: {  	s7 =	sld [smem:$0x3FAE]  }
0x2d: {  	s3 =	simm.s32 $0x108;
	s8 =	sld [smem:$0x3FAF]  }
0x2e: {  	s3 =	simm.s32 @!p0 $0x1082;
	s9 =	sld [smem:$0x3FB0]  }
0x2f: {  	lr =	sadd.s32 s0, s3;
	s0 =	sld [smem:$0x3FA7]  }
0x30: {  	s3 =	sld [smem:$0x3FAA]  }
0x31: {  	[smem:$0x3FB3] =	sst s10  }
0x32: {  	s10 =	sld [smem:$0x3FB1];
	_ =	sdelay $0x3  }
0x33: {  	p0 =	seq.s32 s10, $0x1;
	s10 =	sld [smem:$0x3FB3];
	_ =	sdelay $0x3  }
0x34: {  	[smem:$0x3FB3] =	sst s10  }
0x35: {  	s10 =	sld [smem:$0x3FB2];
	_ =	sdelay $0x3  }
0x36: {  	p1 =	seq.s32 s10, $0x1;
	s10 =	sld [smem:$0x3FB3];
	_ =	sdelay $0x3  }
0x37: {  	[smem:$0x3FB3] =	sst s10  }
0x38: {  	s10 =	sld [smem:$0x3FB4]  }
0x39: {  	_ = 	snop;
	(pc) =	sbr.ind lr, $3  }
0x3a: {  	_ = 	snop  }
0x3b: {  	_ = 	snop  }
0x3c: {  	p2 =	seq.s32 s10, $0x1;
	s10 =	sld [smem:$0x3FB3]  }
0x3d: {  	_ =	shalt  }
0x3e: {  	_ =	shalt  }
0x3f: {  	_ =	shalt  }
0x40: {  	_ =	shalt  }
0x41: {  	_ =	shalt  }
0x42: {  	_ =	shalt  }
0x43: {  	_ =	shalt  }
0x44: {  	_ =	shalt  }
0x45: {  	_ =	shalt  }
0x46: {  	_ =	shalt  }
0x47: {  	_ =	shalt  }
0x48: {  	_ =	shalt  }
0x49: {  	_ =	shalt  }
0x4a: {  	_ =	shalt  }
0x4b: {  	_ =	shalt  }
0x4c: {  	_ =	shalt  }
0x4d: {  	_ =	shalt  }
0x4e: {  	_ =	shalt  }
0x4f: {  	_ =	shalt  }
0x50: {  	_ =	shalt  }
0x51: {  	_ =	shalt  }
0x52: {  	_ =	shalt  }
0x53: {  	_ =	shalt  }
0x54: {  	_ =	shalt  }
0x55: {  	_ =	shalt  }
0x56: {  	_ =	shalt  }
0x57: {  	_ =	shalt  }
0x58: {  	_ =	shalt  }
0x59: {  	_ =	shalt  }
0x5a: {  	_ =	shalt  }
0x5b: {  	_ =	shalt  }
0x5c: {  	_ =	shalt  }
0x5d: {  	_ =	shalt  }
0x5e: {  	_ =	shalt  }
0x5f: {  	_ =	shalt  }
0x60: {  	_ =	shalt  }
0x61: {  	_ =	shalt  }
0x62: {  	_ =	shalt  }
0x63: {  	_ =	shalt  }
0x64: {  	_ =	shalt  }
0x65: {  	_ =	shalt  }
0x66: {  	_ =	shalt  }
0x67: {  	_ =	shalt  }
0x68: {  	_ =	shalt  }
0x69: {  	_ =	shalt  }
0x6a: {  	_ =	shalt  }
0x6b: {  	_ =	shalt  }
0x6c: {  	_ =	shalt  }
0x6d: {  	_ =	shalt  }
0x6e: {  	_ =	shalt  }
0x6f: {  	_ =	shalt  }
0x70: {  	_ =	shalt  }
0x71: {  	_ =	shalt  }
0x72: {  	_ =	shalt  }
0x73: {  	_ =	shalt  }
0x74: {  	_ =	shalt  }
0x75: {  	_ =	shalt  }
0x76: {  	_ =	shalt  }
0x77: {  	_ =	shalt  }
0x78: {  	_ =	shalt  }
0x79: {  	_ =	shalt  }
0x7a: {  	_ =	shalt  }
0x7b: {  	_ =	shalt  }
0x7c: {  	_ =	shalt  }
0x7d: {  	_ =	shalt  }
0x7e: {  	_ =	shalt  }
0x7f: {  	_ =	shalt  }
0x80: {  	_ =	shalt  }
0x81: {  	_ =	shalt  }
0x82: {  	_ =	shalt  }
0x83: {  	_ =	shalt  }
0x84: {  	_ =	shalt  }
0x85: {  	_ =	shalt  }
0x86: {  	_ =	shalt  }
0x87: {  	_ =	shalt  }
.Lfunc_end0:
.L_simem_size_0:
called_computation.1_lowered:
.L_overlay_start_0:
0x88: {  	s2 =	sld [smem:$0x3FD9]  }
0x89: {  	s3 =	sld [smem:$0x3FFE];
	_ =	sdelay $0x1  }
0x8a: {  	s1 =	srdreg.scid  }
0x8b: {  	s0 =	sand.u32 $0x1, s1  }
0x8c: {  	s16 =	sshll.u32 s0, $0xA;
	s2 =	sadd.s32 s3, s2  }
0x8d: {  	s2 =	sadd.s32 s2, s16  }
0x8e: {  	[smem:$0x3FBF] =	sst s2  }
0x8f: {  	_ = 	snop  }
0x90: {  	(tm) =	ssettm $0x1  }
0x91: {  	s17 =	sld [smem:$0x3FFB];
	_ =	sdelay $0x3  }
0x92: {  	_ =	strace s17  }
0x93: {  	s2 =	sld [smem:$0x3FFC];
	_ =	sdelay $0x3  }
0x94: {  	_ =	strace s2  }
0x95: {  	s2 =	sld [smem:$0x3FFD];
	_ =	sdelay $0x3  }
0x96: {  	_ =	strace s2  }
0x97: {  	_ =	strace $0x8FFFFFFF  }
0x98: {  	s18 =	sld [smem:$0x3FDB];
	_ =	sdelay $0x1  }
0x99: {  	s19 =	simm.s32 $_scs_section_size  }
0x9a: {  	s4 =	simm.s32 $_size__tile_overlayer_lowered;
	s5 =	simm.s32 $_tile_overlayer_lowered  }
0x9b: {  	s22 =	simm.s32 $0x1BFF;
	s21 =	sshll.u32 s5, $0x1;
	s2 =	sadd.s32 s19, s18  }
0x9c: {  	s6 =	simm.s32 $0x0;
	s20 =	sshll.u32 s4, $0x1;
	s4 =	sadd.s32 s21, s2  }
0x9d: {  	[timem:s6], [sflag:s22] =	dma.local [hbm:s4], s20  }
0x9e: {  	_ =	swait.ge [sflag:s22], s20  }
0x9f: {  	s3 =	ssub.s32 $0x0, s20;
	[sflag:s22] =	ssyncset.done $0x0  }
0xa0: {  	[sflag:s22] =	ssyncadd.s32 s3;
	_ =	sdelay $0x1  }
0xa1: {  	s23 =	simm.s32 $0x1B8B  }
0xa2: {  	_ =	swait.ge [sflag:s23], $0x1  }
0xa3: {  	[sflag:s23] =	ssyncset.done $0x0  }
0xa4: {  	s25 =	simm.s32 $0x1B8E;
	s24 =	sld [smem:$0x3FFE];
	[sflag:s23] =	ssyncadd.s32 $0xFFFFFFFF  }
0xa5: {  	s26 =	simm.s32 $execute0_lowered;
	[smem:$0x3FD2] =	sst s25  }
0xa6: {  	s4 =	sshll.u32 s26, $0x1;
	_ =	strace $0x80000049;
	[dreg:$0x1] =	wrdreg $0xFFFFFFFF  }
0xa7: {  	s28 =	simm.s32 $_size_execute0_lowered;
	s2 =	sadd.s32 s2, s4;
	[dreg:$0x0] =	wrdreg $0x0  }
0xa8: {  	s4 =	sshll.u32 s28, $0x1;
	[dreg:$0x2] =	wrdreg s2  }
0xa9: {  	[dreg:$0x3] =	wrdreg s4  }
0xaa: {  	[dreg:$0x4] =	wrdreg $0xC0  }
0xab: {  	_ =	task [dreg:s6], $0x5FFFF  }
0xac: {  	[dreg:$0x1] =	wrdreg $0xFFFFFFFF  }
0xad: {  	[dreg:$0x0] =	wrdreg $0x60  }
0xae: {  	[dreg:$0x2] =	wrdreg s24  }
0xaf: {  	[dreg:$0x3] =	wrdreg $0x9  }
0xb0: {  	_ =	task.clear_ibuf [dreg:s6], $0x4FFFF;
	_ =	strace $0x90000049  }
0xb1: {  	s29 =	simm.s32 $0x9;
	_ =	strace $0x8000004B  }
0xb2: {  	_ =	swait.ge [sflag:s29], $0x1  }
0xb3: {  	[sflag:s29] =	ssyncadd.s32 $0xFFFFFFFF  }
0xb4: {  	_ =	strace $0x9000004B  }
0xb5: {  	_ =	sfence  }
0xb6: {  	s30 =	sld [smem:$0x0];
	_ =	sdelay $0x2  }
0xb7: {  	s31 =	sshll.u32 s1, $0xD;
	s1 =	sshrl.u32 s1, $0x2  }
0xb8: {  	s3 =	sand.u32 $0x4000, s31;
	s1 =	sadd.s32 s1, s30  }
0xb9: {  	s0 =	sor.u32 s3, s0;
	s1 =	sshll.u32 s1, $0x11  }
0xba: {  	s0 =	sor.u32 s1, s0  }
0xbb: {  	s0 =	sadd.s32 $0x8F2B, s0  }
0xbc: {  	[sflag:s0] =	ssyncadd.remote.s32 $0x1  }
0xbd: {  	_ =	sfence.sel $0xFFFF  }
0xbe: {  	[dreg:$0x0] =	wrdreg $0xFFFFFFFF;
	(pc) =	sbr.abs _section_cstart, $3  }
0xbf: {  	[dreg:$0x1] =	wrdreg $0xFFFFFFFF  }
0xc0: {  	_ =	task.clear_ibuf [dreg:s6], $0x2FFFF;
	_ =	strace $0x9FFFFFFF  }
0xc1: {  	(tm) =	ssettm $0x7FFFFFFF  }
tec
execute0_lowered:
.L_overlay_start_1:
0x0: {  	(tag) =	ssettag $0x1  }
0x1: {  	s8 =	rddreg [dreg:$0x0];
	s2 =	srdreg.scid  }
0x2: {  	s1 =	stileid.u32;
	s0 =	rddreg [dreg:$0x1]  }
0x3: {  	s12 =	simm.s32 $0x18800;
	s13 =	simm.s32 $0x19000;
	s14 =	simm.s32 $0x19800  }
0x4: {  	s15 =	simm.s32 $0x1A000;
	s16 =	simm.s32 $0x80;
	s17 =	simm.s32 $0x400  }
0x5: {  	s18 =	simm.s32 $0x0;
	s22 =	simm.s32 $0x0;
	s7 =	sand.u32 $0x1, s2  }
0x6: {  	s3 =	sshll.u32 s1, $0x1;
	s2 =	simm.s32 $0x0;
	s30 =	sshrl.u32 s1, $0x2  }
0x7: {  	s5 =	sadd.s32 $0x93400, s8;
	s9 =	sor.u32 s7, s3;
	[smem:$0x7FF] =	sst s2  }
0x8: {  	s6 =	smul.u32 $0xC4000, s30;
	s3 =	sadd.s32 $0x31800, s8;
	s4 =	sshll.u32 s9, $0x7  }
0x9: {  	s11 =	ssub.s32 $0x2, s7;
	s7 =	sadd.s32 $0xA00, s8;
	s10 =	sand.u32 $0x380, s4  }
0xa: {  	_ =	strace $0x8000004A;
	s31 =	sshrl.u32 s11, $0x1;
	s10 =	sor.u32 s6, s10  }
0xb: {  	s4 =	sadd.s32 $0x62600, s8;
	s11 =	ssub.s32 s11, s31;
	s10 =	sshrl.u32 s10, $0x3  }
0xc: {  	s6 =	sadd.s32 $0xA1000, s8;
	s10 =	sadd.s32 s10, s8;
	s8 =	smul.u32 $0x36B0, s9  }
0xd: {  	s9 =	sadd.s32 $0xAEC00, s10;
	s10 =	smax.u32 s11, $0x1;
	s11 =	simm.s32 $0x1  }
.LBB2_1:
0xe: {  	[tilespmem:s2], [sflag:$0x1] =	stream.linear.gather [hbm4b:s7+s2], $0x18800, $0x38;
	[tilespmem:$0x1A800] =	vst v63  }
0xf: {  	_ =	swait.ge [sflag:s11], $0x18800  }
0x10: {  	[sflag:s11] =	ssyncset.done $0x0  }
0x11: {  	s19 =	simm.s32 $0x0;
	[sflag:s11] =	ssyncadd.s32 $0xFFFE7800  }
.LBB2_2:
0x12: {  	s20 =	smul.u32 $0x7D0, s19;
	_ =	sdelay $0x1  }
0x13: {  	s20 =	sadd.s32 s8, s20  }
0x14: {  	s20 =	sshrl.u32 s20, $0x3  }
0x15: {  	s21 =	sadd.s32 s3, s20  }
0x16: {  	[tilespmem:s12], [sflag:$0x1] =	stream.linear.gather [hbm4b:s21+s22], $0x7D0, $0x38;
	[tilespmem:$0x1A800] =	vst v63  }
0x17: {  	_ =	swait.ge [sflag:s11], $0x7D0  }
0x18: {  	[sflag:s11] =	ssyncset.done $0x0  }
0x19: {  	s30 =	sadd.s32 s4, s20;
	[sflag:s11] =	ssyncadd.s32 $0xFFFFF830  }
0x1a: {  	[tilespmem:s13], [sflag:$0x1] =	stream.linear.gather [hbm4b:s30+s22], $0x7D0, $0x38;
	[tilespmem:$0x1A800] =	vst v63  }
0x1b: {  	_ =	swait.ge [sflag:s11], $0x7D0  }
0x1c: {  	[sflag:s11] =	ssyncset.done $0x0  }
0x1d: {  	s31 =	sadd.s32 s5, s20;
	[sflag:s11] =	ssyncadd.s32 $0xFFFFF830  }
0x1e: {  	[tilespmem:s14], [sflag:$0x1] =	stream.linear.gather [hbm4b:s31+s22], $0x7D0, $0x38;
	[tilespmem:$0x1A800] =	vst v63  }
0x1f: {  	_ =	swait.ge [sflag:s11], $0x7D0  }
0x20: {  	[sflag:s11] =	ssyncset.done $0x0  }
0x21: {  	s20 =	sadd.s32 s6, s20;
	[sflag:s11] =	ssyncadd.s32 $0xFFFFF830  }
0x22: {  	[tilespmem:s15], [sflag:$0x1] =	stream.linear.gather [hbm4b:s20+s22], $0x7D0, $0x38;
	[tilespmem:$0x1A800] =	vst v63  }
0x23: {  	_ =	swait.ge [sflag:s11], $0x7D0  }
0x24: {  	[sflag:s11] =	ssyncset.done $0x0  }
0x25: {  	s21 =	simm.s32 $0x0;
	s20 =	simm.s32 $0x40;
	[sflag:s11] =	ssyncadd.s32 $0xFFFFF830  }
.LBB2_3:
0x26: {  	p0 =	sne.s32 s20, $0x1F00;
	v0 =	vld [tilespmem:s21+$0x18800]  }
0x27: {  	v1 =	vld [tilespmem:s21+$0x19800]  }
0x28: {  	v2 =	vld [tilespmem:s21+$0x19000]  }
0x29: {  	v3 =	vld [tilespmem:s21+$0x1A000];
	_ =	sdelay $0x1  }
0x2a: {  	v4 =	vadd.s32 $0xC400, v0  }
.Ltmp0:
0x2b: {  	(pc) =	sbr.rel @p0 .LBB2_3-.Ltmp0, $4  }
0x2c: {  	v1 =	vmul.f32 v1, v2  }
0x2d: {  	v2 =	vmul.f32 v3, v2  }
0x2e: {  	[tilespmem:v0+s2+$0x0] =	vst.idx.add.f32.msk $0xffff, v1  }
0x2f: {  	s21 =	sshra.s32 s20, $0x2;
	s20 =	sadd.s32 $0x40, s20;
	[tilespmem:v4+s2+$0x0] =	vst.idx.add.f32.msk $0xffff, v2  }
0x30: {  	v0 =	vld [tilespmem:s21+$0x18800]  }
0x31: {  	v1 =	vld [tilespmem:s21+$0x19800]  }
0x32: {  	v2 =	vld [tilespmem:s21+$0x19000]  }
0x33: {  	v3 =	vld [tilespmem:s21+$0x1A000]  }
0x34: {  	s19 =	sadd.s32 $0x1, s19  }
0x35: {  	p0 =	sne.s32 s19, $0x7;
	v4 =	vadd.s32 $0xC400, v0  }
.Ltmp1:
0x36: {  	_ = 	snop;
	(pc) =	sbr.rel @p0 .LBB2_2-.Ltmp1, $4  }
0x37: {  	v1 =	vmul.f32 v1, v2  }
0x38: {  	v2 =	vmul.f32 v3, v2  }
0x39: {  	[tilespmem:v0+s2+$0x0] =	vst.idx.add.f32.msk $0xffff, v1  }
0x3a: {  	[tilespmem:v4+s2+$0x0] =	vst.idx.add.f32.msk $0xffff, v2  }
0x3b: {  	s18 =	sadd.s32 $0x1, s18  }
0x3c: {  	p0 =	sne.s32 s18, s10  }
.Ltmp2:
0x3d: {  	_ = 	snop;
	(pc) =	sbr.rel @p0 .LBB2_1-.Ltmp2, $4  }
0x3e: {  	[hbm4b:s9+s16] =	stream.strided.scatter [tilespmem:s2], [sflag:$0x1], $0x18800, s17, s16, $0x38;
	[tilespmem:$0x1A800] =	vst v63  }
0x3f: {  	_ =	swait.ge [sflag:s11], $0x18800  }
0x40: {  	[sflag:s11] =	ssyncset.done $0x0  }
0x41: {  	[sflag:s11] =	ssyncadd.s32 $0xFFFE7800  }
0x42: {  	_ =	sfence.sel $0x180000  }
0x43: {  	[bflag:$0x0] =	sbarrier.arrive $0xFFFF  }
0x44: {  	p0 =	sne.s32 s1, $0x0;
	_ =	strace $0x9000004A  }
0x45: {  	s0 =	sadd.s32 @!p0 $0x100000, s0;
	[bflag:$0x2] =	sbarrier.arrive $0xFFFF  }
0x46: {  	[sflag:s0] =	ssyncadd.tile.s32 @!p0 $0x1;
	_ =	shalt  }
.Lfunc_end2:
_tile_overlayer_lowered:
.L_overlay_start_2:
0x47: {  	(tag) =	ssettag $0x2  }
0x48: {  	s0 =	rddreg [dreg:$0x0];
	s2 =	stileid.u32  }
0x49: {  	s1 =	rddreg [dreg:$0x1];
	p0 =	sne.s32 s2, $0x0  }
0x4a: {  	s3 =	rddreg [dreg:$0x2];
	[bflag:$0x3] =	sbarrier.arrive $0xFFFF;
	s2 =	simm.s32 @!p0 $0x1C01  }
0x4b: {  	[timem:s3], [sflag:s2] =	dma.local @!p0 [hbm:s0], s1  }
0x4c: {  	s0 =	simm.s32 @!p0 $0x1  }
0x4d: {  	_ =	swait.ge @!p0 [sflag:s0], s1  }
0x4e: {  	s1 =	ssub.s32 @!p0 $0x0, s1;
	[sflag:s0] =	ssyncset.done @!p0 $0x0  }
0x4f: {  	[sflag:s0] =	ssyncadd.s32 @!p0 s1  }
0x50: {  	[bflag:$0x3] =	sbarrier.arrive $0xFFFF  }
0x51: {  	_ =	shalt  }

// kernel: kernel.18.cloned.1.call-start
scs
__scs_entry_jumppad:
0x0: {  	(pc) =	sbr.rel $0x88, $3  }
0x1: {  	(tag) =	ssettag $0x0;
	lr =	simm.s32 $0x1  }
0x2: {  	[smem:$0x3F98] =	sst lr;
	_ =	strace $0xD0000000  }
0x3: {  	_ = 	snop  }
0x4: {  	_ = 	snop  }
0x5: {  	_ = 	snop  }
0x6: {  	_ = 	snop  }
0x7: {  	_ = 	snop  }
__scs_overlays_trampoline_lowered:
0x8: {  	[smem:$0x3FA7] =	sst s0  }
0x9: {  	[smem:$0x3FA8] =	sst s1  }
0xa: {  	[smem:$0x3FA9] =	sst s2  }
0xb: {  	[smem:$0x3FAA] =	sst s3  }
0xc: {  	[smem:$0x3FAB] =	sst s4  }
0xd: {  	[smem:$0x3FAC] =	sst s5  }
0xe: {  	[smem:$0x3FAD] =	sst s6  }
0xf: {  	[smem:$0x3FAE] =	sst s7  }
0x10: {  	[smem:$0x3FAF] =	sst s8  }
0x11: {  	[smem:$0x3FB0] =	sst s9;
	s0 =	simm.s32 @!p0 $0x0  }
0x12: {  	s1 =	sld [smem:$0x3F96];
	s0 =	simm.s32 @p0 $0x1  }
0x13: {  	[smem:$0x3FB1] =	sst s0;
	s0 =	simm.s32 @!p1 $0x0  }
0x14: {  	s2 =	sld [smem:$0x3F95];
	s0 =	simm.s32 @p1 $0x1  }
0x15: {  	[smem:$0x3FB2] =	sst s0;
	s0 =	simm.s32 @!p2 $0x0  }
0x16: {  	s3 =	sld [smem:$0x3FDB];
	s0 =	simm.s32 @p2 $0x1  }
0x17: {  	s4 =	simm.s32 $0x1BF5;
	[smem:$0x3FB4] =	sst s0  }
0x18: {  	s0 =	sld [smem:$0x3F97];
	_ =	swait.ge [sflag:s4], $0x0  }
0x19: {  	s7 =	sld [smem:$0x3F98]  }
0x1a: {  	s8 =	sadd.s32 $0xFFFFE003, lr  }
0x1b: {  	s9 =	sadd.s32 $0xFFFFFEF7, lr;
	s5 =	simm.s32 $0xFFFFFFFF;
	p2 =	slt.u32 s8, $0xFFFFF086  }
0x1c: {  	p1 =	slt.u32 s9, $0xF7A;
	s5 =	simm.s32 @!p2 $0x0  }
0x1d: {  	s5 =	simm.s32 @p1 $0x1;
	p0 =	seq.s32 s7, s2  }
0x1e: {  	s7 =	smul.u32 @!p0 $0xF7A, s2;
	p2 =	seq.s32 @!p0 s5, $0x0  }
0x1f: {  	s9 =	smul.u32 $0xF7A, s1;
	s8 =	simm.s32 @!p0 $0x1BF5;
	p2 =	por !p2, p0  }
0x20: {  	[sflag:s8] =	ssyncset.s32 @!p0 $0xFFFFF086;
	s6 =	sadd.s32 @!p0 s3, s7;
	s7 =	simm.s32 @!p0 $0x108  }
0x21: {  	s3 =	sadd.s32 s3, s9;
	s6 =	sadd.s32 @!p0 $0x88, s6;
	s7 =	simm.s32 @p2 $0x1082  }
0x22: {  	[simem:s7], [sflag:s8] =	dma.local @!p0 [hbm:s6], $0xF7A  }
0x23: {  	s9 =	sor.u32 $0xD0000000, s2;
	s6 =	simm.s32 $0x108;
	_ =	swait.ge @!p0 [sflag:s8], $0x0  }
0x24: {  	s3 =	sadd.s32 $0x88, s3;
	s6 =	simm.s32 @!p1 $0x1082;
	[sflag:s4] =	ssyncset.s32 $0xFFFFF086  }
0x25: {  	[simem:s6], [sflag:s4] =	dma.local [hbm:s3], $0xF7A  }
0x26: {  	[smem:$0x3F98] =	sst s1;
	(tag) =	ssettag s2;
	_ =	strace s9  }
0x27: {  	s1 =	sld [smem:$0x3FA8]  }
0x28: {  	s2 =	sld [smem:$0x3FA9]  }
0x29: {  	s4 =	sld [smem:$0x3FAB]  }
0x2a: {  	p0 =	seq.s32 s5, $0x0;
	s5 =	sld [smem:$0x3FAC]  }
0x2b: {  	s6 =	sld [smem:$0x3FAD]  }
0x2c: {  	s7 =	sld [smem:$0x3FAE]  }
0x2d: {  	s3 =	simm.s32 $0x108;
	s8 =	sld [smem:$0x3FAF]  }
0x2e: {  	s3 =	simm.s32 @!p0 $0x1082;
	s9 =	sld [smem:$0x3FB0]  }
0x2f: {  	lr =	sadd.s32 s0, s3;
	s0 =	sld [smem:$0x3FA7]  }
0x30: {  	s3 =	sld [smem:$0x3FAA]  }
0x31: {  	[smem:$0x3FB3] =	sst s10  }
0x32: {  	s10 =	sld [smem:$0x3FB1];
	_ =	sdelay $0x3  }
0x33: {  	p0 =	seq.s32 s10, $0x1;
	s10 =	sld [smem:$0x3FB3];
	_ =	sdelay $0x3  }
0x34: {  	[smem:$0x3FB3] =	sst s10  }
0x35: {  	s10 =	sld [smem:$0x3FB2];
	_ =	sdelay $0x3  }
0x36: {  	p1 =	seq.s32 s10, $0x1;
	s10 =	sld [smem:$0x3FB3];
	_ =	sdelay $0x3  }
0x37: {  	[smem:$0x3FB3] =	sst s10  }
0x38: {  	s10 =	sld [smem:$0x3FB4]  }
0x39: {  	_ = 	snop;
	(pc) =	sbr.ind lr, $3  }
0x3a: {  	_ = 	snop  }
0x3b: {  	_ = 	snop  }
0x3c: {  	p2 =	seq.s32 s10, $0x1;
	s10 =	sld [smem:$0x3FB3]  }
0x3d: {  	_ =	shalt  }
0x3e: {  	_ =	shalt  }
0x3f: {  	_ =	shalt  }
0x40: {  	_ =	shalt  }
0x41: {  	_ =	shalt  }
0x42: {  	_ =	shalt  }
0x43: {  	_ =	shalt  }
0x44: {  	_ =	shalt  }
0x45: {  	_ =	shalt  }
0x46: {  	_ =	shalt  }
0x47: {  	_ =	shalt  }
0x48: {  	_ =	shalt  }
0x49: {  	_ =	shalt  }
0x4a: {  	_ =	shalt  }
0x4b: {  	_ =	shalt  }
0x4c: {  	_ =	shalt  }
0x4d: {  	_ =	shalt  }
0x4e: {  	_ =	shalt  }
0x4f: {  	_ =	shalt  }
0x50: {  	_ =	shalt  }
0x51: {  	_ =	shalt  }
0x52: {  	_ =	shalt  }
0x53: {  	_ =	shalt  }
0x54: {  	_ =	shalt  }
0x55: {  	_ =	shalt  }
0x56: {  	_ =	shalt  }
0x57: {  	_ =	shalt  }
0x58: {  	_ =	shalt  }
0x59: {  	_ =	shalt  }
0x5a: {  	_ =	shalt  }
0x5b: {  	_ =	shalt  }
0x5c: {  	_ =	shalt  }
0x5d: {  	_ =	shalt  }
0x5e: {  	_ =	shalt  }
0x5f: {  	_ =	shalt  }
0x60: {  	_ =	shalt  }
0x61: {  	_ =	shalt  }
0x62: {  	_ =	shalt  }
0x63: {  	_ =	shalt  }
0x64: {  	_ =	shalt  }
0x65: {  	_ =	shalt  }
0x66: {  	_ =	shalt  }
0x67: {  	_ =	shalt  }
0x68: {  	_ =	shalt  }
0x69: {  	_ =	shalt  }
0x6a: {  	_ =	shalt  }
0x6b: {  	_ =	shalt  }
0x6c: {  	_ =	shalt  }
0x6d: {  	_ =	shalt  }
0x6e: {  	_ =	shalt  }
0x6f: {  	_ =	shalt  }
0x70: {  	_ =	shalt  }
0x71: {  	_ =	shalt  }
0x72: {  	_ =	shalt  }
0x73: {  	_ =	shalt  }
0x74: {  	_ =	shalt  }
0x75: {  	_ =	shalt  }
0x76: {  	_ =	shalt  }
0x77: {  	_ =	shalt  }
0x78: {  	_ =	shalt  }
0x79: {  	_ =	shalt  }
0x7a: {  	_ =	shalt  }
0x7b: {  	_ =	shalt  }
0x7c: {  	_ =	shalt  }
0x7d: {  	_ =	shalt  }
0x7e: {  	_ =	shalt  }
0x7f: {  	_ =	shalt  }
0x80: {  	_ =	shalt  }
0x81: {  	_ =	shalt  }
0x82: {  	_ =	shalt  }
0x83: {  	_ =	shalt  }
0x84: {  	_ =	shalt  }
0x85: {  	_ =	shalt  }
0x86: {  	_ =	shalt  }
0x87: {  	_ =	shalt  }
.Lfunc_end0:
.L_simem_size_0:
called_computation.2_lowered:
.L_overlay_start_0:
0x88: {  	s2 =	sld [smem:$0x3FD9]  }
0x89: {  	s3 =	sld [smem:$0x3FFE];
	_ =	sdelay $0x1  }
0x8a: {  	s1 =	srdreg.scid  }
0x8b: {  	s0 =	sand.u32 $0x1, s1  }
0x8c: {  	s17 =	sshll.u32 s0, $0xA;
	s2 =	sadd.s32 s3, s2  }
0x8d: {  	s2 =	sadd.s32 s2, s17  }
0x8e: {  	[smem:$0x3FBF] =	sst s2  }
0x8f: {  	_ = 	snop  }
0x90: {  	(tm) =	ssettm $0x1  }
0x91: {  	s18 =	sld [smem:$0x3FFB];
	_ =	sdelay $0x3  }
0x92: {  	_ =	strace s18  }
0x93: {  	s2 =	sld [smem:$0x3FFC];
	_ =	sdelay $0x3  }
0x94: {  	_ =	strace s2  }
0x95: {  	s2 =	sld [smem:$0x3FFD];
	_ =	sdelay $0x3  }
0x96: {  	_ =	strace s2  }
0x97: {  	_ =	strace $0x8FFFFFFF  }
0x98: {  	s19 =	sld [smem:$0x3FDB];
	_ =	sdelay $0x1  }
0x99: {  	s20 =	simm.s32 $_scs_section_size  }
0x9a: {  	s4 =	simm.s32 $_size__tile_overlayer_lowered;
	s5 =	simm.s32 $_tile_overlayer_lowered  }
0x9b: {  	s6 =	simm.s32 $0x1BFF;
	s21 =	sshll.u32 s5, $0x1;
	s3 =	sadd.s32 s20, s19  }
0x9c: {  	s22 =	simm.s32 $0x0;
	s4 =	sshll.u32 s4, $0x1;
	s5 =	sadd.s32 s21, s3  }
0x9d: {  	[timem:s22], [sflag:s6] =	dma.local [hbm:s5], s4  }
0x9e: {  	_ =	swait.ge [sflag:s6], s4  }
0x9f: {  	s4 =	ssub.s32 $0x0, s4;
	[sflag:s6] =	ssyncset.done $0x0  }
0xa0: {  	[sflag:s6] =	ssyncadd.s32 s4;
	_ =	sdelay $0x1  }
0xa1: {  	s23 =	simm.s32 $0x1B8B  }
0xa2: {  	_ =	swait.ge [sflag:s23], $0x1  }
0xa3: {  	[sflag:s23] =	ssyncset.done $0x0  }
0xa4: {  	[sflag:s23] =	ssyncadd.s32 $0xFFFFFFFF  }
0xa5: {  	s4 =	sld [smem:$0x0]  }
0xa6: {  	s5 =	sand.u32 $0xFFFFFFFE, s1  }
0xa7: {  	p0 =	sne.s32 s1, s5  }
0xa8: {  	s5 =	sshll.u32 @p0 s5, $0xE  }
0xa9: {  	s5 =	sadd.s32 @p0 $0x11B8D, s5;
	s6 =	sshll.u32 @p0 s4, $0x11  }
0xaa: {  	s5 =	sor.u32 @p0 s6, s5  }
0xab: {  	[sflag:s5] =	ssyncadd.remote.s32 @p0 $0x1;
	_ =	sdelay $0x1  }
0xac: {  	s5 =	simm.s32 @p0 $0x1B8D  }
0xad: {  	_ =	swait.eq @p0 [sflag:s5], $0x1  }
0xae: {  	[sflag:s5] =	ssyncadd.s32 @p0 $0xFFFFFFFF  }
0xaf: {  	s6 =	sshll.u32 @!p0 s1, $0xE  }
0xb0: {  	s6 =	sor.u32 @!p0 $0x4000, s6;
	s5 =	simm.s32 @!p0 $0x1B8D  }
0xb1: {  	s4 =	sshll.u32 @!p0 s4, $0x11;
	s6 =	sadd.s32 @!p0 $0x11B8D, s6;
	_ =	swait.eq @!p0 [sflag:s5], $0x1  }
0xb2: {  	s4 =	sor.u32 @!p0 s4, s6;
	[sflag:s5] =	ssyncadd.s32 @!p0 $0xFFFFFFFF  }
0xb3: {  	s25 =	simm.s32 $0x1B8E;
	s24 =	sld [smem:$0x3FFE];
	[sflag:s4] =	ssyncadd.remote.s32 @!p0 $0x1  }
0xb4: {  	s26 =	simm.s32 $execute0_lowered;
	[smem:$0x3FD2] =	sst s25  }
0xb5: {  	s5 =	sshll.u32 s26, $0x1;
	_ =	strace $0x8000004C;
	[dreg:$0x1] =	wrdreg $0xFFFFFFFF  }
0xb6: {  	s28 =	simm.s32 $_size_execute0_lowered;
	s3 =	sadd.s32 s3, s5;
	[dreg:$0x0] =	wrdreg $0x0  }
0xb7: {  	s5 =	sshll.u32 s28, $0x1;
	[dreg:$0x2] =	wrdreg s3  }
0xb8: {  	[dreg:$0x3] =	wrdreg s5  }
0xb9: {  	[dreg:$0x4] =	wrdreg $0xC0  }
0xba: {  	_ =	task [dreg:s22], $0x5FFFF  }
0xbb: {  	[dreg:$0x1] =	wrdreg $0xFFFFFFFF  }
0xbc: {  	[dreg:$0x0] =	wrdreg $0x60  }
0xbd: {  	[dreg:$0x2] =	wrdreg s24  }
0xbe: {  	[dreg:$0x3] =	wrdreg $0xA  }
0xbf: {  	_ =	task.clear_ibuf [dreg:s22], $0x4FFFF;
	_ =	strace $0x9000004C  }
0xc0: {  	s29 =	simm.s32 $0xA;
	_ =	strace $0x8000004E  }
0xc1: {  	_ =	swait.ge [sflag:s29], $0x1  }
0xc2: {  	[sflag:s29] =	ssyncadd.s32 $0xFFFFFFFF  }
0xc3: {  	_ =	strace $0x9000004E  }
0xc4: {  	_ =	sfence  }
0xc5: {  	s30 =	sld [smem:$0x0];
	_ =	sdelay $0x2  }
0xc6: {  	s31 =	sshll.u32 s1, $0xD;
	s1 =	sshrl.u32 s1, $0x2  }
0xc7: {  	s4 =	sand.u32 $0x4000, s31;
	s1 =	sadd.s32 s1, s30  }
0xc8: {  	s0 =	sor.u32 s4, s0;
	s1 =	sshll.u32 s1, $0x11  }
0xc9: {  	s0 =	sor.u32 s1, s0  }
0xca: {  	s0 =	sadd.s32 $0x8F2B, s0  }
0xcb: {  	[sflag:s0] =	ssyncadd.remote.s32 $0x1  }
0xcc: {  	_ =	sfence.sel $0xFFFF  }
0xcd: {  	[dreg:$0x0] =	wrdreg $0xFFFFFFFF;
	(pc) =	sbr.abs _section_cstart, $3  }
0xce: {  	[dreg:$0x1] =	wrdreg $0xFFFFFFFF  }
0xcf: {  	_ =	task.clear_ibuf [dreg:s22], $0x2FFFF;
	_ =	strace $0x9FFFFFFF  }
0xd0: {  	(tm) =	ssettm $0x7FFFFFFF  }
0xd1: {  	_ =	shalt  }
tec
execute0_lowered:
.L_overlay_start_1:
0x0: {  	(tag) =	ssettag $0x1  }
0x1: {  	s8 =	rddreg [dreg:$0x0];
	s2 =	srdreg.scid  }
0x2: {  	s1 =	stileid.u32;
	s0 =	rddreg [dreg:$0x1]  }
0x3: {  	s12 =	simm.s32 $0x18800;
	s13 =	simm.s32 $0x19000;
	s14 =	simm.s32 $0x19800  }
0x4: {  	s15 =	simm.s32 $0x1A000;
	s16 =	simm.s32 $0x80;
	s17 =	simm.s32 $0x400  }
0x5: {  	s18 =	simm.s32 $0x0;
	s23 =	simm.s32 $0x0;
	s7 =	sand.u32 $0x1, s2  }
0x6: {  	s3 =	sshll.u32 s1, $0x1;
	s2 =	simm.s32 $0x0;
	s30 =	sshrl.u32 s1, $0x2  }
0x7: {  	s5 =	sadd.s32 $0x3C00, s8;
	s9 =	sor.u32 s7, s3;
	[smem:$0x7FF] =	sst s2  }
0x8: {  	s6 =	smul.u32 $0xC4000, s30;
	s3 =	sadd.s32 $0x31800, s8;
	s4 =	sshll.u32 s9, $0x7  }
0x9: {  	s11 =	ssub.s32 $0x2, s7;
	s7 =	sadd.s32 $0xA00, s8;
	s10 =	sand.u32 $0x380, s4  }
0xa: {  	_ =	strace $0x8000004D;
	s31 =	sshrl.u32 s11, $0x1;
	s10 =	sor.u32 s6, s10  }
0xb: {  	s4 =	sadd.s32 $0x62600, s8;
	s11 =	ssub.s32 s11, s31;
	s10 =	sshrl.u32 s10, $0x3  }
0xc: {  	s6 =	sadd.s32 $0xF800, s8;
	s10 =	sadd.s32 s10, s8;
	s8 =	smul.u32 $0x2EE0, s9  }
0xd: {  	s9 =	sadd.s32 $0x110C00, s10;
	s10 =	smax.u32 s11, $0x1;
	s11 =	simm.s32 $0x1  }
.LBB2_1:
0xe: {  	[tilespmem:s2], [sflag:$0x1] =	stream.linear.gather [hbm4b:s7+s2], $0x18800, $0x38;
	[tilespmem:$0x1A800] =	vst v63  }
0xf: {  	_ =	swait.ge [sflag:s11], $0x18800  }
0x10: {  	[sflag:s11] =	ssyncset.done $0x0  }
0x11: {  	s19 =	simm.s32 $0x0;
	[sflag:s11] =	ssyncadd.s32 $0xFFFE7800  }
.LBB2_2:
0x12: {  	s20 =	smul.u32 $0x7D0, s19;
	_ =	sdelay $0x1  }
0x13: {  	s20 =	sadd.s32 s8, s20  }
0x14: {  	s20 =	sshrl.u32 s20, $0x3  }
0x15: {  	s21 =	sadd.s32 $0xDAC0, s20  }
0x16: {  	s22 =	sadd.s32 s3, s21  }
0x17: {  	[tilespmem:s12], [sflag:$0x1] =	stream.linear.gather [hbm4b:s22+s23], $0x7D0, $0x38;
	[tilespmem:$0x1A800] =	vst v63  }
0x18: {  	_ =	swait.ge [sflag:s11], $0x7D0  }
0x19: {  	[sflag:s11] =	ssyncset.done $0x0  }
0x1a: {  	s21 =	sadd.s32 s4, s21;
	[sflag:s11] =	ssyncadd.s32 $0xFFFFF830  }
0x1b: {  	[tilespmem:s13], [sflag:$0x1] =	stream.linear.gather [hbm4b:s21+s23], $0x7D0, $0x38;
	[tilespmem:$0x1A800] =	vst v63  }
0x1c: {  	_ =	swait.ge [sflag:s11], $0x7D0  }
0x1d: {  	[sflag:s11] =	ssyncset.done $0x0  }
0x1e: {  	s31 =	sadd.s32 s5, s20;
	[sflag:s11] =	ssyncadd.s32 $0xFFFFF830  }
0x1f: {  	[tilespmem:s14], [sflag:$0x1] =	stream.linear.gather [hbm4b:s31+s23], $0x7D0, $0x38;
	[tilespmem:$0x1A800] =	vst v63  }
0x20: {  	_ =	swait.ge [sflag:s11], $0x7D0  }
0x21: {  	[sflag:s11] =	ssyncset.done $0x0  }
0x22: {  	s20 =	sadd.s32 s6, s20;
	[sflag:s11] =	ssyncadd.s32 $0xFFFFF830  }
0x23: {  	[tilespmem:s15], [sflag:$0x1] =	stream.linear.gather [hbm4b:s20+s23], $0x7D0, $0x38;
	[tilespmem:$0x1A800] =	vst v63  }
0x24: {  	_ =	swait.ge [sflag:s11], $0x7D0  }
0x25: {  	[sflag:s11] =	ssyncset.done $0x0  }
0x26: {  	s21 =	simm.s32 $0x0;
	s20 =	simm.s32 $0x40;
	[sflag:s11] =	ssyncadd.s32 $0xFFFFF830  }
.LBB2_3:
0x27: {  	p0 =	sne.s32 s20, $0x1F00;
	v0 =	vld [tilespmem:s21+$0x18800]  }
0x28: {  	v1 =	vld [tilespmem:s21+$0x19800]  }
0x29: {  	v2 =	vld [tilespmem:s21+$0x19000]  }
0x2a: {  	v3 =	vld [tilespmem:s21+$0x1A000];
	_ =	sdelay $0x1  }
0x2b: {  	v4 =	vadd.s32 $0xC400, v0  }
.Ltmp0:
0x2c: {  	(pc) =	sbr.rel @p0 .LBB2_3-.Ltmp0, $4  }
0x2d: {  	v1 =	vmul.f32 v1, v2  }
0x2e: {  	v2 =	vmul.f32 v3, v2  }
0x2f: {  	[tilespmem:v0+s2+$0x0] =	vst.idx.add.f32.msk $0xffff, v1  }
0x30: {  	s21 =	sshra.s32 s20, $0x2;
	s20 =	sadd.s32 $0x40, s20;
	[tilespmem:v4+s2+$0x0] =	vst.idx.add.f32.msk $0xffff, v2  }
0x31: {  	v0 =	vld [tilespmem:s21+$0x18800]  }
0x32: {  	v1 =	vld [tilespmem:s21+$0x19800]  }
0x33: {  	v2 =	vld [tilespmem:s21+$0x19000]  }
0x34: {  	v3 =	vld [tilespmem:s21+$0x1A000]  }
0x35: {  	s19 =	sadd.s32 $0x1, s19  }
0x36: {  	p0 =	sne.s32 s19, $0x6;
	v4 =	vadd.s32 $0xC400, v0  }
.Ltmp1:
0x37: {  	_ = 	snop;
	(pc) =	sbr.rel @p0 .LBB2_2-.Ltmp1, $4  }
0x38: {  	v1 =	vmul.f32 v1, v2  }
0x39: {  	v2 =	vmul.f32 v3, v2  }
0x3a: {  	[tilespmem:v0+s2+$0x0] =	vst.idx.add.f32.msk $0xffff, v1  }
0x3b: {  	[tilespmem:v4+s2+$0x0] =	vst.idx.add.f32.msk $0xffff, v2  }
0x3c: {  	s18 =	sadd.s32 $0x1, s18  }
0x3d: {  	p0 =	sne.s32 s18, s10  }
.Ltmp2:
0x3e: {  	_ = 	snop;
	(pc) =	sbr.rel @p0 .LBB2_1-.Ltmp2, $4  }
0x3f: {  	[hbm4b:s9+s16] =	stream.strided.scatter [tilespmem:s2], [sflag:$0x1], $0x18800, s17, s16, $0x38;
	[tilespmem:$0x1A800] =	vst v63  }
0x40: {  	_ =	swait.ge [sflag:s11], $0x18800  }
0x41: {  	[sflag:s11] =	ssyncset.done $0x0  }
0x42: {  	[sflag:s11] =	ssyncadd.s32 $0xFFFE7800  }
0x43: {  	_ =	sfence.sel $0x180000  }
0x44: {  	[bflag:$0x0] =	sbarrier.arrive $0xFFFF  }
0x45: {  	p0 =	sne.s32 s1, $0x0;
	_ =	strace $0x9000004D  }
0x46: {  	s0 =	sadd.s32 @!p0 $0x100000, s0;
	[bflag:$0x2] =	sbarrier.arrive $0xFFFF  }
0x47: {  	[sflag:s0] =	ssyncadd.tile.s32 @!p0 $0x1;
	_ =	shalt  }
.Lfunc_end2:
_tile_overlayer_lowered:
.L_overlay_start_2:
0x48: {  	(tag) =	ssettag $0x2  }
0x49: {  	s0 =	rddreg [dreg:$0x0];
	s2 =	stileid.u32  }
0x4a: {  	s1 =	rddreg [dreg:$0x1];
	p0 =	sne.s32 s2, $0x0  }
0x4b: {  	s3 =	rddreg [dreg:$0x2];
	[bflag:$0x3] =	sbarrier.arrive $0xFFFF;
	s2 =	simm.s32 @!p0 $0x1C01  }
0x4c: {  	[timem:s3], [sflag:s2] =	dma.local @!p0 [hbm:s0], s1  }
0x4d: {  	s0 =	simm.s32 @!p0 $0x1  }
0x4e: {  	_ =	swait.ge @!p0 [sflag:s0], s1  }
0x4f: {  	s1 =	ssub.s32 @!p0 $0x0, s1;
	[sflag:s0] =	ssyncset.done @!p0 $0x0  }
0x50: {  	[sflag:s0] =	ssyncadd.s32 @!p0 s1  }
0x51: {  	[bflag:$0x3] =	sbarrier.arrive $0xFFFF  }
0x52: {  	_ =	shalt  }

// kernel: kernel.21.cloned.1.call-start
scs
__scs_entry_jumppad:
0x0: {  	(pc) =	sbr.rel $0x88, $3  }
0x1: {  	(tag) =	ssettag $0x0;
	lr =	simm.s32 $0x1  }
0x2: {  	[smem:$0x3F98] =	sst lr;
	_ =	strace $0xD0000000  }
0x3: {  	_ = 	snop  }
0x4: {  	_ = 	snop  }
0x5: {  	_ = 	snop  }
0x6: {  	_ = 	snop  }
0x7: {  	_ = 	snop  }
__scs_overlays_trampoline_lowered:
0x8: {  	[smem:$0x3FA7] =	sst s0  }
0x9: {  	[smem:$0x3FA8] =	sst s1  }
0xa: {  	[smem:$0x3FA9] =	sst s2  }
0xb: {  	[smem:$0x3FAA] =	sst s3  }
0xc: {  	[smem:$0x3FAB] =	sst s4  }
0xd: {  	[smem:$0x3FAC] =	sst s5  }
0xe: {  	[smem:$0x3FAD] =	sst s6  }
0xf: {  	[smem:$0x3FAE] =	sst s7  }
0x10: {  	[smem:$0x3FAF] =	sst s8  }
0x11: {  	[smem:$0x3FB0] =	sst s9;
	s0 =	simm.s32 @!p0 $0x0  }
0x12: {  	s1 =	sld [smem:$0x3F96];
	s0 =	simm.s32 @p0 $0x1  }
0x13: {  	[smem:$0x3FB1] =	sst s0;
	s0 =	simm.s32 @!p1 $0x0  }
0x14: {  	s2 =	sld [smem:$0x3F95];
	s0 =	simm.s32 @p1 $0x1  }
0x15: {  	[smem:$0x3FB2] =	sst s0;
	s0 =	simm.s32 @!p2 $0x0  }
0x16: {  	s3 =	sld [smem:$0x3FDB];
	s0 =	simm.s32 @p2 $0x1  }
0x17: {  	s4 =	simm.s32 $0x1BF5;
	[smem:$0x3FB4] =	sst s0  }
0x18: {  	s0 =	sld [smem:$0x3F97];
	_ =	swait.ge [sflag:s4], $0x0  }
0x19: {  	s7 =	sld [smem:$0x3F98]  }
0x1a: {  	s8 =	sadd.s32 $0xFFFFE003, lr  }
0x1b: {  	s9 =	sadd.s32 $0xFFFFFEF7, lr;
	s5 =	simm.s32 $0xFFFFFFFF;
	p2 =	slt.u32 s8, $0xFFFFF086  }
0x1c: {  	p1 =	slt.u32 s9, $0xF7A;
	s5 =	simm.s32 @!p2 $0x0  }
0x1d: {  	s5 =	simm.s32 @p1 $0x1;
	p0 =	seq.s32 s7, s2  }
0x1e: {  	s7 =	smul.u32 @!p0 $0xF7A, s2;
	p2 =	seq.s32 @!p0 s5, $0x0  }
0x1f: {  	s9 =	smul.u32 $0xF7A, s1;
	s8 =	simm.s32 @!p0 $0x1BF5;
	p2 =	por !p2, p0  }
0x20: {  	[sflag:s8] =	ssyncset.s32 @!p0 $0xFFFFF086;
	s6 =	sadd.s32 @!p0 s3, s7;
	s7 =	simm.s32 @!p0 $0x108  }
0x21: {  	s3 =	sadd.s32 s3, s9;
	s6 =	sadd.s32 @!p0 $0x88, s6;
	s7 =	simm.s32 @p2 $0x1082  }
0x22: {  	[simem:s7], [sflag:s8] =	dma.local @!p0 [hbm:s6], $0xF7A  }
0x23: {  	s9 =	sor.u32 $0xD0000000, s2;
	s6 =	simm.s32 $0x108;
	_ =	swait.ge @!p0 [sflag:s8], $0x0  }
0x24: {  	s3 =	sadd.s32 $0x88, s3;
	s6 =	simm.s32 @!p1 $0x1082;
	[sflag:s4] =	ssyncset.s32 $0xFFFFF086  }
0x25: {  	[simem:s6], [sflag:s4] =	dma.local [hbm:s3], $0xF7A  }
0x26: {  	[smem:$0x3F98] =	sst s1;
	(tag) =	ssettag s2;
	_ =	strace s9  }
0x27: {  	s1 =	sld [smem:$0x3FA8]  }
0x28: {  	s2 =	sld [smem:$0x3FA9]  }
0x29: {  	s4 =	sld [smem:$0x3FAB]  }
0x2a: {  	p0 =	seq.s32 s5, $0x0;
	s5 =	sld [smem:$0x3FAC]  }
0x2b: {  	s6 =	sld [smem:$0x3FAD]  }
0x2c: {  	s7 =	sld [smem:$0x3FAE]  }
0x2d: {  	s3 =	simm.s32 $0x108;
	s8 =	sld [smem:$0x3FAF]  }
0x2e: {  	s3 =	simm.s32 @!p0 $0x1082;
	s9 =	sld [smem:$0x3FB0]  }
0x2f: {  	lr =	sadd.s32 s0, s3;
	s0 =	sld [smem:$0x3FA7]  }
0x30: {  	s3 =	sld [smem:$0x3FAA]  }
0x31: {  	[smem:$0x3FB3] =	sst s10  }
0x32: {  	s10 =	sld [smem:$0x3FB1];
	_ =	sdelay $0x3  }
0x33: {  	p0 =	seq.s32 s10, $0x1;
	s10 =	sld [smem:$0x3FB3];
	_ =	sdelay $0x3  }
0x34: {  	[smem:$0x3FB3] =	sst s10  }
0x35: {  	s10 =	sld [smem:$0x3FB2];
	_ =	sdelay $0x3  }
0x36: {  	p1 =	seq.s32 s10, $0x1;
	s10 =	sld [smem:$0x3FB3];
	_ =	sdelay $0x3  }
0x37: {  	[smem:$0x3FB3] =	sst s10  }
0x38: {  	s10 =	sld [smem:$0x3FB4]  }
0x39: {  	_ = 	snop;
	(pc) =	sbr.ind lr, $3  }
0x3a: {  	_ = 	snop  }
0x3b: {  	_ = 	snop  }
0x3c: {  	p2 =	seq.s32 s10, $0x1;
	s10 =	sld [smem:$0x3FB3]  }
0x3d: {  	_ =	shalt  }
0x3e: {  	_ =	shalt  }
0x3f: {  	_ =	shalt  }
0x40: {  	_ =	shalt  }
0x41: {  	_ =	shalt  }
0x42: {  	_ =	shalt  }
0x43: {  	_ =	shalt  }
0x44: {  	_ =	shalt  }
0x45: {  	_ =	shalt  }
0x46: {  	_ =	shalt  }
0x47: {  	_ =	shalt  }
0x48: {  	_ =	shalt  }
0x49: {  	_ =	shalt  }
0x4a: {  	_ =	shalt  }
0x4b: {  	_ =	shalt  }
0x4c: {  	_ =	shalt  }
0x4d: {  	_ =	shalt  }
0x4e: {  	_ =	shalt  }
0x4f: {  	_ =	shalt  }
0x50: {  	_ =	shalt  }
0x51: {  	_ =	shalt  }
0x52: {  	_ =	shalt  }
0x53: {  	_ =	shalt  }
0x54: {  	_ =	shalt  }
0x55: {  	_ =	shalt  }
0x56: {  	_ =	shalt  }
0x57: {  	_ =	shalt  }
0x58: {  	_ =	shalt  }
0x59: {  	_ =	shalt  }
0x5a: {  	_ =	shalt  }
0x5b: {  	_ =	shalt  }
0x5c: {  	_ =	shalt  }
0x5d: {  	_ =	shalt  }
0x5e: {  	_ =	shalt  }
0x5f: {  	_ =	shalt  }
0x60: {  	_ =	shalt  }
0x61: {  	_ =	shalt  }
0x62: {  	_ =	shalt  }
0x63: {  	_ =	shalt  }
0x64: {  	_ =	shalt  }
0x65: {  	_ =	shalt  }
0x66: {  	_ =	shalt  }
0x67: {  	_ =	shalt  }
0x68: {  	_ =	shalt  }
0x69: {  	_ =	shalt  }
0x6a: {  	_ =	shalt  }
0x6b: {  	_ =	shalt  }
0x6c: {  	_ =	shalt  }
0x6d: {  	_ =	shalt  }
0x6e: {  	_ =	shalt  }
0x6f: {  	_ =	shalt  }
0x70: {  	_ =	shalt  }
0x71: {  	_ =	shalt  }
0x72: {  	_ =	shalt  }
0x73: {  	_ =	shalt  }
0x74: {  	_ =	shalt  }
0x75: {  	_ =	shalt  }
0x76: {  	_ =	shalt  }
0x77: {  	_ =	shalt  }
0x78: {  	_ =	shalt  }
0x79: {  	_ =	shalt  }
0x7a: {  	_ =	shalt  }
0x7b: {  	_ =	shalt  }
0x7c: {  	_ =	shalt  }
0x7d: {  	_ =	shalt  }
0x7e: {  	_ =	shalt  }
0x7f: {  	_ =	shalt  }
0x80: {  	_ =	shalt  }
0x81: {  	_ =	shalt  }
0x82: {  	_ =	shalt  }
0x83: {  	_ =	shalt  }
0x84: {  	_ =	shalt  }
0x85: {  	_ =	shalt  }
0x86: {  	_ =	shalt  }
0x87: {  	_ =	shalt  }
.Lfunc_end0:
.L_simem_size_0:
called_computation.3_lowered:
.L_overlay_start_0:
0x88: {  	s2 =	sld [smem:$0x3FD9]  }
0x89: {  	s3 =	sld [smem:$0x3FFE];
	_ =	sdelay $0x1  }
0x8a: {  	s1 =	srdreg.scid  }
0x8b: {  	s0 =	sand.u32 $0x1, s1  }
0x8c: {  	s17 =	sshll.u32 s0, $0xA;
	s2 =	sadd.s32 s3, s2  }
0x8d: {  	s2 =	sadd.s32 s2, s17  }
0x8e: {  	[smem:$0x3FBF] =	sst s2  }
0x8f: {  	_ = 	snop  }
0x90: {  	(tm) =	ssettm $0x1  }
0x91: {  	s18 =	sld [smem:$0x3FFB];
	_ =	sdelay $0x3  }
0x92: {  	_ =	strace s18  }
0x93: {  	s2 =	sld [smem:$0x3FFC];
	_ =	sdelay $0x3  }
0x94: {  	_ =	strace s2  }
0x95: {  	s2 =	sld [smem:$0x3FFD];
	_ =	sdelay $0x3  }
0x96: {  	_ =	strace s2  }
0x97: {  	_ =	strace $0x8FFFFFFF  }
0x98: {  	s19 =	sld [smem:$0x3FDB];
	_ =	sdelay $0x1  }
0x99: {  	s20 =	simm.s32 $_scs_section_size  }
0x9a: {  	s4 =	simm.s32 $_size__tile_overlayer_lowered;
	s5 =	simm.s32 $_tile_overlayer_lowered  }
0x9b: {  	s6 =	simm.s32 $0x1BFF;
	s21 =	sshll.u32 s5, $0x1;
	s3 =	sadd.s32 s20, s19  }
0x9c: {  	s22 =	simm.s32 $0x0;
	s4 =	sshll.u32 s4, $0x1;
	s5 =	sadd.s32 s21, s3  }
0x9d: {  	[timem:s22], [sflag:s6] =	dma.local [hbm:s5], s4  }
0x9e: {  	_ =	swait.ge [sflag:s6], s4  }
0x9f: {  	s4 =	ssub.s32 $0x0, s4;
	[sflag:s6] =	ssyncset.done $0x0  }
0xa0: {  	[sflag:s6] =	ssyncadd.s32 s4;
	_ =	sdelay $0x1  }
0xa1: {  	s23 =	simm.s32 $0x1B8B  }
0xa2: {  	_ =	swait.ge [sflag:s23], $0x1  }
0xa3: {  	[sflag:s23] =	ssyncset.done $0x0  }
0xa4: {  	[sflag:s23] =	ssyncadd.s32 $0xFFFFFFFF  }
0xa5: {  	s4 =	sld [smem:$0x0]  }
0xa6: {  	s5 =	sand.u32 $0xFFFFFFFE, s1  }
0xa7: {  	p0 =	sne.s32 s1, s5  }
0xa8: {  	s5 =	sshll.u32 @p0 s5, $0xE  }
0xa9: {  	s5 =	sadd.s32 @p0 $0x11B8D, s5;
	s6 =	sshll.u32 @p0 s4, $0x11  }
0xaa: {  	s5 =	sor.u32 @p0 s6, s5  }
0xab: {  	[sflag:s5] =	ssyncadd.remote.s32 @p0 $0x1;
	_ =	sdelay $0x1  }
0xac: {  	s5 =	simm.s32 @p0 $0x1B8D  }
0xad: {  	_ =	swait.eq @p0 [sflag:s5], $0x1  }
0xae: {  	[sflag:s5] =	ssyncadd.s32 @p0 $0xFFFFFFFF  }
0xaf: {  	s6 =	sshll.u32 @!p0 s1, $0xE  }
0xb0: {  	s6 =	sor.u32 @!p0 $0x4000, s6;
	s5 =	simm.s32 @!p0 $0x1B8D  }
0xb1: {  	s4 =	sshll.u32 @!p0 s4, $0x11;
	s6 =	sadd.s32 @!p0 $0x11B8D, s6;
	_ =	swait.eq @!p0 [sflag:s5], $0x1  }
0xb2: {  	s4 =	sor.u32 @!p0 s4, s6;
	[sflag:s5] =	ssyncadd.s32 @!p0 $0xFFFFFFFF  }
0xb3: {  	s25 =	simm.s32 $0x1B8E;
	s24 =	sld [smem:$0x3FFE];
	[sflag:s4] =	ssyncadd.remote.s32 @!p0 $0x1  }
0xb4: {  	s26 =	simm.s32 $execute0_lowered;
	[smem:$0x3FD2] =	sst s25  }
0xb5: {  	s5 =	sshll.u32 s26, $0x1;
	_ =	strace $0x8000004F;
	[dreg:$0x1] =	wrdreg $0xFFFFFFFF  }
0xb6: {  	s28 =	simm.s32 $_size_execute0_lowered;
	s3 =	sadd.s32 s3, s5;
	[dreg:$0x0] =	wrdreg $0x0  }
0xb7: {  	s5 =	sshll.u32 s28, $0x1;
	[dreg:$0x2] =	wrdreg s3  }
0xb8: {  	[dreg:$0x3] =	wrdreg s5  }
0xb9: {  	[dreg:$0x4] =	wrdreg $0xC0  }
0xba: {  	_ =	task [dreg:s22], $0x5FFFF  }
0xbb: {  	[dreg:$0x1] =	wrdreg $0xFFFFFFFF  }
0xbc: {  	[dreg:$0x0] =	wrdreg $0x60  }
0xbd: {  	[dreg:$0x2] =	wrdreg s24  }
0xbe: {  	[dreg:$0x3] =	wrdreg $0xB  }
0xbf: {  	_ =	task.clear_ibuf [dreg:s22], $0x4FFFF;
	_ =	strace $0x9000004F  }
0xc0: {  	s29 =	simm.s32 $0xB;
	_ =	strace $0x80000051  }
0xc1: {  	_ =	swait.ge [sflag:s29], $0x1  }
0xc2: {  	[sflag:s29] =	ssyncadd.s32 $0xFFFFFFFF  }
0xc3: {  	_ =	strace $0x90000051  }
0xc4: {  	_ =	sfence  }
0xc5: {  	s30 =	sld [smem:$0x0];
	_ =	sdelay $0x2  }
0xc6: {  	s31 =	sshll.u32 s1, $0xD;
	s1 =	sshrl.u32 s1, $0x2  }
0xc7: {  	s4 =	sand.u32 $0x4000, s31;
	s1 =	sadd.s32 s1, s30  }
0xc8: {  	s0 =	sor.u32 s4, s0;
	s1 =	sshll.u32 s1, $0x11  }
0xc9: {  	s0 =	sor.u32 s1, s0  }
0xca: {  	s0 =	sadd.s32 $0x8F2B, s0  }
0xcb: {  	[sflag:s0] =	ssyncadd.remote.s32 $0x1  }
0xcc: {  	_ =	sfence.sel $0xFFFF  }
0xcd: {  	[dreg:$0x0] =	wrdreg $0xFFFFFFFF;
	(pc) =	sbr.abs _section_cstart, $3  }
0xce: {  	[dreg:$0x1] =	wrdreg $0xFFFFFFFF  }
0xcf: {  	_ =	task.clear_ibuf [dreg:s22], $0x2FFFF;
	_ =	strace $0x9FFFFFFF  }
0xd0: {  	(tm) =	ssettm $0x7FFFFFFF  }
0xd1: {  	_ =	shalt  }
tec
execute0_lowered:
.L_overlay_start_1:
0x0: {  	(tag) =	ssettag $0x1  }
0x1: {  	s8 =	rddreg [dreg:$0x0];
	s2 =	srdreg.scid  }
0x2: {  	s1 =	stileid.u32;
	s0 =	rddreg [dreg:$0x1]  }
0x3: {  	s12 =	simm.s32 $0x18800;
	s13 =	simm.s32 $0x19000;
	s14 =	simm.s32 $0x19800  }
0x4: {  	s15 =	simm.s32 $0x1A000;
	s16 =	simm.s32 $0x80;
	s17 =	simm.s32 $0x400  }
0x5: {  	s18 =	simm.s32 $0x0;
	s23 =	simm.s32 $0x0;
	s7 =	sand.u32 $0x1, s2  }
0x6: {  	s3 =	sshll.u32 s1, $0x1;
	s2 =	simm.s32 $0x0;
	s30 =	sshrl.u32 s1, $0x2  }
0x7: {  	s5 =	sadd.s32 $0x1B400, s8;
	s9 =	sor.u32 s7, s3;
	[smem:$0x7FF] =	sst s2  }
0x8: {  	s6 =	smul.u32 $0xC4000, s30;
	s3 =	sadd.s32 $0x31800, s8;
	s4 =	sshll.u32 s9, $0x7  }
0x9: {  	s11 =	ssub.s32 $0x2, s7;
	s7 =	sadd.s32 $0xA00, s8;
	s10 =	sand.u32 $0x380, s4  }
0xa: {  	_ =	strace $0x80000050;
	s31 =	sshrl.u32 s11, $0x1;
	s10 =	sor.u32 s6, s10  }
0xb: {  	s4 =	sadd.s32 $0x62600, s8;
	s11 =	ssub.s32 s11, s31;
	s10 =	sshrl.u32 s10, $0x3  }
0xc: {  	s6 =	sadd.s32 $0x172C00, s8;
	s10 =	sadd.s32 s10, s8;
	s8 =	smul.u32 $0x2EE0, s9  }
0xd: {  	s9 =	sadd.s32 $0x17E800, s10;
	s10 =	smax.u32 s11, $0x1;
	s11 =	simm.s32 $0x1  }
.LBB2_1:
0xe: {  	[tilespmem:s2], [sflag:$0x1] =	stream.linear.gather [hbm4b:s7+s2], $0x18800, $0x38;
	[tilespmem:$0x1A800] =	vst v63  }
0xf: {  	_ =	swait.ge [sflag:s11], $0x18800  }
0x10: {  	[sflag:s11] =	ssyncset.done $0x0  }
0x11: {  	s19 =	simm.s32 $0x0;
	[sflag:s11] =	ssyncadd.s32 $0xFFFE7800  }
.LBB2_2:
0x12: {  	s20 =	smul.u32 $0x7D0, s19;
	_ =	sdelay $0x1  }
0x13: {  	s20 =	sadd.s32 s8, s20  }
0x14: {  	s20 =	sshrl.u32 s20, $0x3  }
0x15: {  	s21 =	sadd.s32 $0x19640, s20  }
0x16: {  	s22 =	sadd.s32 s3, s21  }
0x17: {  	[tilespmem:s12], [sflag:$0x1] =	stream.linear.gather [hbm4b:s22+s23], $0x7D0, $0x38;
	[tilespmem:$0x1A800] =	vst v63  }
0x18: {  	_ =	swait.ge [sflag:s11], $0x7D0  }
0x19: {  	[sflag:s11] =	ssyncset.done $0x0  }
0x1a: {  	s21 =	sadd.s32 s4, s21;
	[sflag:s11] =	ssyncadd.s32 $0xFFFFF830  }
0x1b: {  	[tilespmem:s13], [sflag:$0x1] =	stream.linear.gather [hbm4b:s21+s23], $0x7D0, $0x38;
	[tilespmem:$0x1A800] =	vst v63  }
0x1c: {  	_ =	swait.ge [sflag:s11], $0x7D0  }
0x1d: {  	[sflag:s11] =	ssyncset.done $0x0  }
0x1e: {  	s31 =	sadd.s32 s5, s20;
	[sflag:s11] =	ssyncadd.s32 $0xFFFFF830  }
0x1f: {  	[tilespmem:s14], [sflag:$0x1] =	stream.linear.gather [hbm4b:s31+s23], $0x7D0, $0x38;
	[tilespmem:$0x1A800] =	vst v63  }
0x20: {  	_ =	swait.ge [sflag:s11], $0x7D0  }
0x21: {  	[sflag:s11] =	ssyncset.done $0x0  }
0x22: {  	s20 =	sadd.s32 s6, s20;
	[sflag:s11] =	ssyncadd.s32 $0xFFFFF830  }
0x23: {  	[tilespmem:s15], [sflag:$0x1] =	stream.linear.gather [hbm4b:s20+s23], $0x7D0, $0x38;
	[tilespmem:$0x1A800] =	vst v63  }
0x24: {  	_ =	swait.ge [sflag:s11], $0x7D0  }
0x25: {  	[sflag:s11] =	ssyncset.done $0x0  }
0x26: {  	s21 =	simm.s32 $0x0;
	s20 =	simm.s32 $0x40;
	[sflag:s11] =	ssyncadd.s32 $0xFFFFF830  }
.LBB2_3:
0x27: {  	p0 =	sne.s32 s20, $0x1F00;
	v0 =	vld [tilespmem:s21+$0x18800]  }
0x28: {  	v1 =	vld [tilespmem:s21+$0x19800]  }
0x29: {  	v2 =	vld [tilespmem:s21+$0x19000]  }
0x2a: {  	v3 =	vld [tilespmem:s21+$0x1A000];
	_ =	sdelay $0x1  }
0x2b: {  	v4 =	vadd.s32 $0xC400, v0  }
.Ltmp0:
0x2c: {  	(pc) =	sbr.rel @p0 .LBB2_3-.Ltmp0, $4  }
0x2d: {  	v1 =	vmul.f32 v1, v2  }
0x2e: {  	v2 =	vmul.f32 v3, v2  }
0x2f: {  	[tilespmem:v0+s2+$0x0] =	vst.idx.add.f32.msk $0xffff, v1  }
0x30: {  	s21 =	sshra.s32 s20, $0x2;
	s20 =	sadd.s32 $0x40, s20;
	[tilespmem:v4+s2+$0x0] =	vst.idx.add.f32.msk $0xffff, v2  }
0x31: {  	v0 =	vld [tilespmem:s21+$0x18800]  }
0x32: {  	v1 =	vld [tilespmem:s21+$0x19800]  }
0x33: {  	v2 =	vld [tilespmem:s21+$0x19000]  }
0x34: {  	v3 =	vld [tilespmem:s21+$0x1A000]  }
0x35: {  	s19 =	sadd.s32 $0x1, s19  }
0x36: {  	p0 =	sne.s32 s19, $0x6;
	v4 =	vadd.s32 $0xC400, v0  }
.Ltmp1:
0x37: {  	_ = 	snop;
	(pc) =	sbr.rel @p0 .LBB2_2-.Ltmp1, $4  }
0x38: {  	v1 =	vmul.f32 v1, v2  }
0x39: {  	v2 =	vmul.f32 v3, v2  }
0x3a: {  	[tilespmem:v0+s2+$0x0] =	vst.idx.add.f32.msk $0xffff, v1  }
0x3b: {  	[tilespmem:v4+s2+$0x0] =	vst.idx.add.f32.msk $0xffff, v2  }
0x3c: {  	s18 =	sadd.s32 $0x1, s18  }
0x3d: {  	p0 =	sne.s32 s18, s10  }
.Ltmp2:
0x3e: {  	_ = 	snop;
	(pc) =	sbr.rel @p0 .LBB2_1-.Ltmp2, $4  }
0x3f: {  	[hbm4b:s9+s16] =	stream.strided.scatter [tilespmem:s2], [sflag:$0x1], $0x18800, s17, s16, $0x38;
	[tilespmem:$0x1A800] =	vst v63  }
0x40: {  	_ =	swait.ge [sflag:s11], $0x18800  }
0x41: {  	[sflag:s11] =	ssyncset.done $0x0  }
0x42: {  	[sflag:s11] =	ssyncadd.s32 $0xFFFE7800  }
0x43: {  	_ =	sfence.sel $0x180000  }
0x44: {  	[bflag:$0x0] =	sbarrier.arrive $0xFFFF  }
0x45: {  	p0 =	sne.s32 s1, $0x0;
	_ =	strace $0x90000050  }
0x46: {  	s0 =	sadd.s32 @!p0 $0x100000, s0;
	[bflag:$0x2] =	sbarrier.arrive $0xFFFF  }
0x47: {  	[sflag:s0] =	ssyncadd.tile.s32 @!p0 $0x1;
	_ =	shalt  }
.Lfunc_end2:
_tile_overlayer_lowered:
.L_overlay_start_2:
0x48: {  	(tag) =	ssettag $0x2  }
0x49: {  	s0 =	rddreg [dreg:$0x0];
	s2 =	stileid.u32  }
0x4a: {  	s1 =	rddreg [dreg:$0x1];
	p0 =	sne.s32 s2, $0x0  }
0x4b: {  	s3 =	rddreg [dreg:$0x2];
	[bflag:$0x3] =	sbarrier.arrive $0xFFFF;
	s2 =	simm.s32 @!p0 $0x1C01  }
0x4c: {  	[timem:s3], [sflag:s2] =	dma.local @!p0 [hbm:s0], s1  }
0x4d: {  	s0 =	simm.s32 @!p0 $0x1  }
0x4e: {  	_ =	swait.ge @!p0 [sflag:s0], s1  }
0x4f: {  	s1 =	ssub.s32 @!p0 $0x0, s1;
	[sflag:s0] =	ssyncset.done @!p0 $0x0  }
0x50: {  	[sflag:s0] =	ssyncadd.s32 @!p0 s1  }
0x51: {  	[bflag:$0x3] =	sbarrier.arrive $0xFFFF  }
0x52: {  	_ =	shalt  }

// kernel: kernel.24.cloned.1.call-start
scs
__scs_entry_jumppad:
0x0: {  	(pc) =	sbr.rel $0x88, $3  }
0x1: {  	(tag) =	ssettag $0x0;
	lr =	simm.s32 $0x1  }
0x2: {  	[smem:$0x3F98] =	sst lr;
	_ =	strace $0xD0000000  }
0x3: {  	_ = 	snop  }
0x4: {  	_ = 	snop  }
0x5: {  	_ = 	snop  }
0x6: {  	_ = 	snop  }
0x7: {  	_ = 	snop  }
__scs_overlays_trampoline_lowered:
0x8: {  	[smem:$0x3FA7] =	sst s0  }
0x9: {  	[smem:$0x3FA8] =	sst s1  }
0xa: {  	[smem:$0x3FA9] =	sst s2  }
0xb: {  	[smem:$0x3FAA] =	sst s3  }
0xc: {  	[smem:$0x3FAB] =	sst s4  }
0xd: {  	[smem:$0x3FAC] =	sst s5  }
0xe: {  	[smem:$0x3FAD] =	sst s6  }
0xf: {  	[smem:$0x3FAE] =	sst s7  }
0x10: {  	[smem:$0x3FAF] =	sst s8  }
0x11: {  	[smem:$0x3FB0] =	sst s9;
	s0 =	simm.s32 @!p0 $0x0  }
0x12: {  	s1 =	sld [smem:$0x3F96];
	s0 =	simm.s32 @p0 $0x1  }
0x13: {  	[smem:$0x3FB1] =	sst s0;
	s0 =	simm.s32 @!p1 $0x0  }
0x14: {  	s2 =	sld [smem:$0x3F95];
	s0 =	simm.s32 @p1 $0x1  }
0x15: {  	[smem:$0x3FB2] =	sst s0;
	s0 =	simm.s32 @!p2 $0x0  }
0x16: {  	s3 =	sld [smem:$0x3FDB];
	s0 =	simm.s32 @p2 $0x1  }
0x17: {  	s4 =	simm.s32 $0x1BF5;
	[smem:$0x3FB4] =	sst s0  }
0x18: {  	s0 =	sld [smem:$0x3F97];
	_ =	swait.ge [sflag:s4], $0x0  }
0x19: {  	s7 =	sld [smem:$0x3F98]  }
0x1a: {  	s8 =	sadd.s32 $0xFFFFE003, lr  }
0x1b: {  	s9 =	sadd.s32 $0xFFFFFEF7, lr;
	s5 =	simm.s32 $0xFFFFFFFF;
	p2 =	slt.u32 s8, $0xFFFFF086  }
0x1c: {  	p1 =	slt.u32 s9, $0xF7A;
	s5 =	simm.s32 @!p2 $0x0  }
0x1d: {  	s5 =	simm.s32 @p1 $0x1;
	p0 =	seq.s32 s7, s2  }
0x1e: {  	s7 =	smul.u32 @!p0 $0xF7A, s2;
	p2 =	seq.s32 @!p0 s5, $0x0  }
0x1f: {  	s9 =	smul.u32 $0xF7A, s1;
	s8 =	simm.s32 @!p0 $0x1BF5;
	p2 =	por !p2, p0  }
0x20: {  	[sflag:s8] =	ssyncset.s32 @!p0 $0xFFFFF086;
	s6 =	sadd.s32 @!p0 s3, s7;
	s7 =	simm.s32 @!p0 $0x108  }
0x21: {  	s3 =	sadd.s32 s3, s9;
	s6 =	sadd.s32 @!p0 $0x88, s6;
	s7 =	simm.s32 @p2 $0x1082  }
0x22: {  	[simem:s7], [sflag:s8] =	dma.local @!p0 [hbm:s6], $0xF7A  }
0x23: {  	s9 =	sor.u32 $0xD0000000, s2;
	s6 =	simm.s32 $0x108;
	_ =	swait.ge @!p0 [sflag:s8], $0x0  }
0x24: {  	s3 =	sadd.s32 $0x88, s3;
	s6 =	simm.s32 @!p1 $0x1082;
	[sflag:s4] =	ssyncset.s32 $0xFFFFF086  }
0x25: {  	[simem:s6], [sflag:s4] =	dma.local [hbm:s3], $0xF7A  }
0x26: {  	[smem:$0x3F98] =	sst s1;
	(tag) =	ssettag s2;
	_ =	strace s9  }
0x27: {  	s1 =	sld [smem:$0x3FA8]  }
0x28: {  	s2 =	sld [smem:$0x3FA9]  }
0x29: {  	s4 =	sld [smem:$0x3FAB]  }
0x2a: {  	p0 =	seq.s32 s5, $0x0;
	s5 =	sld [smem:$0x3FAC]  }
0x2b: {  	s6 =	sld [smem:$0x3FAD]  }
0x2c: {  	s7 =	sld [smem:$0x3FAE]  }
0x2d: {  	s3 =	simm.s32 $0x108;
	s8 =	sld [smem:$0x3FAF]  }
0x2e: {  	s3 =	simm.s32 @!p0 $0x1082;
	s9 =	sld [smem:$0x3FB0]  }
0x2f: {  	lr =	sadd.s32 s0, s3;
	s0 =	sld [smem:$0x3FA7]  }
0x30: {  	s3 =	sld [smem:$0x3FAA]  }
0x31: {  	[smem:$0x3FB3] =	sst s10  }
0x32: {  	s10 =	sld [smem:$0x3FB1];
	_ =	sdelay $0x3  }
0x33: {  	p0 =	seq.s32 s10, $0x1;
	s10 =	sld [smem:$0x3FB3];
	_ =	sdelay $0x3  }
0x34: {  	[smem:$0x3FB3] =	sst s10  }
0x35: {  	s10 =	sld [smem:$0x3FB2];
	_ =	sdelay $0x3  }
0x36: {  	p1 =	seq.s32 s10, $0x1;
	s10 =	sld [smem:$0x3FB3];
	_ =	sdelay $0x3  }
0x37: {  	[smem:$0x3FB3] =	sst s10  }
0x38: {  	s10 =	sld [smem:$0x3FB4]  }
0x39: {  	_ = 	snop;
	(pc) =	sbr.ind lr, $3  }
0x3a: {  	_ = 	snop  }
0x3b: {  	_ = 	snop  }
0x3c: {  	p2 =	seq.s32 s10, $0x1;
	s10 =	sld [smem:$0x3FB3]  }
0x3d: {  	_ =	shalt  }
0x3e: {  	_ =	shalt  }
0x3f: {  	_ =	shalt  }
0x40: {  	_ =	shalt  }
0x41: {  	_ =	shalt  }
0x42: {  	_ =	shalt  }
0x43: {  	_ =	shalt  }
0x44: {  	_ =	shalt  }
0x45: {  	_ =	shalt  }
0x46: {  	_ =	shalt  }
0x47: {  	_ =	shalt  }
0x48: {  	_ =	shalt  }
0x49: {  	_ =	shalt  }
0x4a: {  	_ =	shalt  }
0x4b: {  	_ =	shalt  }
0x4c: {  	_ =	shalt  }
0x4d: {  	_ =	shalt  }
0x4e: {  	_ =	shalt  }
0x4f: {  	_ =	shalt  }
0x50: {  	_ =	shalt  }
0x51: {  	_ =	shalt  }
0x52: {  	_ =	shalt  }
0x53: {  	_ =	shalt  }
0x54: {  	_ =	shalt  }
0x55: {  	_ =	shalt  }
0x56: {  	_ =	shalt  }
0x57: {  	_ =	shalt  }
0x58: {  	_ =	shalt  }
0x59: {  	_ =	shalt  }
0x5a: {  	_ =	shalt  }
0x5b: {  	_ =	shalt  }
0x5c: {  	_ =	shalt  }
0x5d: {  	_ =	shalt  }
0x5e: {  	_ =	shalt  }
0x5f: {  	_ =	shalt  }
0x60: {  	_ =	shalt  }
0x61: {  	_ =	shalt  }
0x62: {  	_ =	shalt  }
0x63: {  	_ =	shalt  }
0x64: {  	_ =	shalt  }
0x65: {  	_ =	shalt  }
0x66: {  	_ =	shalt  }
0x67: {  	_ =	shalt  }
0x68: {  	_ =	shalt  }
0x69: {  	_ =	shalt  }
0x6a: {  	_ =	shalt  }
0x6b: {  	_ =	shalt  }
0x6c: {  	_ =	shalt  }
0x6d: {  	_ =	shalt  }
0x6e: {  	_ =	shalt  }
0x6f: {  	_ =	shalt  }
0x70: {  	_ =	shalt  }
0x71: {  	_ =	shalt  }
0x72: {  	_ =	shalt  }
0x73: {  	_ =	shalt  }
0x74: {  	_ =	shalt  }
0x75: {  	_ =	shalt  }
0x76: {  	_ =	shalt  }
0x77: {  	_ =	shalt  }
0x78: {  	_ =	shalt  }
0x79: {  	_ =	shalt  }
0x7a: {  	_ =	shalt  }
0x7b: {  	_ =	shalt  }
0x7c: {  	_ =	shalt  }
0x7d: {  	_ =	shalt  }
0x7e: {  	_ =	shalt  }
0x7f: {  	_ =	shalt  }
0x80: {  	_ =	shalt  }
0x81: {  	_ =	shalt  }
0x82: {  	_ =	shalt  }
0x83: {  	_ =	shalt  }
0x84: {  	_ =	shalt  }
0x85: {  	_ =	shalt  }
0x86: {  	_ =	shalt  }
0x87: {  	_ =	shalt  }
.Lfunc_end0:
.L_simem_size_0:
called_computation.4_lowered:
.L_overlay_start_0:
0x88: {  	s2 =	sld [smem:$0x3FD9]  }
0x89: {  	s3 =	sld [smem:$0x3FFE];
	_ =	sdelay $0x1  }
0x8a: {  	s1 =	srdreg.scid  }
0x8b: {  	s0 =	sand.u32 $0x1, s1  }
0x8c: {  	s17 =	sshll.u32 s0, $0xA;
	s2 =	sadd.s32 s3, s2  }
0x8d: {  	s2 =	sadd.s32 s2, s17  }
0x8e: {  	[smem:$0x3FBF] =	sst s2  }
0x8f: {  	_ = 	snop  }
0x90: {  	(tm) =	ssettm $0x1  }
0x91: {  	s18 =	sld [smem:$0x3FFB];
	_ =	sdelay $0x3  }
0x92: {  	_ =	strace s18  }
0x93: {  	s2 =	sld [smem:$0x3FFC];
	_ =	sdelay $0x3  }
0x94: {  	_ =	strace s2  }
0x95: {  	s2 =	sld [smem:$0x3FFD];
	_ =	sdelay $0x3  }
0x96: {  	_ =	strace s2  }
0x97: {  	_ =	strace $0x8FFFFFFF  }
0x98: {  	s19 =	sld [smem:$0x3FDB];
	_ =	sdelay $0x1  }
0x99: {  	s20 =	simm.s32 $_scs_section_size  }
0x9a: {  	s4 =	simm.s32 $_size__tile_overlayer_lowered;
	s5 =	simm.s32 $_tile_overlayer_lowered  }
0x9b: {  	s6 =	simm.s32 $0x1BFF;
	s21 =	sshll.u32 s5, $0x1;
	s3 =	sadd.s32 s20, s19  }
0x9c: {  	s22 =	simm.s32 $0x0;
	s4 =	sshll.u32 s4, $0x1;
	s5 =	sadd.s32 s21, s3  }
0x9d: {  	[timem:s22], [sflag:s6] =	dma.local [hbm:s5], s4  }
0x9e: {  	_ =	swait.ge [sflag:s6], s4  }
0x9f: {  	s4 =	ssub.s32 $0x0, s4;
	[sflag:s6] =	ssyncset.done $0x0  }
0xa0: {  	[sflag:s6] =	ssyncadd.s32 s4;
	_ =	sdelay $0x1  }
0xa1: {  	s23 =	simm.s32 $0x1B8B  }
0xa2: {  	_ =	swait.ge [sflag:s23], $0x1  }
0xa3: {  	[sflag:s23] =	ssyncset.done $0x0  }
0xa4: {  	[sflag:s23] =	ssyncadd.s32 $0xFFFFFFFF  }
0xa5: {  	s4 =	sld [smem:$0x0]  }
0xa6: {  	s5 =	sand.u32 $0xFFFFFFFE, s1  }
0xa7: {  	p0 =	sne.s32 s1, s5  }
0xa8: {  	s5 =	sshll.u32 @p0 s5, $0xE  }
0xa9: {  	s5 =	sadd.s32 @p0 $0x11B8D, s5;
	s6 =	sshll.u32 @p0 s4, $0x11  }
0xaa: {  	s5 =	sor.u32 @p0 s6, s5  }
0xab: {  	[sflag:s5] =	ssyncadd.remote.s32 @p0 $0x1;
	_ =	sdelay $0x1  }
0xac: {  	s5 =	simm.s32 @p0 $0x1B8D  }
0xad: {  	_ =	swait.eq @p0 [sflag:s5], $0x1  }
0xae: {  	[sflag:s5] =	ssyncadd.s32 @p0 $0xFFFFFFFF  }
0xaf: {  	s6 =	sshll.u32 @!p0 s1, $0xE  }
0xb0: {  	s6 =	sor.u32 @!p0 $0x4000, s6;
	s5 =	simm.s32 @!p0 $0x1B8D  }
0xb1: {  	s4 =	sshll.u32 @!p0 s4, $0x11;
	s6 =	sadd.s32 @!p0 $0x11B8D, s6;
	_ =	swait.eq @!p0 [sflag:s5], $0x1  }
0xb2: {  	s4 =	sor.u32 @!p0 s4, s6;
	[sflag:s5] =	ssyncadd.s32 @!p0 $0xFFFFFFFF  }
0xb3: {  	s25 =	simm.s32 $0x1B8E;
	s24 =	sld [smem:$0x3FFE];
	[sflag:s4] =	ssyncadd.remote.s32 @!p0 $0x1  }
0xb4: {  	s26 =	simm.s32 $execute0_lowered;
	[smem:$0x3FD2] =	sst s25  }
0xb5: {  	s5 =	sshll.u32 s26, $0x1;
	_ =	strace $0x80000052;
	[dreg:$0x1] =	wrdreg $0xFFFFFFFF  }
0xb6: {  	s28 =	simm.s32 $_size_execute0_lowered;
	s3 =	sadd.s32 s3, s5;
	[dreg:$0x0] =	wrdreg $0x0  }
0xb7: {  	s5 =	sshll.u32 s28, $0x1;
	[dreg:$0x2] =	wrdreg s3  }
0xb8: {  	[dreg:$0x3] =	wrdreg s5  }
0xb9: {  	[dreg:$0x4] =	wrdreg $0xC0  }
0xba: {  	_ =	task [dreg:s22], $0x5FFFF  }
0xbb: {  	[dreg:$0x1] =	wrdreg $0xFFFFFFFF  }
0xbc: {  	[dreg:$0x0] =	wrdreg $0x60  }
0xbd: {  	[dreg:$0x2] =	wrdreg s24  }
0xbe: {  	[dreg:$0x3] =	wrdreg $0xC  }
0xbf: {  	_ =	task.clear_ibuf [dreg:s22], $0x4FFFF;
	_ =	strace $0x90000052  }
0xc0: {  	s29 =	simm.s32 $0xC;
	_ =	strace $0x80000054  }
0xc1: {  	_ =	swait.ge [sflag:s29], $0x1  }
0xc2: {  	[sflag:s29] =	ssyncadd.s32 $0xFFFFFFFF  }
0xc3: {  	_ =	strace $0x90000054  }
0xc4: {  	_ =	sfence  }
0xc5: {  	s30 =	sld [smem:$0x0];
	_ =	sdelay $0x2  }
0xc6: {  	s31 =	sshll.u32 s1, $0xD;
	s1 =	sshrl.u32 s1, $0x2  }
0xc7: {  	s4 =	sand.u32 $0x4000, s31;
	s1 =	sadd.s32 s1, s30  }
0xc8: {  	s0 =	sor.u32 s4, s0;
	s1 =	sshll.u32 s1, $0x11  }
0xc9: {  	s0 =	sor.u32 s1, s0  }
0xca: {  	s0 =	sadd.s32 $0x8F2B, s0  }
0xcb: {  	[sflag:s0] =	ssyncadd.remote.s32 $0x1  }
0xcc: {  	_ =	sfence.sel $0xFFFF  }
0xcd: {  	[dreg:$0x0] =	wrdreg $0xFFFFFFFF;
	(pc) =	sbr.abs _section_cstart, $3  }
0xce: {  	[dreg:$0x1] =	wrdreg $0xFFFFFFFF  }
0xcf: {  	_ =	task.clear_ibuf [dreg:s22], $0x2FFFF;
	_ =	strace $0x9FFFFFFF  }
0xd0: {  	(tm) =	ssettm $0x7FFFFFFF  }
0xd1: {  	_ =	shalt  }
tec
execute0_lowered:
.L_overlay_start_1:
0x0: {  	(tag) =	ssettag $0x1  }
0x1: {  	s8 =	rddreg [dreg:$0x0];
	s2 =	srdreg.scid  }
0x2: {  	s1 =	stileid.u32;
	s0 =	rddreg [dreg:$0x1]  }
0x3: {  	s12 =	simm.s32 $0x18800;
	s13 =	simm.s32 $0x19000;
	s14 =	simm.s32 $0x19800  }
0x4: {  	s15 =	simm.s32 $0x1A000;
	s16 =	simm.s32 $0x80;
	s17 =	simm.s32 $0x400  }
0x5: {  	s18 =	simm.s32 $0x0;
	s23 =	simm.s32 $0x0;
	s7 =	sand.u32 $0x1, s2  }
0x6: {  	s3 =	sshll.u32 s1, $0x1;
	s2 =	simm.s32 $0x0;
	s30 =	sshrl.u32 s1, $0x2  }
0x7: {  	s5 =	sadd.s32 $0x1E0800, s8;
	s9 =	sor.u32 s7, s3;
	[smem:$0x7FF] =	sst s2  }
0x8: {  	s6 =	smul.u32 $0xC4000, s30;
	s3 =	sadd.s32 $0x31800, s8;
	s4 =	sshll.u32 s9, $0x7  }
0x9: {  	s11 =	ssub.s32 $0x2, s7;
	s7 =	sadd.s32 $0xA00, s8;
	s10 =	sand.u32 $0x380, s4  }
0xa: {  	_ =	strace $0x80000053;
	s31 =	sshrl.u32 s11, $0x1;
	s10 =	sor.u32 s6, s10  }
0xb: {  	s4 =	sadd.s32 $0x62600, s8;
	s11 =	ssub.s32 s11, s31;
	s10 =	sshrl.u32 s10, $0x3  }
0xc: {  	s6 =	sadd.s32 $0x1EC400, s8;
	s10 =	sadd.s32 s10, s8;
	s8 =	smul.u32 $0x2EE0, s9  }
0xd: {  	s9 =	sadd.s32 $0x1F8000, s10;
	s10 =	smax.u32 s11, $0x1;
	s11 =	simm.s32 $0x1  }
.LBB2_1:
0xe: {  	[tilespmem:s2], [sflag:$0x1] =	stream.linear.gather [hbm4b:s7+s2], $0x18800, $0x38;
	[tilespmem:$0x1A800] =	vst v63  }
0xf: {  	_ =	swait.ge [sflag:s11], $0x18800  }
0x10: {  	[sflag:s11] =	ssyncset.done $0x0  }
0x11: {  	s19 =	simm.s32 $0x0;
	[sflag:s11] =	ssyncadd.s32 $0xFFFE7800  }
.LBB2_2:
0x12: {  	s20 =	smul.u32 $0x7D0, s19;
	_ =	sdelay $0x1  }
0x13: {  	s20 =	sadd.s32 s8, s20  }
0x14: {  	s20 =	sshrl.u32 s20, $0x3  }
0x15: {  	s21 =	sadd.s32 $0x251C0, s20  }
0x16: {  	s22 =	sadd.s32 s3, s21  }
0x17: {  	[tilespmem:s12], [sflag:$0x1] =	stream.linear.gather [hbm4b:s22+s23], $0x7D0, $0x38;
	[tilespmem:$0x1A800] =	vst v63  }
0x18: {  	_ =	swait.ge [sflag:s11], $0x7D0  }
0x19: {  	[sflag:s11] =	ssyncset.done $0x0  }
0x1a: {  	s21 =	sadd.s32 s4, s21;
	[sflag:s11] =	ssyncadd.s32 $0xFFFFF830  }
0x1b: {  	[tilespmem:s13], [sflag:$0x1] =	stream.linear.gather [hbm4b:s21+s23], $0x7D0, $0x38;
	[tilespmem:$0x1A800] =	vst v63  }
0x1c: {  	_ =	swait.ge [sflag:s11], $0x7D0  }
0x1d: {  	[sflag:s11] =	ssyncset.done $0x0  }
0x1e: {  	s31 =	sadd.s32 s5, s20;
	[sflag:s11] =	ssyncadd.s32 $0xFFFFF830  }
0x1f: {  	[tilespmem:s14], [sflag:$0x1] =	stream.linear.gather [hbm4b:s31+s23], $0x7D0, $0x38;
	[tilespmem:$0x1A800] =	vst v63  }
0x20: {  	_ =	swait.ge [sflag:s11], $0x7D0  }
0x21: {  	[sflag:s11] =	ssyncset.done $0x0  }
0x22: {  	s20 =	sadd.s32 s6, s20;
	[sflag:s11] =	ssyncadd.s32 $0xFFFFF830  }
0x23: {  	[tilespmem:s15], [sflag:$0x1] =	stream.linear.gather [hbm4b:s20+s23], $0x7D0, $0x38;
	[tilespmem:$0x1A800] =	vst v63  }
0x24: {  	_ =	swait.ge [sflag:s11], $0x7D0  }
0x25: {  	[sflag:s11] =	ssyncset.done $0x0  }
0x26: {  	s21 =	simm.s32 $0x0;
	s20 =	simm.s32 $0x40;
	[sflag:s11] =	ssyncadd.s32 $0xFFFFF830  }
.LBB2_3:
0x27: {  	p0 =	sne.s32 s20, $0x1F00;
	v0 =	vld [tilespmem:s21+$0x18800]  }
0x28: {  	v1 =	vld [tilespmem:s21+$0x19800]  }
0x29: {  	v2 =	vld [tilespmem:s21+$0x19000]  }
0x2a: {  	v3 =	vld [tilespmem:s21+$0x1A000];
	_ =	sdelay $0x1  }
0x2b: {  	v4 =	vadd.s32 $0xC400, v0  }
.Ltmp0:
0x2c: {  	(pc) =	sbr.rel @p0 .LBB2_3-.Ltmp0, $4  }
0x2d: {  	v1 =	vmul.f32 v1, v2  }
0x2e: {  	v2 =	vmul.f32 v3, v2  }
0x2f: {  	[tilespmem:v0+s2+$0x0] =	vst.idx.add.f32.msk $0xffff, v1  }
0x30: {  	s21 =	sshra.s32 s20, $0x2;
	s20 =	sadd.s32 $0x40, s20;
	[tilespmem:v4+s2+$0x0] =	vst.idx.add.f32.msk $0xffff, v2  }
0x31: {  	v0 =	vld [tilespmem:s21+$0x18800]  }
0x32: {  	v1 =	vld [tilespmem:s21+$0x19800]  }
0x33: {  	v2 =	vld [tilespmem:s21+$0x19000]  }
0x34: {  	v3 =	vld [tilespmem:s21+$0x1A000]  }
0x35: {  	s19 =	sadd.s32 $0x1, s19  }
0x36: {  	p0 =	sne.s32 s19, $0x6;
	v4 =	vadd.s32 $0xC400, v0  }
.Ltmp1:
0x37: {  	_ = 	snop;
	(pc) =	sbr.rel @p0 .LBB2_2-.Ltmp1, $4  }
0x38: {  	v1 =	vmul.f32 v1, v2  }
0x39: {  	v2 =	vmul.f32 v3, v2  }
0x3a: {  	[tilespmem:v0+s2+$0x0] =	vst.idx.add.f32.msk $0xffff, v1  }
0x3b: {  	[tilespmem:v4+s2+$0x0] =	vst.idx.add.f32.msk $0xffff, v2  }
0x3c: {  	s18 =	sadd.s32 $0x1, s18  }
0x3d: {  	p0 =	sne.s32 s18, s10  }
.Ltmp2:
0x3e: {  	_ = 	snop;
	(pc) =	sbr.rel @p0 .LBB2_1-.Ltmp2, $4  }
0x3f: {  	[hbm4b:s9+s16] =	stream.strided.scatter [tilespmem:s2], [sflag:$0x1], $0x18800, s17, s16, $0x38;
	[tilespmem:$0x1A800] =	vst v63  }
0x40: {  	_ =	swait.ge [sflag:s11], $0x18800  }
0x41: {  	[sflag:s11] =	ssyncset.done $0x0  }
0x42: {  	[sflag:s11] =	ssyncadd.s32 $0xFFFE7800  }
0x43: {  	_ =	sfence.sel $0x180000  }
0x44: {  	[bflag:$0x0] =	sbarrier.arrive $0xFFFF  }
0x45: {  	p0 =	sne.s32 s1, $0x0;
	_ =	strace $0x90000053  }
0x46: {  	s0 =	sadd.s32 @!p0 $0x100000, s0;
	[bflag:$0x2] =	sbarrier.arrive $0xFFFF  }
0x47: {  	[sflag:s0] =	ssyncadd.tile.s32 @!p0 $0x1;
	_ =	shalt  }
.Lfunc_end2:
_tile_overlayer_lowered:
.L_overlay_start_2:
0x48: {  	(tag) =	ssettag $0x2  }
0x49: {  	s0 =	rddreg [dreg:$0x0];
	s2 =	stileid.u32  }
0x4a: {  	s1 =	rddreg [dreg:$0x1];
	p0 =	sne.s32 s2, $0x0  }
0x4b: {  	s3 =	rddreg [dreg:$0x2];
	[bflag:$0x3] =	sbarrier.arrive $0xFFFF;
	s2 =	simm.s32 @!p0 $0x1C01  }
0x4c: {  	[timem:s3], [sflag:s2] =	dma.local @!p0 [hbm:s0], s1  }
0x4d: {  	s0 =	simm.s32 @!p0 $0x1  }
0x4e: {  	_ =	swait.ge @!p0 [sflag:s0], s1  }
0x4f: {  	s1 =	ssub.s32 @!p0 $0x0, s1;
	[sflag:s0] =	ssyncset.done @!p0 $0x0  }
0x50: {  	[sflag:s0] =	ssyncadd.s32 @!p0 s1  }
0x51: {  	[bflag:$0x3] =	sbarrier.arrive $0xFFFF  }
0x52: {  	_ =	shalt  }

</sc_bundles>
